<compile_context>
chip_gen: v7x
topology: tpu7x:2x2x1
jax: 0.10.2.dev20260603
libtpu: 0.0.44.dev20260713+nightly
codegen_flags: <defaults>
</compile_context>

<pallas_src>
import dataclasses
import functools

import jax
import jax.numpy as jnp
from jax import lax
from jax.experimental import pallas as pl
from jax.experimental.pallas import tpu as pltpu
from jax.experimental.pallas import tpu_sc as plsc

N = 10000
E = 320000
D = 128
NC = 2
NS = 16
NW = NC * NS
RW = 79
EP = NW * RW * 128
CHUNK = 640
NPAD = NS * CHUNK

_f32 = jnp.float32
_mesh = lambda: plsc.VectorSubcoreMesh(core_axis_name="c", subcore_axis_name="s")


def _sc_params():
    cp = pltpu.CompilerParams()
    if "needs_layout_passes" in pltpu.CompilerParams.__dataclass_fields__:
        cp = dataclasses.replace(cp, needs_layout_passes=False)
    return cp


def _fill(ref, value):
    v = jnp.full((16,), value, _f32)

    @pl.loop(0, ref.shape[0], step=16)
    def _(i):
        ref[pl.ds(i, 16)] = v


def _pipe_scatter_ones(idx_v, nrows, acc, ones_v, sems):
    for b in range(4):
        pltpu.async_copy(ones_v, acc.at[idx_v.at[b]], sems[b], add=True)

    @pl.loop(0, nrows - 3, step=4)
    def _(j):
        for b in range(4):
            jj = j + b
            pltpu.make_async_copy(ones_v, acc.at[idx_v.at[jj]],
                                  sems[b]).wait()

            @pl.when(jj + 4 < nrows)
            def _():
                pltpu.async_copy(ones_v, acc.at[idx_v.at[jj + 4]],
                                 sems[b], add=True)

    for b in range(nrows % 4):
        pltpu.make_async_copy(ones_v,
                              acc.at[idx_v.at[nrows - nrows % 4 + b]],
                              sems[b]).wait()


def _reg_gather_row(dst_v, jj, prev_v, out_buf):

    @pl.loop(0, 128, step=16)
    def _(k):
        idx16 = dst_v[jj, pl.ds(k, 16)]
        out_buf[pl.ds(k, 16)] = plsc.load_gather(prev_v, [idx16])


def _pipe_gather_scatter(dst_v, src_v, src_base, prev_v, acc_new, vals,
                         ssems):
    for b in range(4):
        _reg_gather_row(dst_v, b, prev_v, vals[b])
        pltpu.async_copy(vals[b], acc_new.at[src_v.at[src_base + b]],
                         ssems[b], add=True)

    @pl.loop(4, RW - 3, step=4)
    def _(j):
        for b in range(4):
            jj = j + b
            pltpu.make_async_copy(vals[b], acc_new.at[src_v.at[src_base + jj]],
                                  ssems[b]).wait()
            _reg_gather_row(dst_v, jj, prev_v, vals[b])
            pltpu.async_copy(vals[b], acc_new.at[src_v.at[src_base + jj]],
                             ssems[b], add=True)

    for b in range(RW % 4):
        jj = RW - RW % 4 + b
        pltpu.make_async_copy(vals[b], acc_new.at[src_v.at[src_base + jj]],
                              ssems[b]).wait()
        _reg_gather_row(dst_v, jj, prev_v, vals[b])
        pltpu.async_copy(vals[b], acc_new.at[src_v.at[src_base + jj]],
                         ssems[b], add=True)

    for b in range(4):
        jj = ((RW - 1 - b) // 4) * 4 + b
        pltpu.make_async_copy(vals[b], acc_new.at[src_v.at[src_base + jj]],
                              ssems[b]).wait()


def _sc_first(srcr, dstr):

    @functools.partial(
        pl.kernel,
        out_type=[jax.ShapeDtypeStruct((NC, NPAD), _f32),
                  jax.ShapeDtypeStruct((NPAD,), _f32)],
        mesh=_mesh(),
        compiler_params=_sc_params(),
        scratch_types=[
            pltpu.VMEM((2 * RW, 128), jnp.int32),
            pltpu.VMEM((RW, 128), jnp.int32),
            pltpu.VMEM((NPAD,), _f32),
            pltpu.VMEM((128,), _f32),
            pltpu.VMEM((128,), _f32),
            pltpu.VMEM((128,), _f32),
            pltpu.VMEM((128,), _f32),
            pltpu.VMEM((128,), _f32),
            pltpu.VMEM((CHUNK,), _f32),
            pltpu.VMEM((CHUNK,), _f32),
            pltpu.VMEM_SHARED((NPAD,), _f32),
            pltpu.VMEM_SHARED((NPAD,), _f32),
            pltpu.SemaphoreType.DMA,
            pltpu.SemaphoreType.DMA,
            pltpu.SemaphoreType.DMA,
            pltpu.SemaphoreType.DMA,
            pltpu.SemaphoreType.DMA,
            pltpu.SemaphoreType.DMA,
            pltpu.SemaphoreType.DMA,
            pltpu.SemaphoreType.DMA,
        ],
    )
    def k(srcr_hbm, dstr_hbm, p2_hbm, u3_hbm,
          src_v, dst_v, prev_v, ones_v, v0, v1, v2, v3, tmp_v, tmp2_v,
          acc3, acc2, *sems):
        vals = (v0, v1, v2, v3)
        gsems, ssems = sems[:4], sems[4:]
        c = lax.axis_index("c")
        s = lax.axis_index("s")
        sl = pl.ds(s * CHUNK, CHUNK)

        pltpu.sync_copy(srcr_hbm.at[s], src_v)
        dst_dma = pltpu.async_copy(dstr_hbm.at[2 * s + c], dst_v, ssems[0])
        _fill(ones_v, 1.0)
        _fill(tmp_v, 1.0)
        pltpu.sync_copy(tmp_v, acc3.at[sl])
        plsc.subcore_barrier()

        _pipe_scatter_ones(src_v, 2 * RW, acc3, ones_v, gsems)
        dst_dma.wait()
        plsc.subcore_barrier()

        prev_dma = pltpu.async_copy(acc3, prev_v, gsems[1])

        @pl.when(c == 0)
        def _():
            pltpu.sync_copy(acc3.at[sl], tmp_v)
            pltpu.sync_copy(tmp_v, acc2.at[sl])

        @pl.when(c != 0)
        def _():
            _fill(tmp2_v, 0.0)
            pltpu.sync_copy(tmp2_v, acc2.at[sl])

        prev_dma.wait()
        plsc.subcore_barrier()
        _pipe_gather_scatter(dst_v, src_v, c * RW, prev_v, acc2, vals,
                             ssems)
        plsc.subcore_barrier()

        pltpu.sync_copy(acc2.at[sl], tmp_v)
        p2_dma = pltpu.async_copy(tmp_v, p2_hbm.at[c].at[sl], gsems[2])

        @pl.when(c == 0)
        def _():
            pltpu.sync_copy(acc3.at[sl], tmp2_v)
            pltpu.sync_copy(tmp2_v, u3_hbm.at[sl])

        p2_dma.wait()

    return k(srcr, dstr)


def _sc_second(p_prev, srcr, dstr):

    @functools.partial(
        pl.kernel,
        out_type=jax.ShapeDtypeStruct((NC, NPAD), _f32),
        mesh=_mesh(),
        compiler_params=_sc_params(),
        scratch_types=[
            pltpu.VMEM((RW, 128), jnp.int32),
            pltpu.VMEM((RW, 128), jnp.int32),
            pltpu.VMEM((NPAD,), _f32),
            pltpu.VMEM((128,), _f32),
            pltpu.VMEM((128,), _f32),
            pltpu.VMEM((128,), _f32),
            pltpu.VMEM((128,), _f32),
            pltpu.VMEM((CHUNK,), _f32),
            pltpu.VMEM((CHUNK,), _f32),
            pltpu.VMEM_SHARED((NPAD,), _f32),
            pltpu.VMEM_SHARED((NPAD,), _f32),
            pltpu.SemaphoreType.DMA,
            pltpu.SemaphoreType.DMA,
            pltpu.SemaphoreType.DMA,
            pltpu.SemaphoreType.DMA,
            pltpu.SemaphoreType.DMA,
            pltpu.SemaphoreType.DMA,
            pltpu.SemaphoreType.DMA,
            pltpu.SemaphoreType.DMA,
        ],
    )
    def k(p_hbm, srcr_hbm, dstr_hbm, out_hbm,
          src_v, dst_v, prev_v, v0, v1, v2, v3, tmp_v, tmp2_v, acc_prev,
          acc_new, *sems):
        vals = (v0, v1, v2, v3)
        gsems, ssems = sems[:4], sems[4:]
        c = lax.axis_index("c")
        s = lax.axis_index("s")
        w = c * NS + s
        sl = pl.ds(s * CHUNK, CHUNK)

        src_dma = pltpu.async_copy(srcr_hbm.at[w], src_v, ssems[0])
        dst_dma = pltpu.async_copy(dstr_hbm.at[w], dst_v, ssems[1])

        pa_dma = pltpu.async_copy(p_hbm.at[0].at[sl], tmp_v, ssems[2])
        pb_dma = pltpu.async_copy(p_hbm.at[1].at[sl], tmp2_v, ssems[3])
        pa_dma.wait()
        pb_dma.wait()

        @pl.loop(0, CHUNK, step=16)
        def _(i):
            tmp_v[pl.ds(i, 16)] = tmp_v[pl.ds(i, 16)] + tmp2_v[pl.ds(i, 16)]

        pltpu.sync_copy(tmp_v, acc_prev.at[sl])

        @pl.when(c == 0)
        def _():
            pltpu.sync_copy(tmp_v, acc_new.at[sl])

        @pl.when(c != 0)
        def _():
            _fill(tmp2_v, 0.0)
            pltpu.sync_copy(tmp2_v, acc_new.at[sl])

        src_dma.wait()
        dst_dma.wait()
        plsc.subcore_barrier()
        pltpu.sync_copy(acc_prev, prev_v)
        _pipe_gather_scatter(dst_v, src_v, 0, prev_v, acc_new, vals,
                             ssems)
        plsc.subcore_barrier()

        pltpu.sync_copy(acc_new.at[sl], tmp_v)
        pltpu.sync_copy(tmp_v, out_hbm.at[c].at[sl])

    return k(p_prev, srcr, dstr)


def _tc_tail(p1, p2, u3, x, W1, b1, W2, b2, W3, b3):

    def body(p1_ref, p2_ref, u3_ref, x_ref, W1_ref, b1_ref, W2_ref, b2_ref,
             W3_ref, b3_ref, out_ref):
        hi = lax.Precision.HIGHEST
        u1v = p1_ref[0:1, :] + p1_ref[1:2, :]
        r = lax.dot_general(u1v, x_ref[...], (((1,), (0,)), ((), ())),
                            precision=hi, preferred_element_type=_f32)
        s1 = jnp.sum(u1v)
        s2 = jnp.sum(p2_ref[...])
        s3 = jnp.sum(u3_ref[...])
        t = lax.dot_general(r, W1_ref[...], (((1,), (1,)), ((), ())),
                            precision=hi, preferred_element_type=_f32)
        t = t + s1 * b1_ref[...]
        t = lax.dot_general(t, W2_ref[...], (((1,), (1,)), ((), ())),
                            precision=hi, preferred_element_type=_f32)
        t = t + s2 * b2_ref[...]
        t = lax.dot_general(t, W3_ref[...], (((1,), (1,)), ((), ())),
                            precision=hi, preferred_element_type=_f32)
        t = t + s3 * b3_ref[...]
        out_ref[...] = t * (1.0 / N)

    return pl.pallas_call(
        body,
        out_shape=jax.ShapeDtypeStruct((1, D), _f32),
    )(p1, p2, u3, x, W1, b1, W2, b2, W3, b3)


def kernel(x, edge_index, batch, W1, b1, W2, b2, W3, b3):
    pad = jnp.full((EP - E,), N, dtype=jnp.int32)
    srcr = jnp.concatenate([edge_index[0], pad]).reshape(NW, RW, 128)
    dstr = jnp.concatenate([edge_index[1], pad]).reshape(NW, RW, 128)

    p2, u3 = _sc_first(srcr.reshape(NS, 2 * RW, 128), dstr)
    p1 = _sc_second(p2, srcr, dstr)

    return _tc_tail(p1[:, :N], p2[:, :N], u3[:N].reshape(1, N), x,
                    W1, b1.reshape(1, D), W2, b2.reshape(1, D), W3,
                    b3.reshape(1, D))

# --- scband reference (transcript-rebuilt; emitter-appended) ---
"""Pipeline reference for scband-modular-gnn-90649579749762 (READ-ONLY COPY).

The authoritative reference and input builder live on the scoring server;
editing this copy changes nothing except your own understanding.
"""

import jax, jax.numpy as jnp
import numpy as np

N = 10000
E = 320000
D_IN = 128
D_HID = 128
D_OUT = 128


def setup_inputs(seed: int = 0) -> dict:
    key = jax.random.key(seed)
    k1, k2, kw1, kb1, kw2, kb2, kw3, kb3 = jax.random.split(key, 8)
    x = jax.random.normal(k1, (N, D_IN), dtype=jnp.float32)
    edge_index = jax.random.randint(k2, (2, E), 0, N, dtype=jnp.int32)
    batch = jnp.zeros((N,), dtype=jnp.int32)
    s1 = 1.0 / np.sqrt(D_IN)
    s2 = 1.0 / np.sqrt(D_HID)
    W1 = jax.random.uniform(kw1, (D_HID, D_IN), dtype=jnp.float32, minval=-s1, maxval=s1)
    b1 = jax.random.uniform(kb1, (D_HID,), dtype=jnp.float32, minval=-s1, maxval=s1)
    W2 = jax.random.uniform(kw2, (D_HID, D_HID), dtype=jnp.float32, minval=-s2, maxval=s2)
    b2 = jax.random.uniform(kb2, (D_HID,), dtype=jnp.float32, minval=-s2, maxval=s2)
    W3 = jax.random.uniform(kw3, (D_OUT, D_HID), dtype=jnp.float32, minval=-s2, maxval=s2)
    b3 = jax.random.uniform(kb3, (D_OUT,), dtype=jnp.float32, minval=-s2, maxval=s2)
    return {"x": x, "edge_index": edge_index, "batch": batch,
            "W1": W1, "b1": b1, "W2": W2, "b2": b2, "W3": W3, "b3": b3}


def reference(x, edge_index, batch, W1, b1, W2, b2, W3, b3):
    # ModularGNN with layer_modes=[False]*3, pathway_groups=None, pooling_mode=None.
    # Each ModularPathwayConv: h = Linear(x); out = propagate(edge_index, x=h) + h
    # propagate with aggr='sum' and message(x_j)=x_j is a scatter-add of h[src] into dst.
    src = edge_index[0]
    dst = edge_index[1]

    def conv(h_in, W, b):
        h = h_in.astype(jnp.float32) @ W.T + b
        agg = jax.ops.segment_sum(h[src], dst, num_segments=N)
        return agg + h

    h = conv(x, W1, b1)
    h = conv(h, W2, b2)
    h = conv(h, W3, b3)

    # pooling_mode=None -> global_mean_pool(x, batch) then view(batch_size, -1)
    num_graphs = 1
    counts = jax.ops.segment_sum(jnp.ones((N,), dtype=jnp.float32), batch, num_segments=num_graphs)
    pooled = jax.ops.segment_sum(h, batch, num_segments=num_graphs) / jnp.maximum(counts, 1.0)[:, None]
    return pooled.reshape(num_graphs, -1)

if __name__ == "__main__":
    import jax
    _d = setup_inputs()
    print(jax.jit(kernel)(*tuple(_d.values())))

</pallas_src>

<mosaic_0001>
#map = affine_map<(d0, d1) -> (0, 0, 0)>
#map1 = affine_map<(d0, d1) -> (0, 0)>
#map2 = affine_map<(d0, d1) -> (0)>
module attributes {stable_mosaic.version = 14 : i64} {
  func.func @k(%arg0: i32, %arg1: i32, %arg2: memref<16x158x128xi32, #tpu.memory_space<hbm>>, %arg3: memref<32x79x128xi32, #tpu.memory_space<hbm>>, %arg4: memref<2x10240xf32, #tpu.memory_space<hbm>>, %arg5: memref<10240xf32, #tpu.memory_space<hbm>>, %arg6: memref<158x128xi32, #tpu.memory_space<vmem>>, %arg7: memref<79x128xi32, #tpu.memory_space<vmem>>, %arg8: memref<10240xf32, #tpu.memory_space<vmem>>, %arg9: memref<128xf32, #tpu.memory_space<vmem>>, %arg10: memref<128xf32, #tpu.memory_space<vmem>>, %arg11: memref<128xf32, #tpu.memory_space<vmem>>, %arg12: memref<128xf32, #tpu.memory_space<vmem>>, %arg13: memref<128xf32, #tpu.memory_space<vmem>>, %arg14: memref<640xf32, #tpu.memory_space<vmem>>, %arg15: memref<640xf32, #tpu.memory_space<vmem>>, %arg16: memref<10240xf32, #tpu.memory_space<vmem_shared>>, %arg17: memref<10240xf32, #tpu.memory_space<vmem_shared>>, %arg18: memref<!tpu.dma_semaphore, #tpu.memory_space<semaphore_mem>>, %arg19: memref<!tpu.dma_semaphore, #tpu.memory_space<semaphore_mem>>, %arg20: memref<!tpu.dma_semaphore, #tpu.memory_space<semaphore_mem>>, %arg21: memref<!tpu.dma_semaphore, #tpu.memory_space<semaphore_mem>>, %arg22: memref<!tpu.dma_semaphore, #tpu.memory_space<semaphore_mem>>, %arg23: memref<!tpu.dma_semaphore, #tpu.memory_space<semaphore_mem>>, %arg24: memref<!tpu.dma_semaphore, #tpu.memory_space<semaphore_mem>>, %arg25: memref<!tpu.dma_semaphore, #tpu.memory_space<semaphore_mem>>) attributes {dimension_semantics = [#tpu.dimension_semantics<core_parallel>, #tpu.dimension_semantics<subcore_parallel>], iteration_bounds = array<i64: 2, 16>, scalar_prefetch = 0 : i64, scratch_operands = 20 : i64, tpu.core_type = #tpu.core_type<sc_vector_subcore>, window_params = [{transform_indices = #map}, {transform_indices = #map}, {transform_indices = #map1}, {transform_indices = #map2}]} {
    %mul3A = arith.constant 640 : i32
    %mul3A_0 = arith.muli %arg1, %mul3A : i32
    "tpu.region"() ({
      %run_scoped3A = tpu.sem_alloc : memref<!tpu.dma_semaphore, #tpu.memory_space<semaphore_mem>>
      %dma_start3A_240 = arith.constant 0 : i32
      %dma_start3A_241 = arith.constant 0 : i32
      %dma_start3A_242 = tpu.memref_slice %arg2[%arg1, %dma_start3A_240, %dma_start3A_241] : memref<16x158x128xi32, #tpu.memory_space<hbm>> -> memref<1x158x128xi32, #tpu.memory_space<hbm>>
      %dma_start3A_243 = tpu.memref_squeeze %dma_start3A_242 : memref<1x158x128xi32, #tpu.memory_space<hbm>> -> memref<158x128xi32, #tpu.memory_space<hbm>>
      %dma_start3A_244 = arith.constant 0 : i32
      %dma_start3A_245 = arith.constant 0 : i32
      %dma_start3A_246 = tpu.memref_slice %arg2[%arg1, %dma_start3A_244, %dma_start3A_245] : memref<16x158x128xi32, #tpu.memory_space<hbm>> -> memref<1x158x128xi32, #tpu.memory_space<hbm>>
      %dma_start3A_247 = tpu.memref_squeeze %dma_start3A_246 : memref<1x158x128xi32, #tpu.memory_space<hbm>> -> memref<158x128xi32, #tpu.memory_space<hbm>>
      tpu.enqueue_dma source(%dma_start3A_247 : memref<158x128xi32, #tpu.memory_space<hbm>>) target(%arg6 : memref<158x128xi32, #tpu.memory_space<vmem>>) target_semaphore(%run_scoped3A : memref<!tpu.dma_semaphore, #tpu.memory_space<semaphore_mem>>)
      %dma_wait3A_248 = arith.constant 0 : i32
      %dma_wait3A_249 = arith.constant 0 : i32
      %dma_wait3A_250 = tpu.memref_slice %arg2[%arg1, %dma_wait3A_248, %dma_wait3A_249] : memref<16x158x128xi32, #tpu.memory_space<hbm>> -> memref<1x158x128xi32, #tpu.memory_space<hbm>>
      %dma_wait3A_251 = tpu.memref_squeeze %dma_wait3A_250 : memref<1x158x128xi32, #tpu.memory_space<hbm>> -> memref<158x128xi32, #tpu.memory_space<hbm>>
      %dma_wait3A_252 = arith.constant 0 : i32
      %dma_wait3A_253 = arith.constant 0 : i32
      %dma_wait3A_254 = tpu.memref_slice %arg2[%arg1, %dma_wait3A_252, %dma_wait3A_253] : memref<16x158x128xi32, #tpu.memory_space<hbm>> -> memref<1x158x128xi32, #tpu.memory_space<hbm>>
      %dma_wait3A_255 = tpu.memref_squeeze %dma_wait3A_254 : memref<1x158x128xi32, #tpu.memory_space<hbm>> -> memref<158x128xi32, #tpu.memory_space<hbm>>
      tpu.wait_dma2 semaphore(%run_scoped3A : memref<!tpu.dma_semaphore, #tpu.memory_space<semaphore_mem>>) src(%dma_wait3A_255 : memref<158x128xi32, #tpu.memory_space<hbm>>) dst(%arg6 : memref<158x128xi32, #tpu.memory_space<vmem>>)
      tpu.yield
    }) : () -> ()
    %mul3A_1 = arith.constant 2 : i32
    %mul3A_2 = arith.muli %mul3A_1, %arg1 : i32
    %add3A = arith.addi %mul3A_2, %arg0 : i32
    %dma_start3A = arith.constant 0 : i32
    %dma_start3A_3 = arith.constant 0 : i32
    %dma_start3A_4 = tpu.memref_slice %arg3[%add3A, %dma_start3A, %dma_start3A_3] : memref<32x79x128xi32, #tpu.memory_space<hbm>> -> memref<1x79x128xi32, #tpu.memory_space<hbm>>
    %dma_start3A_5 = tpu.memref_squeeze %dma_start3A_4 : memref<1x79x128xi32, #tpu.memory_space<hbm>> -> memref<79x128xi32, #tpu.memory_space<hbm>>
    %dma_start3A_6 = arith.constant 0 : i32
    %dma_start3A_7 = arith.constant 0 : i32
    %dma_start3A_8 = tpu.memref_slice %arg3[%add3A, %dma_start3A_6, %dma_start3A_7] : memref<32x79x128xi32, #tpu.memory_space<hbm>> -> memref<1x79x128xi32, #tpu.memory_space<hbm>>
    %dma_start3A_9 = tpu.memref_squeeze %dma_start3A_8 : memref<1x79x128xi32, #tpu.memory_space<hbm>> -> memref<79x128xi32, #tpu.memory_space<hbm>>
    tpu.enqueue_dma source(%dma_start3A_9 : memref<79x128xi32, #tpu.memory_space<hbm>>) target(%arg7 : memref<79x128xi32, #tpu.memory_space<vmem>>) target_semaphore(%arg22 : memref<!tpu.dma_semaphore, #tpu.memory_space<semaphore_mem>>)
    %broadcast_in_dim3A = arith.constant 1.000000e+00 : f32
    %broadcast_in_dim3A_10 = vector.broadcast %broadcast_in_dim3A : f32 to vector<16xf32>
    %scan3A = arith.constant 0 : i32
    %scan3A_11 = arith.constant 8 : i32
    %scan3A_12 = arith.addi %scan3A, %scan3A_11 : i32
    %scan3A_13 = arith.constant 1 : i32
    scf.for %scan3A_240 = %scan3A to %scan3A_12 step %scan3A_13  : i32 {
      %mul3A_241 = arith.constant 16 : i32
      %mul3A_242 = arith.muli %scan3A_240, %mul3A_241 : i32
      %add3A_243 = arith.constant 0 : i32
      %add3A_244 = arith.addi %add3A_243, %mul3A_242 : i32
      %swap3A = arith.index_cast %add3A_244 : i32 to index
      %swap3A_245 = tpu.vector_load %arg9[%swap3A] {strides = array<i32>} : memref<128xf32, #tpu.memory_space<vmem>>, vector<16xf32>,
      tpu.vector_store %arg9[%swap3A], %broadcast_in_dim3A_10 {strides = array<i32>} : memref<128xf32, #tpu.memory_space<vmem>>, vector<16xf32>,
    }
    %scan3A_14 = arith.constant 8 : i32
    %broadcast_in_dim3A_15 = arith.constant 1.000000e+00 : f32
    %broadcast_in_dim3A_16 = vector.broadcast %broadcast_in_dim3A_15 : f32 to vector<16xf32>
    %scan3A_17 = arith.constant 0 : i32
    %scan3A_18 = arith.constant 40 : i32
    %scan3A_19 = arith.addi %scan3A_17, %scan3A_18 : i32
    %scan3A_20 = arith.constant 1 : i32
    scf.for %scan3A_240 = %scan3A_17 to %scan3A_19 step %scan3A_20  : i32 {
      %mul3A_241 = arith.constant 16 : i32
      %mul3A_242 = arith.muli %scan3A_240, %mul3A_241 : i32
      %add3A_243 = arith.constant 0 : i32
      %add3A_244 = arith.addi %add3A_243, %mul3A_242 : i32
      %swap3A = arith.index_cast %add3A_244 : i32 to index
      %swap3A_245 = tpu.vector_load %arg14[%swap3A] {strides = array<i32>} : memref<640xf32, #tpu.memory_space<vmem>>, vector<16xf32>,
      tpu.vector_store %arg14[%swap3A], %broadcast_in_dim3A_16 {strides = array<i32>} : memref<640xf32, #tpu.memory_space<vmem>>, vector<16xf32>,
    }
    %scan3A_21 = arith.constant 40 : i32
    "tpu.region"() ({
      %run_scoped3A = tpu.sem_alloc : memref<!tpu.dma_semaphore, #tpu.memory_space<semaphore_mem>>
      %dma_start3A_240 = tpu.memref_slice %arg16[%mul3A_0] : memref<10240xf32, #tpu.memory_space<vmem_shared>> -> memref<640xf32, #tpu.memory_space<vmem_shared>>
      %dma_start3A_241 = tpu.memref_slice %arg16[%mul3A_0] : memref<10240xf32, #tpu.memory_space<vmem_shared>> -> memref<640xf32, #tpu.memory_space<vmem_shared>>
      tpu.enqueue_dma source(%arg14 : memref<640xf32, #tpu.memory_space<vmem>>) target(%dma_start3A_241 : memref<640xf32, #tpu.memory_space<vmem_shared>>) target_semaphore(%run_scoped3A : memref<!tpu.dma_semaphore, #tpu.memory_space<semaphore_mem>>)
      %dma_wait3A_242 = tpu.memref_slice %arg16[%mul3A_0] : memref<10240xf32, #tpu.memory_space<vmem_shared>> -> memref<640xf32, #tpu.memory_space<vmem_shared>>
      %dma_wait3A_243 = tpu.memref_slice %arg16[%mul3A_0] : memref<10240xf32, #tpu.memory_space<vmem_shared>> -> memref<640xf32, #tpu.memory_space<vmem_shared>>
      tpu.wait_dma2 semaphore(%run_scoped3A : memref<!tpu.dma_semaphore, #tpu.memory_space<semaphore_mem>>) src(%arg14 : memref<640xf32, #tpu.memory_space<vmem>>) dst(%dma_wait3A_243 : memref<640xf32, #tpu.memory_space<vmem_shared>>)
      tpu.yield
    }) : () -> ()
    %barrier3A = arith.constant 0 : index
    tpu.barrier barrier_id(%barrier3A)
    %dma_start3A_22 = arith.constant 0 : i32
    %dma_start3A_23 = arith.constant 0 : i32
    %dma_start3A_24 = tpu.memref_slice %arg6[%dma_start3A_22, %dma_start3A_23] : memref<158x128xi32, #tpu.memory_space<vmem>> -> memref<1x128xi32, #tpu.memory_space<vmem>>
    %dma_start3A_25 = tpu.memref_squeeze %dma_start3A_24 : memref<1x128xi32, #tpu.memory_space<vmem>> -> memref<128xi32, #tpu.memory_space<vmem>>
    %dma_start3A_26 = arith.constant 0 : i32
    %dma_start3A_27 = tpu.memref_slice %arg16[%dma_start3A_26] : memref<10240xf32, #tpu.memory_space<vmem_shared>> -> memref<10240xf32, #tpu.memory_space<vmem_shared>>
    tpu.enqueue_indirect_dma source(%arg9 : memref<128xf32, #tpu.memory_space<vmem>>) target(%dma_start3A_27 : memref<10240xf32, #tpu.memory_space<vmem_shared>>) offsets(%dma_start3A_25 : memref<128xi32, #tpu.memory_space<vmem>>) semaphore(%arg18 : memref<!tpu.dma_semaphore, #tpu.memory_space<semaphore_mem>>) {add = true}
    %dma_start3A_28 = arith.constant 1 : i32
    %dma_start3A_29 = arith.constant 0 : i32
    %dma_start3A_30 = tpu.memref_slice %arg6[%dma_start3A_28, %dma_start3A_29] : memref<158x128xi32, #tpu.memory_space<vmem>> -> memref<1x128xi32, #tpu.memory_space<vmem>>
    %dma_start3A_31 = tpu.memref_squeeze %dma_start3A_30 : memref<1x128xi32, #tpu.memory_space<vmem>> -> memref<128xi32, #tpu.memory_space<vmem>>
    %dma_start3A_32 = arith.constant 0 : i32
    %dma_start3A_33 = tpu.memref_slice %arg16[%dma_start3A_32] : memref<10240xf32, #tpu.memory_space<vmem_shared>> -> memref<10240xf32, #tpu.memory_space<vmem_shared>>
    tpu.enqueue_indirect_dma source(%arg9 : memref<128xf32, #tpu.memory_space<vmem>>) target(%dma_start3A_33 : memref<10240xf32, #tpu.memory_space<vmem_shared>>) offsets(%dma_start3A_31 : memref<128xi32, #tpu.memory_space<vmem>>) semaphore(%arg19 : memref<!tpu.dma_semaphore, #tpu.memory_space<semaphore_mem>>) {add = true}
    %dma_start3A_34 = arith.constant 2 : i32
    %dma_start3A_35 = arith.constant 0 : i32
    %dma_start3A_36 = tpu.memref_slice %arg6[%dma_start3A_34, %dma_start3A_35] : memref<158x128xi32, #tpu.memory_space<vmem>> -> memref<1x128xi32, #tpu.memory_space<vmem>>
    %dma_start3A_37 = tpu.memref_squeeze %dma_start3A_36 : memref<1x128xi32, #tpu.memory_space<vmem>> -> memref<128xi32, #tpu.memory_space<vmem>>
    %dma_start3A_38 = arith.constant 0 : i32
    %dma_start3A_39 = tpu.memref_slice %arg16[%dma_start3A_38] : memref<10240xf32, #tpu.memory_space<vmem_shared>> -> memref<10240xf32, #tpu.memory_space<vmem_shared>>
    tpu.enqueue_indirect_dma source(%arg9 : memref<128xf32, #tpu.memory_space<vmem>>) target(%dma_start3A_39 : memref<10240xf32, #tpu.memory_space<vmem_shared>>) offsets(%dma_start3A_37 : memref<128xi32, #tpu.memory_space<vmem>>) semaphore(%arg20 : memref<!tpu.dma_semaphore, #tpu.memory_space<semaphore_mem>>) {add = true}
    %dma_start3A_40 = arith.constant 3 : i32
    %dma_start3A_41 = arith.constant 0 : i32
    %dma_start3A_42 = tpu.memref_slice %arg6[%dma_start3A_40, %dma_start3A_41] : memref<158x128xi32, #tpu.memory_space<vmem>> -> memref<1x128xi32, #tpu.memory_space<vmem>>
    %dma_start3A_43 = tpu.memref_squeeze %dma_start3A_42 : memref<1x128xi32, #tpu.memory_space<vmem>> -> memref<128xi32, #tpu.memory_space<vmem>>
    %dma_start3A_44 = arith.constant 0 : i32
    %dma_start3A_45 = tpu.memref_slice %arg16[%dma_start3A_44] : memref<10240xf32, #tpu.memory_space<vmem_shared>> -> memref<10240xf32, #tpu.memory_space<vmem_shared>>
    tpu.enqueue_indirect_dma source(%arg9 : memref<128xf32, #tpu.memory_space<vmem>>) target(%dma_start3A_45 : memref<10240xf32, #tpu.memory_space<vmem_shared>>) offsets(%dma_start3A_43 : memref<128xi32, #tpu.memory_space<vmem>>) semaphore(%arg21 : memref<!tpu.dma_semaphore, #tpu.memory_space<semaphore_mem>>) {add = true}
    %scan3A_46 = arith.constant 0 : i32
    %scan3A_47 = arith.constant 39 : i32
    %scan3A_48 = arith.addi %scan3A_46, %scan3A_47 : i32
    %scan3A_49 = arith.constant 1 : i32
    scf.for %scan3A_240 = %scan3A_46 to %scan3A_48 step %scan3A_49  : i32 {
      %mul3A_241 = arith.constant 4 : i32
      %mul3A_242 = arith.muli %scan3A_240, %mul3A_241 : i32
      %add3A_243 = arith.constant 0 : i32
      %add3A_244 = arith.addi %add3A_243, %mul3A_242 : i32
      %add3A_245 = arith.constant 0 : i32
      %add3A_246 = arith.addi %add3A_244, %add3A_245 : i32
      %dma_wait3A_247 = arith.constant 0 : i32
      %dma_wait3A_248 = tpu.memref_slice %arg6[%add3A_246, %dma_wait3A_247] : memref<158x128xi32, #tpu.memory_space<vmem>> -> memref<1x128xi32, #tpu.memory_space<vmem>>
      %dma_wait3A_249 = tpu.memref_squeeze %dma_wait3A_248 : memref<1x128xi32, #tpu.memory_space<vmem>> -> memref<128xi32, #tpu.memory_space<vmem>>
      %dma_wait3A_250 = arith.constant 0 : i32
      %dma_wait3A_251 = tpu.memref_slice %arg16[%dma_wait3A_250] : memref<10240xf32, #tpu.memory_space<vmem_shared>> -> memref<10240xf32, #tpu.memory_space<vmem_shared>>
      tpu.wait_indirect_dma semaphore(%arg18 : memref<!tpu.dma_semaphore, #tpu.memory_space<semaphore_mem>>) src(%arg9 : memref<128xf32, #tpu.memory_space<vmem>>) dst(%dma_wait3A_251 : memref<10240xf32, #tpu.memory_space<vmem_shared>>)
      %add3A_252 = arith.constant 4 : i32
      %add3A_253 = arith.addi %add3A_246, %add3A_252 : i32
      %lt3A = arith.constant 158 : i32
      %lt3A_254 = arith.cmpi slt, %add3A_253, %lt3A : i32
      %convert_element_type3A_255 = arith.extui %lt3A_254 : i1 to i32
      %cond3A_256 = arith.constant 0 : i32
      %cond3A_257 = arith.cmpi ne, %convert_element_type3A_255, %cond3A_256 : i32
      scf.if %cond3A_257 {
        %add3A_300 = arith.constant 4 : i32
        %add3A_301 = arith.addi %add3A_246, %add3A_300 : i32
        %dma_start3A_302 = arith.constant 0 : i32
        %dma_start3A_303 = tpu.memref_slice %arg6[%add3A_301, %dma_start3A_302] : memref<158x128xi32, #tpu.memory_space<vmem>> -> memref<1x128xi32, #tpu.memory_space<vmem>>
        %dma_start3A_304 = tpu.memref_squeeze %dma_start3A_303 : memref<1x128xi32, #tpu.memory_space<vmem>> -> memref<128xi32, #tpu.memory_space<vmem>>
        %dma_start3A_305 = arith.constant 0 : i32
        %dma_start3A_306 = tpu.memref_slice %arg16[%dma_start3A_305] : memref<10240xf32, #tpu.memory_space<vmem_shared>> -> memref<10240xf32, #tpu.memory_space<vmem_shared>>
        tpu.enqueue_indirect_dma source(%arg9 : memref<128xf32, #tpu.memory_space<vmem>>) target(%dma_start3A_306 : memref<10240xf32, #tpu.memory_space<vmem_shared>>) offsets(%dma_start3A_304 : memref<128xi32, #tpu.memory_space<vmem>>) semaphore(%arg18 : memref<!tpu.dma_semaphore, #tpu.memory_space<semaphore_mem>>) {add = true}
      } else {
      }
      %add3A_258 = arith.constant 1 : i32
      %add3A_259 = arith.addi %add3A_244, %add3A_258 : i32
      %dma_wait3A_260 = arith.constant 0 : i32
      %dma_wait3A_261 = tpu.memref_slice %arg6[%add3A_259, %dma_wait3A_260] : memref<158x128xi32, #tpu.memory_space<vmem>> -> memref<1x128xi32, #tpu.memory_space<vmem>>
      %dma_wait3A_262 = tpu.memref_squeeze %dma_wait3A_261 : memref<1x128xi32, #tpu.memory_space<vmem>> -> memref<128xi32, #tpu.memory_space<vmem>>
      %dma_wait3A_263 = arith.constant 0 : i32
      %dma_wait3A_264 = tpu.memref_slice %arg16[%dma_wait3A_263] : memref<10240xf32, #tpu.memory_space<vmem_shared>> -> memref<10240xf32, #tpu.memory_space<vmem_shared>>
      tpu.wait_indirect_dma semaphore(%arg19 : memref<!tpu.dma_semaphore, #tpu.memory_space<semaphore_mem>>) src(%arg9 : memref<128xf32, #tpu.memory_space<vmem>>) dst(%dma_wait3A_264 : memref<10240xf32, #tpu.memory_space<vmem_shared>>)
      %add3A_265 = arith.constant 4 : i32
      %add3A_266 = arith.addi %add3A_259, %add3A_265 : i32
      %lt3A_267 = arith.constant 158 : i32
      %lt3A_268 = arith.cmpi slt, %add3A_266, %lt3A_267 : i32
      %convert_element_type3A_269 = arith.extui %lt3A_268 : i1 to i32
      %cond3A_270 = arith.constant 0 : i32
      %cond3A_271 = arith.cmpi ne, %convert_element_type3A_269, %cond3A_270 : i32
      scf.if %cond3A_271 {
        %add3A_300 = arith.constant 4 : i32
        %add3A_301 = arith.addi %add3A_259, %add3A_300 : i32
        %dma_start3A_302 = arith.constant 0 : i32
        %dma_start3A_303 = tpu.memref_slice %arg6[%add3A_301, %dma_start3A_302] : memref<158x128xi32, #tpu.memory_space<vmem>> -> memref<1x128xi32, #tpu.memory_space<vmem>>
        %dma_start3A_304 = tpu.memref_squeeze %dma_start3A_303 : memref<1x128xi32, #tpu.memory_space<vmem>> -> memref<128xi32, #tpu.memory_space<vmem>>
        %dma_start3A_305 = arith.constant 0 : i32
        %dma_start3A_306 = tpu.memref_slice %arg16[%dma_start3A_305] : memref<10240xf32, #tpu.memory_space<vmem_shared>> -> memref<10240xf32, #tpu.memory_space<vmem_shared>>
        tpu.enqueue_indirect_dma source(%arg9 : memref<128xf32, #tpu.memory_space<vmem>>) target(%dma_start3A_306 : memref<10240xf32, #tpu.memory_space<vmem_shared>>) offsets(%dma_start3A_304 : memref<128xi32, #tpu.memory_space<vmem>>) semaphore(%arg19 : memref<!tpu.dma_semaphore, #tpu.memory_space<semaphore_mem>>) {add = true}
      } else {
      }
      %add3A_272 = arith.constant 2 : i32
      %add3A_273 = arith.addi %add3A_244, %add3A_272 : i32
      %dma_wait3A_274 = arith.constant 0 : i32
      %dma_wait3A_275 = tpu.memref_slice %arg6[%add3A_273, %dma_wait3A_274] : memref<158x128xi32, #tpu.memory_space<vmem>> -> memref<1x128xi32, #tpu.memory_space<vmem>>
      %dma_wait3A_276 = tpu.memref_squeeze %dma_wait3A_275 : memref<1x128xi32, #tpu.memory_space<vmem>> -> memref<128xi32, #tpu.memory_space<vmem>>
      %dma_wait3A_277 = arith.constant 0 : i32
      %dma_wait3A_278 = tpu.memref_slice %arg16[%dma_wait3A_277] : memref<10240xf32, #tpu.memory_space<vmem_shared>> -> memref<10240xf32, #tpu.memory_space<vmem_shared>>
      tpu.wait_indirect_dma semaphore(%arg20 : memref<!tpu.dma_semaphore, #tpu.memory_space<semaphore_mem>>) src(%arg9 : memref<128xf32, #tpu.memory_space<vmem>>) dst(%dma_wait3A_278 : memref<10240xf32, #tpu.memory_space<vmem_shared>>)
      %add3A_279 = arith.constant 4 : i32
      %add3A_280 = arith.addi %add3A_273, %add3A_279 : i32
      %lt3A_281 = arith.constant 158 : i32
      %lt3A_282 = arith.cmpi slt, %add3A_280, %lt3A_281 : i32
      %convert_element_type3A_283 = arith.extui %lt3A_282 : i1 to i32
      %cond3A_284 = arith.constant 0 : i32
      %cond3A_285 = arith.cmpi ne, %convert_element_type3A_283, %cond3A_284 : i32
      scf.if %cond3A_285 {
        %add3A_300 = arith.constant 4 : i32
        %add3A_301 = arith.addi %add3A_273, %add3A_300 : i32
        %dma_start3A_302 = arith.constant 0 : i32
        %dma_start3A_303 = tpu.memref_slice %arg6[%add3A_301, %dma_start3A_302] : memref<158x128xi32, #tpu.memory_space<vmem>> -> memref<1x128xi32, #tpu.memory_space<vmem>>
        %dma_start3A_304 = tpu.memref_squeeze %dma_start3A_303 : memref<1x128xi32, #tpu.memory_space<vmem>> -> memref<128xi32, #tpu.memory_space<vmem>>
        %dma_start3A_305 = arith.constant 0 : i32
        %dma_start3A_306 = tpu.memref_slice %arg16[%dma_start3A_305] : memref<10240xf32, #tpu.memory_space<vmem_shared>> -> memref<10240xf32, #tpu.memory_space<vmem_shared>>
        tpu.enqueue_indirect_dma source(%arg9 : memref<128xf32, #tpu.memory_space<vmem>>) target(%dma_start3A_306 : memref<10240xf32, #tpu.memory_space<vmem_shared>>) offsets(%dma_start3A_304 : memref<128xi32, #tpu.memory_space<vmem>>) semaphore(%arg20 : memref<!tpu.dma_semaphore, #tpu.memory_space<semaphore_mem>>) {add = true}
      } else {
      }
      %add3A_286 = arith.constant 3 : i32
      %add3A_287 = arith.addi %add3A_244, %add3A_286 : i32
      %dma_wait3A_288 = arith.constant 0 : i32
      %dma_wait3A_289 = tpu.memref_slice %arg6[%add3A_287, %dma_wait3A_288] : memref<158x128xi32, #tpu.memory_space<vmem>> -> memref<1x128xi32, #tpu.memory_space<vmem>>
      %dma_wait3A_290 = tpu.memref_squeeze %dma_wait3A_289 : memref<1x128xi32, #tpu.memory_space<vmem>> -> memref<128xi32, #tpu.memory_space<vmem>>
      %dma_wait3A_291 = arith.constant 0 : i32
      %dma_wait3A_292 = tpu.memref_slice %arg16[%dma_wait3A_291] : memref<10240xf32, #tpu.memory_space<vmem_shared>> -> memref<10240xf32, #tpu.memory_space<vmem_shared>>
      tpu.wait_indirect_dma semaphore(%arg21 : memref<!tpu.dma_semaphore, #tpu.memory_space<semaphore_mem>>) src(%arg9 : memref<128xf32, #tpu.memory_space<vmem>>) dst(%dma_wait3A_292 : memref<10240xf32, #tpu.memory_space<vmem_shared>>)
      %add3A_293 = arith.constant 4 : i32
      %add3A_294 = arith.addi %add3A_287, %add3A_293 : i32
      %lt3A_295 = arith.constant 158 : i32
      %lt3A_296 = arith.cmpi slt, %add3A_294, %lt3A_295 : i32
      %convert_element_type3A_297 = arith.extui %lt3A_296 : i1 to i32
      %cond3A_298 = arith.constant 0 : i32
      %cond3A_299 = arith.cmpi ne, %convert_element_type3A_297, %cond3A_298 : i32
      scf.if %cond3A_299 {
        %add3A_300 = arith.constant 4 : i32
        %add3A_301 = arith.addi %add3A_287, %add3A_300 : i32
        %dma_start3A_302 = arith.constant 0 : i32
        %dma_start3A_303 = tpu.memref_slice %arg6[%add3A_301, %dma_start3A_302] : memref<158x128xi32, #tpu.memory_space<vmem>> -> memref<1x128xi32, #tpu.memory_space<vmem>>
        %dma_start3A_304 = tpu.memref_squeeze %dma_start3A_303 : memref<1x128xi32, #tpu.memory_space<vmem>> -> memref<128xi32, #tpu.memory_space<vmem>>
        %dma_start3A_305 = arith.constant 0 : i32
        %dma_start3A_306 = tpu.memref_slice %arg16[%dma_start3A_305] : memref<10240xf32, #tpu.memory_space<vmem_shared>> -> memref<10240xf32, #tpu.memory_space<vmem_shared>>
        tpu.enqueue_indirect_dma source(%arg9 : memref<128xf32, #tpu.memory_space<vmem>>) target(%dma_start3A_306 : memref<10240xf32, #tpu.memory_space<vmem_shared>>) offsets(%dma_start3A_304 : memref<128xi32, #tpu.memory_space<vmem>>) semaphore(%arg21 : memref<!tpu.dma_semaphore, #tpu.memory_space<semaphore_mem>>) {add = true}
      } else {
      }
    }
    %scan3A_50 = arith.constant 39 : i32
    %dma_wait3A = arith.constant 156 : i32
    %dma_wait3A_51 = arith.constant 0 : i32
    %dma_wait3A_52 = tpu.memref_slice %arg6[%dma_wait3A, %dma_wait3A_51] : memref<158x128xi32, #tpu.memory_space<vmem>> -> memref<1x128xi32, #tpu.memory_space<vmem>>
    %dma_wait3A_53 = tpu.memref_squeeze %dma_wait3A_52 : memref<1x128xi32, #tpu.memory_space<vmem>> -> memref<128xi32, #tpu.memory_space<vmem>>
    %dma_wait3A_54 = arith.constant 0 : i32
    %dma_wait3A_55 = tpu.memref_slice %arg16[%dma_wait3A_54] : memref<10240xf32, #tpu.memory_space<vmem_shared>> -> memref<10240xf32, #tpu.memory_space<vmem_shared>>
    tpu.wait_indirect_dma semaphore(%arg18 : memref<!tpu.dma_semaphore, #tpu.memory_space<semaphore_mem>>) src(%arg9 : memref<128xf32, #tpu.memory_space<vmem>>) dst(%dma_wait3A_55 : memref<10240xf32, #tpu.memory_space<vmem_shared>>)
    %dma_wait3A_56 = arith.constant 157 : i32
    %dma_wait3A_57 = arith.constant 0 : i32
    %dma_wait3A_58 = tpu.memref_slice %arg6[%dma_wait3A_56, %dma_wait3A_57] : memref<158x128xi32, #tpu.memory_space<vmem>> -> memref<1x128xi32, #tpu.memory_space<vmem>>
    %dma_wait3A_59 = tpu.memref_squeeze %dma_wait3A_58 : memref<1x128xi32, #tpu.memory_space<vmem>> -> memref<128xi32, #tpu.memory_space<vmem>>
    %dma_wait3A_60 = arith.constant 0 : i32
    %dma_wait3A_61 = tpu.memref_slice %arg16[%dma_wait3A_60] : memref<10240xf32, #tpu.memory_space<vmem_shared>> -> memref<10240xf32, #tpu.memory_space<vmem_shared>>
    tpu.wait_indirect_dma semaphore(%arg19 : memref<!tpu.dma_semaphore, #tpu.memory_space<semaphore_mem>>) src(%arg9 : memref<128xf32, #tpu.memory_space<vmem>>) dst(%dma_wait3A_61 : memref<10240xf32, #tpu.memory_space<vmem_shared>>)
    %dma_wait3A_62 = arith.constant 0 : i32
    %dma_wait3A_63 = arith.constant 0 : i32
    %dma_wait3A_64 = tpu.memref_slice %arg3[%add3A, %dma_wait3A_62, %dma_wait3A_63] : memref<32x79x128xi32, #tpu.memory_space<hbm>> -> memref<1x79x128xi32, #tpu.memory_space<hbm>>
    %dma_wait3A_65 = tpu.memref_squeeze %dma_wait3A_64 : memref<1x79x128xi32, #tpu.memory_space<hbm>> -> memref<79x128xi32, #tpu.memory_space<hbm>>
    %dma_wait3A_66 = arith.constant 0 : i32
    %dma_wait3A_67 = arith.constant 0 : i32
    %dma_wait3A_68 = tpu.memref_slice %arg3[%add3A, %dma_wait3A_66, %dma_wait3A_67] : memref<32x79x128xi32, #tpu.memory_space<hbm>> -> memref<1x79x128xi32, #tpu.memory_space<hbm>>
    %dma_wait3A_69 = tpu.memref_squeeze %dma_wait3A_68 : memref<1x79x128xi32, #tpu.memory_space<hbm>> -> memref<79x128xi32, #tpu.memory_space<hbm>>
    tpu.wait_dma2 semaphore(%arg22 : memref<!tpu.dma_semaphore, #tpu.memory_space<semaphore_mem>>) src(%dma_wait3A_69 : memref<79x128xi32, #tpu.memory_space<hbm>>) dst(%arg7 : memref<79x128xi32, #tpu.memory_space<vmem>>)
    %barrier3A_70 = arith.constant 0 : index
    tpu.barrier barrier_id(%barrier3A_70)
    tpu.enqueue_dma source(%arg16 : memref<10240xf32, #tpu.memory_space<vmem_shared>>) target(%arg8 : memref<10240xf32, #tpu.memory_space<vmem>>) target_semaphore(%arg19 : memref<!tpu.dma_semaphore, #tpu.memory_space<semaphore_mem>>)
    %eq3A = arith.constant 0 : i32
    %eq3A_71 = arith.cmpi eq, %arg0, %eq3A : i32
    %convert_element_type3A = arith.extui %eq3A_71 : i1 to i32
    %cond3A = arith.constant 0 : i32
    %cond3A_72 = arith.cmpi ne, %convert_element_type3A, %cond3A : i32
    scf.if %cond3A_72 {
      "tpu.region"() ({
        %run_scoped3A = tpu.sem_alloc : memref<!tpu.dma_semaphore, #tpu.memory_space<semaphore_mem>>
        %dma_start3A_240 = tpu.memref_slice %arg16[%mul3A_0] : memref<10240xf32, #tpu.memory_space<vmem_shared>> -> memref<640xf32, #tpu.memory_space<vmem_shared>>
        %dma_start3A_241 = tpu.memref_slice %arg16[%mul3A_0] : memref<10240xf32, #tpu.memory_space<vmem_shared>> -> memref<640xf32, #tpu.memory_space<vmem_shared>>
        tpu.enqueue_dma source(%dma_start3A_241 : memref<640xf32, #tpu.memory_space<vmem_shared>>) target(%arg14 : memref<640xf32, #tpu.memory_space<vmem>>) target_semaphore(%run_scoped3A : memref<!tpu.dma_semaphore, #tpu.memory_space<semaphore_mem>>)
        %dma_wait3A_242 = tpu.memref_slice %arg16[%mul3A_0] : memref<10240xf32, #tpu.memory_space<vmem_shared>> -> memref<640xf32, #tpu.memory_space<vmem_shared>>
        %dma_wait3A_243 = tpu.memref_slice %arg16[%mul3A_0] : memref<10240xf32, #tpu.memory_space<vmem_shared>> -> memref<640xf32, #tpu.memory_space<vmem_shared>>
        tpu.wait_dma2 semaphore(%run_scoped3A : memref<!tpu.dma_semaphore, #tpu.memory_space<semaphore_mem>>) src(%dma_wait3A_243 : memref<640xf32, #tpu.memory_space<vmem_shared>>) dst(%arg14 : memref<640xf32, #tpu.memory_space<vmem>>)
        tpu.yield
      }) : () -> ()
      "tpu.region"() ({
        %run_scoped3A = tpu.sem_alloc : memref<!tpu.dma_semaphore, #tpu.memory_space<semaphore_mem>>
        %dma_start3A_240 = tpu.memref_slice %arg17[%mul3A_0] : memref<10240xf32, #tpu.memory_space<vmem_shared>> -> memref<640xf32, #tpu.memory_space<vmem_shared>>
        %dma_start3A_241 = tpu.memref_slice %arg17[%mul3A_0] : memref<10240xf32, #tpu.memory_space<vmem_shared>> -> memref<640xf32, #tpu.memory_space<vmem_shared>>
        tpu.enqueue_dma source(%arg14 : memref<640xf32, #tpu.memory_space<vmem>>) target(%dma_start3A_241 : memref<640xf32, #tpu.memory_space<vmem_shared>>) target_semaphore(%run_scoped3A : memref<!tpu.dma_semaphore, #tpu.memory_space<semaphore_mem>>)
        %dma_wait3A_242 = tpu.memref_slice %arg17[%mul3A_0] : memref<10240xf32, #tpu.memory_space<vmem_shared>> -> memref<640xf32, #tpu.memory_space<vmem_shared>>
        %dma_wait3A_243 = tpu.memref_slice %arg17[%mul3A_0] : memref<10240xf32, #tpu.memory_space<vmem_shared>> -> memref<640xf32, #tpu.memory_space<vmem_shared>>
        tpu.wait_dma2 semaphore(%run_scoped3A : memref<!tpu.dma_semaphore, #tpu.memory_space<semaphore_mem>>) src(%arg14 : memref<640xf32, #tpu.memory_space<vmem>>) dst(%dma_wait3A_243 : memref<640xf32, #tpu.memory_space<vmem_shared>>)
        tpu.yield
      }) : () -> ()
    } else {
    }
    %ne3A = arith.constant 0 : i32
    %ne3A_73 = arith.cmpi ne, %arg0, %ne3A : i32
    %convert_element_type3A_74 = arith.extui %ne3A_73 : i1 to i32
    %cond3A_75 = arith.constant 0 : i32
    %cond3A_76 = arith.cmpi ne, %convert_element_type3A_74, %cond3A_75 : i32
    scf.if %cond3A_76 {
      %broadcast_in_dim3A_240 = arith.constant 0.000000e+00 : f32
      %broadcast_in_dim3A_241 = vector.broadcast %broadcast_in_dim3A_240 : f32 to vector<16xf32>
      %scan3A_242 = arith.constant 0 : i32
      %scan3A_243 = arith.constant 40 : i32
      %scan3A_244 = arith.addi %scan3A_242, %scan3A_243 : i32
      %scan3A_245 = arith.constant 1 : i32
      scf.for %scan3A_247 = %scan3A_242 to %scan3A_244 step %scan3A_245  : i32 {
        %mul3A_248 = arith.constant 16 : i32
        %mul3A_249 = arith.muli %scan3A_247, %mul3A_248 : i32
        %add3A_250 = arith.constant 0 : i32
        %add3A_251 = arith.addi %add3A_250, %mul3A_249 : i32
        %swap3A = arith.index_cast %add3A_251 : i32 to index
        %swap3A_252 = tpu.vector_load %arg15[%swap3A] {strides = array<i32>} : memref<640xf32, #tpu.memory_space<vmem>>, vector<16xf32>,
        tpu.vector_store %arg15[%swap3A], %broadcast_in_dim3A_241 {strides = array<i32>} : memref<640xf32, #tpu.memory_space<vmem>>, vector<16xf32>,
      }
      %scan3A_246 = arith.constant 40 : i32
      "tpu.region"() ({
        %run_scoped3A = tpu.sem_alloc : memref<!tpu.dma_semaphore, #tpu.memory_space<semaphore_mem>>
        %dma_start3A_247 = tpu.memref_slice %arg17[%mul3A_0] : memref<10240xf32, #tpu.memory_space<vmem_shared>> -> memref<640xf32, #tpu.memory_space<vmem_shared>>
        %dma_start3A_248 = tpu.memref_slice %arg17[%mul3A_0] : memref<10240xf32, #tpu.memory_space<vmem_shared>> -> memref<640xf32, #tpu.memory_space<vmem_shared>>
        tpu.enqueue_dma source(%arg15 : memref<640xf32, #tpu.memory_space<vmem>>) target(%dma_start3A_248 : memref<640xf32, #tpu.memory_space<vmem_shared>>) target_semaphore(%run_scoped3A : memref<!tpu.dma_semaphore, #tpu.memory_space<semaphore_mem>>)
        %dma_wait3A_249 = tpu.memref_slice %arg17[%mul3A_0] : memref<10240xf32, #tpu.memory_space<vmem_shared>> -> memref<640xf32, #tpu.memory_space<vmem_shared>>
        %dma_wait3A_250 = tpu.memref_slice %arg17[%mul3A_0] : memref<10240xf32, #tpu.memory_space<vmem_shared>> -> memref<640xf32, #tpu.memory_space<vmem_shared>>
        tpu.wait_dma2 semaphore(%run_scoped3A : memref<!tpu.dma_semaphore, #tpu.memory_space<semaphore_mem>>) src(%arg15 : memref<640xf32, #tpu.memory_space<vmem>>) dst(%dma_wait3A_250 : memref<640xf32, #tpu.memory_space<vmem_shared>>)
        tpu.yield
      }) : () -> ()
    } else {
    }
    tpu.wait_dma2 semaphore(%arg19 : memref<!tpu.dma_semaphore, #tpu.memory_space<semaphore_mem>>) src(%arg16 : memref<10240xf32, #tpu.memory_space<vmem_shared>>) dst(%arg8 : memref<10240xf32, #tpu.memory_space<vmem>>)
    %barrier3A_77 = arith.constant 0 : index
    tpu.barrier barrier_id(%barrier3A_77)
    %mul3A_78 = arith.constant 79 : i32
    %mul3A_79 = arith.muli %arg0, %mul3A_78 : i32
    %scan3A_80 = arith.constant 0 : i32
    %scan3A_81 = arith.constant 8 : i32
    %scan3A_82 = arith.addi %scan3A_80, %scan3A_81 : i32
    %scan3A_83 = arith.constant 1 : i32
    scf.for %scan3A_240 = %scan3A_80 to %scan3A_82 step %scan3A_83  : i32 {
      %mul3A_241 = arith.constant 16 : i32
      %mul3A_242 = arith.muli %scan3A_240, %mul3A_241 : i32
      %add3A_243 = arith.constant 0 : i32
      %add3A_244 = arith.addi %add3A_243, %mul3A_242 : i32
      %get3A = arith.constant 0 : i32
      %get3A_245 = arith.index_cast %get3A : i32 to index
      %get3A_246 = arith.index_cast %add3A_244 : i32 to index
      %get3A_247 = tpu.vector_load %arg7[%get3A_245, %get3A_246] {strides = array<i32>} : memref<79x128xi32, #tpu.memory_space<vmem>>, vector<16xi32>,
      %gather3A = tpu.vector_load_idx %arg8[%get3A_247] : memref<10240xf32, #tpu.memory_space<vmem>>[vector<16xi32>], vector<16xf32>,
      %swap3A = arith.index_cast %add3A_244 : i32 to index
      %swap3A_248 = tpu.vector_load %arg10[%swap3A] {strides = array<i32>} : memref<128xf32, #tpu.memory_space<vmem>>, vector<16xf32>,
      tpu.vector_store %arg10[%swap3A], %gather3A {strides = array<i32>} : memref<128xf32, #tpu.memory_space<vmem>>, vector<16xf32>,
    }
    %scan3A_84 = arith.constant 8 : i32
    %add3A_85 = arith.constant 0 : i32
    %add3A_86 = arith.addi %mul3A_79, %add3A_85 : i32
    %dma_start3A_87 = arith.constant 0 : i32
    %dma_start3A_88 = tpu.memref_slice %arg6[%add3A_86, %dma_start3A_87] : memref<158x128xi32, #tpu.memory_space<vmem>> -> memref<1x128xi32, #tpu.memory_space<vmem>>
    %dma_start3A_89 = tpu.memref_squeeze %dma_start3A_88 : memref<1x128xi32, #tpu.memory_space<vmem>> -> memref<128xi32, #tpu.memory_space<vmem>>
    %dma_start3A_90 = arith.constant 0 : i32
    %dma_start3A_91 = tpu.memref_slice %arg17[%dma_start3A_90] : memref<10240xf32, #tpu.memory_space<vmem_shared>> -> memref<10240xf32, #tpu.memory_space<vmem_shared>>
    tpu.enqueue_indirect_dma source(%arg10 : memref<128xf32, #tpu.memory_space<vmem>>) target(%dma_start3A_91 : memref<10240xf32, #tpu.memory_space<vmem_shared>>) offsets(%dma_start3A_89 : memref<128xi32, #tpu.memory_space<vmem>>) semaphore(%arg22 : memref<!tpu.dma_semaphore, #tpu.memory_space<semaphore_mem>>) {add = true}
    %scan3A_92 = arith.constant 0 : i32
    %scan3A_93 = arith.constant 8 : i32
    %scan3A_94 = arith.addi %scan3A_92, %scan3A_93 : i32
    %scan3A_95 = arith.constant 1 : i32
    scf.for %scan3A_240 = %scan3A_92 to %scan3A_94 step %scan3A_95  : i32 {
      %mul3A_241 = arith.constant 16 : i32
      %mul3A_242 = arith.muli %scan3A_240, %mul3A_241 : i32
      %add3A_243 = arith.constant 0 : i32
      %add3A_244 = arith.addi %add3A_243, %mul3A_242 : i32
      %get3A = arith.constant 1 : i32
      %get3A_245 = arith.index_cast %get3A : i32 to index
      %get3A_246 = arith.index_cast %add3A_244 : i32 to index
      %get3A_247 = tpu.vector_load %arg7[%get3A_245, %get3A_246] {strides = array<i32>} : memref<79x128xi32, #tpu.memory_space<vmem>>, vector<16xi32>,
      %gather3A = tpu.vector_load_idx %arg8[%get3A_247] : memref<10240xf32, #tpu.memory_space<vmem>>[vector<16xi32>], vector<16xf32>,
      %swap3A = arith.index_cast %add3A_244 : i32 to index
      %swap3A_248 = tpu.vector_load %arg11[%swap3A] {strides = array<i32>} : memref<128xf32, #tpu.memory_space<vmem>>, vector<16xf32>,
      tpu.vector_store %arg11[%swap3A], %gather3A {strides = array<i32>} : memref<128xf32, #tpu.memory_space<vmem>>, vector<16xf32>,
    }
    %scan3A_96 = arith.constant 8 : i32
    %add3A_97 = arith.constant 1 : i32
    %add3A_98 = arith.addi %mul3A_79, %add3A_97 : i32
    %dma_start3A_99 = arith.constant 0 : i32
    %dma_start3A_100 = tpu.memref_slice %arg6[%add3A_98, %dma_start3A_99] : memref<158x128xi32, #tpu.memory_space<vmem>> -> memref<1x128xi32, #tpu.memory_space<vmem>>
    %dma_start3A_101 = tpu.memref_squeeze %dma_start3A_100 : memref<1x128xi32, #tpu.memory_space<vmem>> -> memref<128xi32, #tpu.memory_space<vmem>>
    %dma_start3A_102 = arith.constant 0 : i32
    %dma_start3A_103 = tpu.memref_slice %arg17[%dma_start3A_102] : memref<10240xf32, #tpu.memory_space<vmem_shared>> -> memref<10240xf32, #tpu.memory_space<vmem_shared>>
    tpu.enqueue_indirect_dma source(%arg11 : memref<128xf32, #tpu.memory_space<vmem>>) target(%dma_start3A_103 : memref<10240xf32, #tpu.memory_space<vmem_shared>>) offsets(%dma_start3A_101 : memref<128xi32, #tpu.memory_space<vmem>>) semaphore(%arg23 : memref<!tpu.dma_semaphore, #tpu.memory_space<semaphore_mem>>) {add = true}
    %scan3A_104 = arith.constant 0 : i32
    %scan3A_105 = arith.constant 8 : i32
    %scan3A_106 = arith.addi %scan3A_104, %scan3A_105 : i32
    %scan3A_107 = arith.constant 1 : i32
    scf.for %scan3A_240 = %scan3A_104 to %scan3A_106 step %scan3A_107  : i32 {
      %mul3A_241 = arith.constant 16 : i32
      %mul3A_242 = arith.muli %scan3A_240, %mul3A_241 : i32
      %add3A_243 = arith.constant 0 : i32
      %add3A_244 = arith.addi %add3A_243, %mul3A_242 : i32
      %get3A = arith.constant 2 : i32
      %get3A_245 = arith.index_cast %get3A : i32 to index
      %get3A_246 = arith.index_cast %add3A_244 : i32 to index
      %get3A_247 = tpu.vector_load %arg7[%get3A_245, %get3A_246] {strides = array<i32>} : memref<79x128xi32, #tpu.memory_space<vmem>>, vector<16xi32>,
      %gather3A = tpu.vector_load_idx %arg8[%get3A_247] : memref<10240xf32, #tpu.memory_space<vmem>>[vector<16xi32>], vector<16xf32>,
      %swap3A = arith.index_cast %add3A_244 : i32 to index
      %swap3A_248 = tpu.vector_load %arg12[%swap3A] {strides = array<i32>} : memref<128xf32, #tpu.memory_space<vmem>>, vector<16xf32>,
      tpu.vector_store %arg12[%swap3A], %gather3A {strides = array<i32>} : memref<128xf32, #tpu.memory_space<vmem>>, vector<16xf32>,
    }
    %scan3A_108 = arith.constant 8 : i32
    %add3A_109 = arith.constant 2 : i32
    %add3A_110 = arith.addi %mul3A_79, %add3A_109 : i32
    %dma_start3A_111 = arith.constant 0 : i32
    %dma_start3A_112 = tpu.memref_slice %arg6[%add3A_110, %dma_start3A_111] : memref<158x128xi32, #tpu.memory_space<vmem>> -> memref<1x128xi32, #tpu.memory_space<vmem>>
    %dma_start3A_113 = tpu.memref_squeeze %dma_start3A_112 : memref<1x128xi32, #tpu.memory_space<vmem>> -> memref<128xi32, #tpu.memory_space<vmem>>
    %dma_start3A_114 = arith.constant 0 : i32
    %dma_start3A_115 = tpu.memref_slice %arg17[%dma_start3A_114] : memref<10240xf32, #tpu.memory_space<vmem_shared>> -> memref<10240xf32, #tpu.memory_space<vmem_shared>>
    tpu.enqueue_indirect_dma source(%arg12 : memref<128xf32, #tpu.memory_space<vmem>>) target(%dma_start3A_115 : memref<10240xf32, #tpu.memory_space<vmem_shared>>) offsets(%dma_start3A_113 : memref<128xi32, #tpu.memory_space<vmem>>) semaphore(%arg24 : memref<!tpu.dma_semaphore, #tpu.memory_space<semaphore_mem>>) {add = true}
    %scan3A_116 = arith.constant 0 : i32
    %scan3A_117 = arith.constant 8 : i32
    %scan3A_118 = arith.addi %scan3A_116, %scan3A_117 : i32
    %scan3A_119 = arith.constant 1 : i32
    scf.for %scan3A_240 = %scan3A_116 to %scan3A_118 step %scan3A_119  : i32 {
      %mul3A_241 = arith.constant 16 : i32
      %mul3A_242 = arith.muli %scan3A_240, %mul3A_241 : i32
      %add3A_243 = arith.constant 0 : i32
      %add3A_244 = arith.addi %add3A_243, %mul3A_242 : i32
      %get3A = arith.constant 3 : i32
      %get3A_245 = arith.index_cast %get3A : i32 to index
      %get3A_246 = arith.index_cast %add3A_244 : i32 to index
      %get3A_247 = tpu.vector_load %arg7[%get3A_245, %get3A_246] {strides = array<i32>} : memref<79x128xi32, #tpu.memory_space<vmem>>, vector<16xi32>,
      %gather3A = tpu.vector_load_idx %arg8[%get3A_247] : memref<10240xf32, #tpu.memory_space<vmem>>[vector<16xi32>], vector<16xf32>,
      %swap3A = arith.index_cast %add3A_244 : i32 to index
      %swap3A_248 = tpu.vector_load %arg13[%swap3A] {strides = array<i32>} : memref<128xf32, #tpu.memory_space<vmem>>, vector<16xf32>,
      tpu.vector_store %arg13[%swap3A], %gather3A {strides = array<i32>} : memref<128xf32, #tpu.memory_space<vmem>>, vector<16xf32>,
    }
    %scan3A_120 = arith.constant 8 : i32
    %add3A_121 = arith.constant 3 : i32
    %add3A_122 = arith.addi %mul3A_79, %add3A_121 : i32
    %dma_start3A_123 = arith.constant 0 : i32
    %dma_start3A_124 = tpu.memref_slice %arg6[%add3A_122, %dma_start3A_123] : memref<158x128xi32, #tpu.memory_space<vmem>> -> memref<1x128xi32, #tpu.memory_space<vmem>>
    %dma_start3A_125 = tpu.memref_squeeze %dma_start3A_124 : memref<1x128xi32, #tpu.memory_space<vmem>> -> memref<128xi32, #tpu.memory_space<vmem>>
    %dma_start3A_126 = arith.constant 0 : i32
    %dma_start3A_127 = tpu.memref_slice %arg17[%dma_start3A_126] : memref<10240xf32, #tpu.memory_space<vmem_shared>> -> memref<10240xf32, #tpu.memory_space<vmem_shared>>
    tpu.enqueue_indirect_dma source(%arg13 : memref<128xf32, #tpu.memory_space<vmem>>) target(%dma_start3A_127 : memref<10240xf32, #tpu.memory_space<vmem_shared>>) offsets(%dma_start3A_125 : memref<128xi32, #tpu.memory_space<vmem>>) semaphore(%arg25 : memref<!tpu.dma_semaphore, #tpu.memory_space<semaphore_mem>>) {add = true}
    %scan3A_128 = arith.constant 0 : i32
    %scan3A_129 = arith.constant 18 : i32
    %scan3A_130 = arith.addi %scan3A_128, %scan3A_129 : i32
    %scan3A_131 = arith.constant 1 : i32
    scf.for %scan3A_240 = %scan3A_128 to %scan3A_130 step %scan3A_131  : i32 {
      %mul3A_241 = arith.constant 4 : i32
      %mul3A_242 = arith.muli %scan3A_240, %mul3A_241 : i32
      %add3A_243 = arith.constant 4 : i32
      %add3A_244 = arith.addi %add3A_243, %mul3A_242 : i32
      %add3A_245 = arith.constant 0 : i32
      %add3A_246 = arith.addi %add3A_244, %add3A_245 : i32
      %add3A_247 = arith.addi %mul3A_79, %add3A_246 : i32
      %dma_wait3A_248 = arith.constant 0 : i32
      %dma_wait3A_249 = tpu.memref_slice %arg6[%add3A_247, %dma_wait3A_248] : memref<158x128xi32, #tpu.memory_space<vmem>> -> memref<1x128xi32, #tpu.memory_space<vmem>>
      %dma_wait3A_250 = tpu.memref_squeeze %dma_wait3A_249 : memref<1x128xi32, #tpu.memory_space<vmem>> -> memref<128xi32, #tpu.memory_space<vmem>>
      %dma_wait3A_251 = arith.constant 0 : i32
      %dma_wait3A_252 = tpu.memref_slice %arg17[%dma_wait3A_251] : memref<10240xf32, #tpu.memory_space<vmem_shared>> -> memref<10240xf32, #tpu.memory_space<vmem_shared>>
      tpu.wait_indirect_dma semaphore(%arg22 : memref<!tpu.dma_semaphore, #tpu.memory_space<semaphore_mem>>) src(%arg10 : memref<128xf32, #tpu.memory_space<vmem>>) dst(%dma_wait3A_252 : memref<10240xf32, #tpu.memory_space<vmem_shared>>)
      %scan3A_253 = arith.constant 0 : i32
      %scan3A_254 = arith.constant 8 : i32
      %scan3A_255 = arith.addi %scan3A_253, %scan3A_254 : i32
      %scan3A_256 = arith.constant 1 : i32
      scf.for %scan3A_321 = %scan3A_253 to %scan3A_255 step %scan3A_256  : i32 {
        %mul3A_322 = arith.constant 16 : i32
        %mul3A_323 = arith.muli %scan3A_321, %mul3A_322 : i32
        %add3A_324 = arith.constant 0 : i32
        %add3A_325 = arith.addi %add3A_324, %mul3A_323 : i32
        %get3A = arith.index_cast %add3A_246 : i32 to index
        %get3A_326 = arith.index_cast %add3A_325 : i32 to index
        %get3A_327 = tpu.vector_load %arg7[%get3A, %get3A_326] {strides = array<i32>} : memref<79x128xi32, #tpu.memory_space<vmem>>, vector<16xi32>,
        %gather3A = tpu.vector_load_idx %arg8[%get3A_327] : memref<10240xf32, #tpu.memory_space<vmem>>[vector<16xi32>], vector<16xf32>,
        %swap3A = arith.index_cast %add3A_325 : i32 to index
        %swap3A_328 = tpu.vector_load %arg10[%swap3A] {strides = array<i32>} : memref<128xf32, #tpu.memory_space<vmem>>, vector<16xf32>,
        tpu.vector_store %arg10[%swap3A], %gather3A {strides = array<i32>} : memref<128xf32, #tpu.memory_space<vmem>>, vector<16xf32>,
      }
      %scan3A_257 = arith.constant 8 : i32
      %add3A_258 = arith.addi %mul3A_79, %add3A_246 : i32
      %dma_start3A_259 = arith.constant 0 : i32
      %dma_start3A_260 = tpu.memref_slice %arg6[%add3A_258, %dma_start3A_259] : memref<158x128xi32, #tpu.memory_space<vmem>> -> memref<1x128xi32, #tpu.memory_space<vmem>>
      %dma_start3A_261 = tpu.memref_squeeze %dma_start3A_260 : memref<1x128xi32, #tpu.memory_space<vmem>> -> memref<128xi32, #tpu.memory_space<vmem>>
      %dma_start3A_262 = arith.constant 0 : i32
      %dma_start3A_263 = tpu.memref_slice %arg17[%dma_start3A_262] : memref<10240xf32, #tpu.memory_space<vmem_shared>> -> memref<10240xf32, #tpu.memory_space<vmem_shared>>
      tpu.enqueue_indirect_dma source(%arg10 : memref<128xf32, #tpu.memory_space<vmem>>) target(%dma_start3A_263 : memref<10240xf32, #tpu.memory_space<vmem_shared>>) offsets(%dma_start3A_261 : memref<128xi32, #tpu.memory_space<vmem>>) semaphore(%arg22 : memref<!tpu.dma_semaphore, #tpu.memory_space<semaphore_mem>>) {add = true}
      %add3A_264 = arith.constant 1 : i32
      %add3A_265 = arith.addi %add3A_244, %add3A_264 : i32
      %add3A_266 = arith.addi %mul3A_79, %add3A_265 : i32
      %dma_wait3A_267 = arith.constant 0 : i32
      %dma_wait3A_268 = tpu.memref_slice %arg6[%add3A_266, %dma_wait3A_267] : memref<158x128xi32, #tpu.memory_space<vmem>> -> memref<1x128xi32, #tpu.memory_space<vmem>>
      %dma_wait3A_269 = tpu.memref_squeeze %dma_wait3A_268 : memref<1x128xi32, #tpu.memory_space<vmem>> -> memref<128xi32, #tpu.memory_space<vmem>>
      %dma_wait3A_270 = arith.constant 0 : i32
      %dma_wait3A_271 = tpu.memref_slice %arg17[%dma_wait3A_270] : memref<10240xf32, #tpu.memory_space<vmem_shared>> -> memref<10240xf32, #tpu.memory_space<vmem_shared>>
      tpu.wait_indirect_dma semaphore(%arg23 : memref<!tpu.dma_semaphore, #tpu.memory_space<semaphore_mem>>) src(%arg11 : memref<128xf32, #tpu.memory_space<vmem>>) dst(%dma_wait3A_271 : memref<10240xf32, #tpu.memory_space<vmem_shared>>)
      %scan3A_272 = arith.constant 0 : i32
      %scan3A_273 = arith.constant 8 : i32
      %scan3A_274 = arith.addi %scan3A_272, %scan3A_273 : i32
      %scan3A_275 = arith.constant 1 : i32
      scf.for %scan3A_321 = %scan3A_272 to %scan3A_274 step %scan3A_275  : i32 {
        %mul3A_322 = arith.constant 16 : i32
        %mul3A_323 = arith.muli %scan3A_321, %mul3A_322 : i32
        %add3A_324 = arith.constant 0 : i32
        %add3A_325 = arith.addi %add3A_324, %mul3A_323 : i32
        %get3A = arith.index_cast %add3A_265 : i32 to index
        %get3A_326 = arith.index_cast %add3A_325 : i32 to index
        %get3A_327 = tpu.vector_load %arg7[%get3A, %get3A_326] {strides = array<i32>} : memref<79x128xi32, #tpu.memory_space<vmem>>, vector<16xi32>,
        %gather3A = tpu.vector_load_idx %arg8[%get3A_327] : memref<10240xf32, #tpu.memory_space<vmem>>[vector<16xi32>], vector<16xf32>,
        %swap3A = arith.index_cast %add3A_325 : i32 to index
        %swap3A_328 = tpu.vector_load %arg11[%swap3A] {strides = array<i32>} : memref<128xf32, #tpu.memory_space<vmem>>, vector<16xf32>,
        tpu.vector_store %arg11[%swap3A], %gather3A {strides = array<i32>} : memref<128xf32, #tpu.memory_space<vmem>>, vector<16xf32>,
      }
      %scan3A_276 = arith.constant 8 : i32
      %add3A_277 = arith.addi %mul3A_79, %add3A_265 : i32
      %dma_start3A_278 = arith.constant 0 : i32
      %dma_start3A_279 = tpu.memref_slice %arg6[%add3A_277, %dma_start3A_278] : memref<158x128xi32, #tpu.memory_space<vmem>> -> memref<1x128xi32, #tpu.memory_space<vmem>>
      %dma_start3A_280 = tpu.memref_squeeze %dma_start3A_279 : memref<1x128xi32, #tpu.memory_space<vmem>> -> memref<128xi32, #tpu.memory_space<vmem>>
      %dma_start3A_281 = arith.constant 0 : i32
      %dma_start3A_282 = tpu.memref_slice %arg17[%dma_start3A_281] : memref<10240xf32, #tpu.memory_space<vmem_shared>> -> memref<10240xf32, #tpu.memory_space<vmem_shared>>
      tpu.enqueue_indirect_dma source(%arg11 : memref<128xf32, #tpu.memory_space<vmem>>) target(%dma_start3A_282 : memref<10240xf32, #tpu.memory_space<vmem_shared>>) offsets(%dma_start3A_280 : memref<128xi32, #tpu.memory_space<vmem>>) semaphore(%arg23 : memref<!tpu.dma_semaphore, #tpu.memory_space<semaphore_mem>>) {add = true}
      %add3A_283 = arith.constant 2 : i32
      %add3A_284 = arith.addi %add3A_244, %add3A_283 : i32
      %add3A_285 = arith.addi %mul3A_79, %add3A_284 : i32
      %dma_wait3A_286 = arith.constant 0 : i32
      %dma_wait3A_287 = tpu.memref_slice %arg6[%add3A_285, %dma_wait3A_286] : memref<158x128xi32, #tpu.memory_space<vmem>> -> memref<1x128xi32, #tpu.memory_space<vmem>>
      %dma_wait3A_288 = tpu.memref_squeeze %dma_wait3A_287 : memref<1x128xi32, #tpu.memory_space<vmem>> -> memref<128xi32, #tpu.memory_space<vmem>>
      %dma_wait3A_289 = arith.constant 0 : i32
      %dma_wait3A_290 = tpu.memref_slice %arg17[%dma_wait3A_289] : memref<10240xf32, #tpu.memory_space<vmem_shared>> -> memref<10240xf32, #tpu.memory_space<vmem_shared>>
      tpu.wait_indirect_dma semaphore(%arg24 : memref<!tpu.dma_semaphore, #tpu.memory_space<semaphore_mem>>) src(%arg12 : memref<128xf32, #tpu.memory_space<vmem>>) dst(%dma_wait3A_290 : memref<10240xf32, #tpu.memory_space<vmem_shared>>)
      %scan3A_291 = arith.constant 0 : i32
      %scan3A_292 = arith.constant 8 : i32
      %scan3A_293 = arith.addi %scan3A_291, %scan3A_292 : i32
      %scan3A_294 = arith.constant 1 : i32
      scf.for %scan3A_321 = %scan3A_291 to %scan3A_293 step %scan3A_294  : i32 {
        %mul3A_322 = arith.constant 16 : i32
        %mul3A_323 = arith.muli %scan3A_321, %mul3A_322 : i32
        %add3A_324 = arith.constant 0 : i32
        %add3A_325 = arith.addi %add3A_324, %mul3A_323 : i32
        %get3A = arith.index_cast %add3A_284 : i32 to index
        %get3A_326 = arith.index_cast %add3A_325 : i32 to index
        %get3A_327 = tpu.vector_load %arg7[%get3A, %get3A_326] {strides = array<i32>} : memref<79x128xi32, #tpu.memory_space<vmem>>, vector<16xi32>,
        %gather3A = tpu.vector_load_idx %arg8[%get3A_327] : memref<10240xf32, #tpu.memory_space<vmem>>[vector<16xi32>], vector<16xf32>,
        %swap3A = arith.index_cast %add3A_325 : i32 to index
        %swap3A_328 = tpu.vector_load %arg12[%swap3A] {strides = array<i32>} : memref<128xf32, #tpu.memory_space<vmem>>, vector<16xf32>,
        tpu.vector_store %arg12[%swap3A], %gather3A {strides = array<i32>} : memref<128xf32, #tpu.memory_space<vmem>>, vector<16xf32>,
      }
      %scan3A_295 = arith.constant 8 : i32
      %add3A_296 = arith.addi %mul3A_79, %add3A_284 : i32
      %dma_start3A_297 = arith.constant 0 : i32
      %dma_start3A_298 = tpu.memref_slice %arg6[%add3A_296, %dma_start3A_297] : memref<158x128xi32, #tpu.memory_space<vmem>> -> memref<1x128xi32, #tpu.memory_space<vmem>>
      %dma_start3A_299 = tpu.memref_squeeze %dma_start3A_298 : memref<1x128xi32, #tpu.memory_space<vmem>> -> memref<128xi32, #tpu.memory_space<vmem>>
      %dma_start3A_300 = arith.constant 0 : i32
      %dma_start3A_301 = tpu.memref_slice %arg17[%dma_start3A_300] : memref<10240xf32, #tpu.memory_space<vmem_shared>> -> memref<10240xf32, #tpu.memory_space<vmem_shared>>
      tpu.enqueue_indirect_dma source(%arg12 : memref<128xf32, #tpu.memory_space<vmem>>) target(%dma_start3A_301 : memref<10240xf32, #tpu.memory_space<vmem_shared>>) offsets(%dma_start3A_299 : memref<128xi32, #tpu.memory_space<vmem>>) semaphore(%arg24 : memref<!tpu.dma_semaphore, #tpu.memory_space<semaphore_mem>>) {add = true}
      %add3A_302 = arith.constant 3 : i32
      %add3A_303 = arith.addi %add3A_244, %add3A_302 : i32
      %add3A_304 = arith.addi %mul3A_79, %add3A_303 : i32
      %dma_wait3A_305 = arith.constant 0 : i32
      %dma_wait3A_306 = tpu.memref_slice %arg6[%add3A_304, %dma_wait3A_305] : memref<158x128xi32, #tpu.memory_space<vmem>> -> memref<1x128xi32, #tpu.memory_space<vmem>>
      %dma_wait3A_307 = tpu.memref_squeeze %dma_wait3A_306 : memref<1x128xi32, #tpu.memory_space<vmem>> -> memref<128xi32, #tpu.memory_space<vmem>>
      %dma_wait3A_308 = arith.constant 0 : i32
      %dma_wait3A_309 = tpu.memref_slice %arg17[%dma_wait3A_308] : memref<10240xf32, #tpu.memory_space<vmem_shared>> -> memref<10240xf32, #tpu.memory_space<vmem_shared>>
      tpu.wait_indirect_dma semaphore(%arg25 : memref<!tpu.dma_semaphore, #tpu.memory_space<semaphore_mem>>) src(%arg13 : memref<128xf32, #tpu.memory_space<vmem>>) dst(%dma_wait3A_309 : memref<10240xf32, #tpu.memory_space<vmem_shared>>)
      %scan3A_310 = arith.constant 0 : i32
      %scan3A_311 = arith.constant 8 : i32
      %scan3A_312 = arith.addi %scan3A_310, %scan3A_311 : i32
      %scan3A_313 = arith.constant 1 : i32
      scf.for %scan3A_321 = %scan3A_310 to %scan3A_312 step %scan3A_313  : i32 {
        %mul3A_322 = arith.constant 16 : i32
        %mul3A_323 = arith.muli %scan3A_321, %mul3A_322 : i32
        %add3A_324 = arith.constant 0 : i32
        %add3A_325 = arith.addi %add3A_324, %mul3A_323 : i32
        %get3A = arith.index_cast %add3A_303 : i32 to index
        %get3A_326 = arith.index_cast %add3A_325 : i32 to index
        %get3A_327 = tpu.vector_load %arg7[%get3A, %get3A_326] {strides = array<i32>} : memref<79x128xi32, #tpu.memory_space<vmem>>, vector<16xi32>,
        %gather3A = tpu.vector_load_idx %arg8[%get3A_327] : memref<10240xf32, #tpu.memory_space<vmem>>[vector<16xi32>], vector<16xf32>,
        %swap3A = arith.index_cast %add3A_325 : i32 to index
        %swap3A_328 = tpu.vector_load %arg13[%swap3A] {strides = array<i32>} : memref<128xf32, #tpu.memory_space<vmem>>, vector<16xf32>,
        tpu.vector_store %arg13[%swap3A], %gather3A {strides = array<i32>} : memref<128xf32, #tpu.memory_space<vmem>>, vector<16xf32>,
      }
      %scan3A_314 = arith.constant 8 : i32
      %add3A_315 = arith.addi %mul3A_79, %add3A_303 : i32
      %dma_start3A_316 = arith.constant 0 : i32
      %dma_start3A_317 = tpu.memref_slice %arg6[%add3A_315, %dma_start3A_316] : memref<158x128xi32, #tpu.memory_space<vmem>> -> memref<1x128xi32, #tpu.memory_space<vmem>>
      %dma_start3A_318 = tpu.memref_squeeze %dma_start3A_317 : memref<1x128xi32, #tpu.memory_space<vmem>> -> memref<128xi32, #tpu.memory_space<vmem>>
      %dma_start3A_319 = arith.constant 0 : i32
      %dma_start3A_320 = tpu.memref_slice %arg17[%dma_start3A_319] : memref<10240xf32, #tpu.memory_space<vmem_shared>> -> memref<10240xf32, #tpu.memory_space<vmem_shared>>
      tpu.enqueue_indirect_dma source(%arg13 : memref<128xf32, #tpu.memory_space<vmem>>) target(%dma_start3A_320 : memref<10240xf32, #tpu.memory_space<vmem_shared>>) offsets(%dma_start3A_318 : memref<128xi32, #tpu.memory_space<vmem>>) semaphore(%arg25 : memref<!tpu.dma_semaphore, #tpu.memory_space<semaphore_mem>>) {add = true}
    }
    %scan3A_132 = arith.constant 18 : i32
    %add3A_133 = arith.constant 76 : i32
    %add3A_134 = arith.addi %mul3A_79, %add3A_133 : i32
    %dma_wait3A_135 = arith.constant 0 : i32
    %dma_wait3A_136 = tpu.memref_slice %arg6[%add3A_134, %dma_wait3A_135] : memref<158x128xi32, #tpu.memory_space<vmem>> -> memref<1x128xi32, #tpu.memory_space<vmem>>
    %dma_wait3A_137 = tpu.memref_squeeze %dma_wait3A_136 : memref<1x128xi32, #tpu.memory_space<vmem>> -> memref<128xi32, #tpu.memory_space<vmem>>
    %dma_wait3A_138 = arith.constant 0 : i32
    %dma_wait3A_139 = tpu.memref_slice %arg17[%dma_wait3A_138] : memref<10240xf32, #tpu.memory_space<vmem_shared>> -> memref<10240xf32, #tpu.memory_space<vmem_shared>>
    tpu.wait_indirect_dma semaphore(%arg22 : memref<!tpu.dma_semaphore, #tpu.memory_space<semaphore_mem>>) src(%arg10 : memref<128xf32, #tpu.memory_space<vmem>>) dst(%dma_wait3A_139 : memref<10240xf32, #tpu.memory_space<vmem_shared>>)
    %scan3A_140 = arith.constant 0 : i32
    %scan3A_141 = arith.constant 8 : i32
    %scan3A_142 = arith.addi %scan3A_140, %scan3A_141 : i32
    %scan3A_143 = arith.constant 1 : i32
    scf.for %scan3A_240 = %scan3A_140 to %scan3A_142 step %scan3A_143  : i32 {
      %mul3A_241 = arith.constant 16 : i32
      %mul3A_242 = arith.muli %scan3A_240, %mul3A_241 : i32
      %add3A_243 = arith.constant 0 : i32
      %add3A_244 = arith.addi %add3A_243, %mul3A_242 : i32
      %get3A = arith.constant 76 : i32
      %get3A_245 = arith.index_cast %get3A : i32 to index
      %get3A_246 = arith.index_cast %add3A_244 : i32 to index
      %get3A_247 = tpu.vector_load %arg7[%get3A_245, %get3A_246] {strides = array<i32>} : memref<79x128xi32, #tpu.memory_space<vmem>>, vector<16xi32>,
      %gather3A = tpu.vector_load_idx %arg8[%get3A_247] : memref<10240xf32, #tpu.memory_space<vmem>>[vector<16xi32>], vector<16xf32>,
      %swap3A = arith.index_cast %add3A_244 : i32 to index
      %swap3A_248 = tpu.vector_load %arg10[%swap3A] {strides = array<i32>} : memref<128xf32, #tpu.memory_space<vmem>>, vector<16xf32>,
      tpu.vector_store %arg10[%swap3A], %gather3A {strides = array<i32>} : memref<128xf32, #tpu.memory_space<vmem>>, vector<16xf32>,
    }
    %scan3A_144 = arith.constant 8 : i32
    %add3A_145 = arith.constant 76 : i32
    %add3A_146 = arith.addi %mul3A_79, %add3A_145 : i32
    %dma_start3A_147 = arith.constant 0 : i32
    %dma_start3A_148 = tpu.memref_slice %arg6[%add3A_146, %dma_start3A_147] : memref<158x128xi32, #tpu.memory_space<vmem>> -> memref<1x128xi32, #tpu.memory_space<vmem>>
    %dma_start3A_149 = tpu.memref_squeeze %dma_start3A_148 : memref<1x128xi32, #tpu.memory_space<vmem>> -> memref<128xi32, #tpu.memory_space<vmem>>
    %dma_start3A_150 = arith.constant 0 : i32
    %dma_start3A_151 = tpu.memref_slice %arg17[%dma_start3A_150] : memref<10240xf32, #tpu.memory_space<vmem_shared>> -> memref<10240xf32, #tpu.memory_space<vmem_shared>>
    tpu.enqueue_indirect_dma source(%arg10 : memref<128xf32, #tpu.memory_space<vmem>>) target(%dma_start3A_151 : memref<10240xf32, #tpu.memory_space<vmem_shared>>) offsets(%dma_start3A_149 : memref<128xi32, #tpu.memory_space<vmem>>) semaphore(%arg22 : memref<!tpu.dma_semaphore, #tpu.memory_space<semaphore_mem>>) {add = true}
    %add3A_152 = arith.constant 77 : i32
    %add3A_153 = arith.addi %mul3A_79, %add3A_152 : i32
    %dma_wait3A_154 = arith.constant 0 : i32
    %dma_wait3A_155 = tpu.memref_slice %arg6[%add3A_153, %dma_wait3A_154] : memref<158x128xi32, #tpu.memory_space<vmem>> -> memref<1x128xi32, #tpu.memory_space<vmem>>
    %dma_wait3A_156 = tpu.memref_squeeze %dma_wait3A_155 : memref<1x128xi32, #tpu.memory_space<vmem>> -> memref<128xi32, #tpu.memory_space<vmem>>
    %dma_wait3A_157 = arith.constant 0 : i32
    %dma_wait3A_158 = tpu.memref_slice %arg17[%dma_wait3A_157] : memref<10240xf32, #tpu.memory_space<vmem_shared>> -> memref<10240xf32, #tpu.memory_space<vmem_shared>>
    tpu.wait_indirect_dma semaphore(%arg23 : memref<!tpu.dma_semaphore, #tpu.memory_space<semaphore_mem>>) src(%arg11 : memref<128xf32, #tpu.memory_space<vmem>>) dst(%dma_wait3A_158 : memref<10240xf32, #tpu.memory_space<vmem_shared>>)
    %scan3A_159 = arith.constant 0 : i32
    %scan3A_160 = arith.constant 8 : i32
    %scan3A_161 = arith.addi %scan3A_159, %scan3A_160 : i32
    %scan3A_162 = arith.constant 1 : i32
    scf.for %scan3A_240 = %scan3A_159 to %scan3A_161 step %scan3A_162  : i32 {
      %mul3A_241 = arith.constant 16 : i32
      %mul3A_242 = arith.muli %scan3A_240, %mul3A_241 : i32
      %add3A_243 = arith.constant 0 : i32
      %add3A_244 = arith.addi %add3A_243, %mul3A_242 : i32
      %get3A = arith.constant 77 : i32
      %get3A_245 = arith.index_cast %get3A : i32 to index
      %get3A_246 = arith.index_cast %add3A_244 : i32 to index
      %get3A_247 = tpu.vector_load %arg7[%get3A_245, %get3A_246] {strides = array<i32>} : memref<79x128xi32, #tpu.memory_space<vmem>>, vector<16xi32>,
      %gather3A = tpu.vector_load_idx %arg8[%get3A_247] : memref<10240xf32, #tpu.memory_space<vmem>>[vector<16xi32>], vector<16xf32>,
      %swap3A = arith.index_cast %add3A_244 : i32 to index
      %swap3A_248 = tpu.vector_load %arg11[%swap3A] {strides = array<i32>} : memref<128xf32, #tpu.memory_space<vmem>>, vector<16xf32>,
      tpu.vector_store %arg11[%swap3A], %gather3A {strides = array<i32>} : memref<128xf32, #tpu.memory_space<vmem>>, vector<16xf32>,
    }
    %scan3A_163 = arith.constant 8 : i32
    %add3A_164 = arith.constant 77 : i32
    %add3A_165 = arith.addi %mul3A_79, %add3A_164 : i32
    %dma_start3A_166 = arith.constant 0 : i32
    %dma_start3A_167 = tpu.memref_slice %arg6[%add3A_165, %dma_start3A_166] : memref<158x128xi32, #tpu.memory_space<vmem>> -> memref<1x128xi32, #tpu.memory_space<vmem>>
    %dma_start3A_168 = tpu.memref_squeeze %dma_start3A_167 : memref<1x128xi32, #tpu.memory_space<vmem>> -> memref<128xi32, #tpu.memory_space<vmem>>
    %dma_start3A_169 = arith.constant 0 : i32
    %dma_start3A_170 = tpu.memref_slice %arg17[%dma_start3A_169] : memref<10240xf32, #tpu.memory_space<vmem_shared>> -> memref<10240xf32, #tpu.memory_space<vmem_shared>>
    tpu.enqueue_indirect_dma source(%arg11 : memref<128xf32, #tpu.memory_space<vmem>>) target(%dma_start3A_170 : memref<10240xf32, #tpu.memory_space<vmem_shared>>) offsets(%dma_start3A_168 : memref<128xi32, #tpu.memory_space<vmem>>) semaphore(%arg23 : memref<!tpu.dma_semaphore, #tpu.memory_space<semaphore_mem>>) {add = true}
    %add3A_171 = arith.constant 78 : i32
    %add3A_172 = arith.addi %mul3A_79, %add3A_171 : i32
    %dma_wait3A_173 = arith.constant 0 : i32
    %dma_wait3A_174 = tpu.memref_slice %arg6[%add3A_172, %dma_wait3A_173] : memref<158x128xi32, #tpu.memory_space<vmem>> -> memref<1x128xi32, #tpu.memory_space<vmem>>
    %dma_wait3A_175 = tpu.memref_squeeze %dma_wait3A_174 : memref<1x128xi32, #tpu.memory_space<vmem>> -> memref<128xi32, #tpu.memory_space<vmem>>
    %dma_wait3A_176 = arith.constant 0 : i32
    %dma_wait3A_177 = tpu.memref_slice %arg17[%dma_wait3A_176] : memref<10240xf32, #tpu.memory_space<vmem_shared>> -> memref<10240xf32, #tpu.memory_space<vmem_shared>>
    tpu.wait_indirect_dma semaphore(%arg24 : memref<!tpu.dma_semaphore, #tpu.memory_space<semaphore_mem>>) src(%arg12 : memref<128xf32, #tpu.memory_space<vmem>>) dst(%dma_wait3A_177 : memref<10240xf32, #tpu.memory_space<vmem_shared>>)
    %scan3A_178 = arith.constant 0 : i32
    %scan3A_179 = arith.constant 8 : i32
    %scan3A_180 = arith.addi %scan3A_178, %scan3A_179 : i32
    %scan3A_181 = arith.constant 1 : i32
    scf.for %scan3A_240 = %scan3A_178 to %scan3A_180 step %scan3A_181  : i32 {
      %mul3A_241 = arith.constant 16 : i32
      %mul3A_242 = arith.muli %scan3A_240, %mul3A_241 : i32
      %add3A_243 = arith.constant 0 : i32
      %add3A_244 = arith.addi %add3A_243, %mul3A_242 : i32
      %get3A = arith.constant 78 : i32
      %get3A_245 = arith.index_cast %get3A : i32 to index
      %get3A_246 = arith.index_cast %add3A_244 : i32 to index
      %get3A_247 = tpu.vector_load %arg7[%get3A_245, %get3A_246] {strides = array<i32>} : memref<79x128xi32, #tpu.memory_space<vmem>>, vector<16xi32>,
      %gather3A = tpu.vector_load_idx %arg8[%get3A_247] : memref<10240xf32, #tpu.memory_space<vmem>>[vector<16xi32>], vector<16xf32>,
      %swap3A = arith.index_cast %add3A_244 : i32 to index
      %swap3A_248 = tpu.vector_load %arg12[%swap3A] {strides = array<i32>} : memref<128xf32, #tpu.memory_space<vmem>>, vector<16xf32>,
      tpu.vector_store %arg12[%swap3A], %gather3A {strides = array<i32>} : memref<128xf32, #tpu.memory_space<vmem>>, vector<16xf32>,
    }
    %scan3A_182 = arith.constant 8 : i32
    %add3A_183 = arith.constant 78 : i32
    %add3A_184 = arith.addi %mul3A_79, %add3A_183 : i32
    %dma_start3A_185 = arith.constant 0 : i32
    %dma_start3A_186 = tpu.memref_slice %arg6[%add3A_184, %dma_start3A_185] : memref<158x128xi32, #tpu.memory_space<vmem>> -> memref<1x128xi32, #tpu.memory_space<vmem>>
    %dma_start3A_187 = tpu.memref_squeeze %dma_start3A_186 : memref<1x128xi32, #tpu.memory_space<vmem>> -> memref<128xi32, #tpu.memory_space<vmem>>
    %dma_start3A_188 = arith.constant 0 : i32
    %dma_start3A_189 = tpu.memref_slice %arg17[%dma_start3A_188] : memref<10240xf32, #tpu.memory_space<vmem_shared>> -> memref<10240xf32, #tpu.memory_space<vmem_shared>>
    tpu.enqueue_indirect_dma source(%arg12 : memref<128xf32, #tpu.memory_space<vmem>>) target(%dma_start3A_189 : memref<10240xf32, #tpu.memory_space<vmem_shared>>) offsets(%dma_start3A_187 : memref<128xi32, #tpu.memory_space<vmem>>) semaphore(%arg24 : memref<!tpu.dma_semaphore, #tpu.memory_space<semaphore_mem>>) {add = true}
    %add3A_190 = arith.constant 76 : i32
    %add3A_191 = arith.addi %mul3A_79, %add3A_190 : i32
    %dma_wait3A_192 = arith.constant 0 : i32
    %dma_wait3A_193 = tpu.memref_slice %arg6[%add3A_191, %dma_wait3A_192] : memref<158x128xi32, #tpu.memory_space<vmem>> -> memref<1x128xi32, #tpu.memory_space<vmem>>
    %dma_wait3A_194 = tpu.memref_squeeze %dma_wait3A_193 : memref<1x128xi32, #tpu.memory_space<vmem>> -> memref<128xi32, #tpu.memory_space<vmem>>
    %dma_wait3A_195 = arith.constant 0 : i32
    %dma_wait3A_196 = tpu.memref_slice %arg17[%dma_wait3A_195] : memref<10240xf32, #tpu.memory_space<vmem_shared>> -> memref<10240xf32, #tpu.memory_space<vmem_shared>>
    tpu.wait_indirect_dma semaphore(%arg22 : memref<!tpu.dma_semaphore, #tpu.memory_space<semaphore_mem>>) src(%arg10 : memref<128xf32, #tpu.memory_space<vmem>>) dst(%dma_wait3A_196 : memref<10240xf32, #tpu.memory_space<vmem_shared>>)
    %add3A_197 = arith.constant 77 : i32
    %add3A_198 = arith.addi %mul3A_79, %add3A_197 : i32
    %dma_wait3A_199 = arith.constant 0 : i32
    %dma_wait3A_200 = tpu.memref_slice %arg6[%add3A_198, %dma_wait3A_199] : memref<158x128xi32, #tpu.memory_space<vmem>> -> memref<1x128xi32, #tpu.memory_space<vmem>>
    %dma_wait3A_201 = tpu.memref_squeeze %dma_wait3A_200 : memref<1x128xi32, #tpu.memory_space<vmem>> -> memref<128xi32, #tpu.memory_space<vmem>>
    %dma_wait3A_202 = arith.constant 0 : i32
    %dma_wait3A_203 = tpu.memref_slice %arg17[%dma_wait3A_202] : memref<10240xf32, #tpu.memory_space<vmem_shared>> -> memref<10240xf32, #tpu.memory_space<vmem_shared>>
    tpu.wait_indirect_dma semaphore(%arg23 : memref<!tpu.dma_semaphore, #tpu.memory_space<semaphore_mem>>) src(%arg11 : memref<128xf32, #tpu.memory_space<vmem>>) dst(%dma_wait3A_203 : memref<10240xf32, #tpu.memory_space<vmem_shared>>)
    %add3A_204 = arith.constant 78 : i32
    %add3A_205 = arith.addi %mul3A_79, %add3A_204 : i32
    %dma_wait3A_206 = arith.constant 0 : i32
    %dma_wait3A_207 = tpu.memref_slice %arg6[%add3A_205, %dma_wait3A_206] : memref<158x128xi32, #tpu.memory_space<vmem>> -> memref<1x128xi32, #tpu.memory_space<vmem>>
    %dma_wait3A_208 = tpu.memref_squeeze %dma_wait3A_207 : memref<1x128xi32, #tpu.memory_space<vmem>> -> memref<128xi32, #tpu.memory_space<vmem>>
    %dma_wait3A_209 = arith.constant 0 : i32
    %dma_wait3A_210 = tpu.memref_slice %arg17[%dma_wait3A_209] : memref<10240xf32, #tpu.memory_space<vmem_shared>> -> memref<10240xf32, #tpu.memory_space<vmem_shared>>
    tpu.wait_indirect_dma semaphore(%arg24 : memref<!tpu.dma_semaphore, #tpu.memory_space<semaphore_mem>>) src(%arg12 : memref<128xf32, #tpu.memory_space<vmem>>) dst(%dma_wait3A_210 : memref<10240xf32, #tpu.memory_space<vmem_shared>>)
    %add3A_211 = arith.constant 75 : i32
    %add3A_212 = arith.addi %mul3A_79, %add3A_211 : i32
    %dma_wait3A_213 = arith.constant 0 : i32
    %dma_wait3A_214 = tpu.memref_slice %arg6[%add3A_212, %dma_wait3A_213] : memref<158x128xi32, #tpu.memory_space<vmem>> -> memref<1x128xi32, #tpu.memory_space<vmem>>
    %dma_wait3A_215 = tpu.memref_squeeze %dma_wait3A_214 : memref<1x128xi32, #tpu.memory_space<vmem>> -> memref<128xi32, #tpu.memory_space<vmem>>
    %dma_wait3A_216 = arith.constant 0 : i32
    %dma_wait3A_217 = tpu.memref_slice %arg17[%dma_wait3A_216] : memref<10240xf32, #tpu.memory_space<vmem_shared>> -> memref<10240xf32, #tpu.memory_space<vmem_shared>>
    tpu.wait_indirect_dma semaphore(%arg25 : memref<!tpu.dma_semaphore, #tpu.memory_space<semaphore_mem>>) src(%arg13 : memref<128xf32, #tpu.memory_space<vmem>>) dst(%dma_wait3A_217 : memref<10240xf32, #tpu.memory_space<vmem_shared>>)
    %barrier3A_218 = arith.constant 0 : index
    tpu.barrier barrier_id(%barrier3A_218)
    "tpu.region"() ({
      %run_scoped3A = tpu.sem_alloc : memref<!tpu.dma_semaphore, #tpu.memory_space<semaphore_mem>>
      %dma_start3A_240 = tpu.memref_slice %arg17[%mul3A_0] : memref<10240xf32, #tpu.memory_space<vmem_shared>> -> memref<640xf32, #tpu.memory_space<vmem_shared>>
      %dma_start3A_241 = tpu.memref_slice %arg17[%mul3A_0] : memref<10240xf32, #tpu.memory_space<vmem_shared>> -> memref<640xf32, #tpu.memory_space<vmem_shared>>
      tpu.enqueue_dma source(%dma_start3A_241 : memref<640xf32, #tpu.memory_space<vmem_shared>>) target(%arg14 : memref<640xf32, #tpu.memory_space<vmem>>) target_semaphore(%run_scoped3A : memref<!tpu.dma_semaphore, #tpu.memory_space<semaphore_mem>>)
      %dma_wait3A_242 = tpu.memref_slice %arg17[%mul3A_0] : memref<10240xf32, #tpu.memory_space<vmem_shared>> -> memref<640xf32, #tpu.memory_space<vmem_shared>>
      %dma_wait3A_243 = tpu.memref_slice %arg17[%mul3A_0] : memref<10240xf32, #tpu.memory_space<vmem_shared>> -> memref<640xf32, #tpu.memory_space<vmem_shared>>
      tpu.wait_dma2 semaphore(%run_scoped3A : memref<!tpu.dma_semaphore, #tpu.memory_space<semaphore_mem>>) src(%dma_wait3A_243 : memref<640xf32, #tpu.memory_space<vmem_shared>>) dst(%arg14 : memref<640xf32, #tpu.memory_space<vmem>>)
      tpu.yield
    }) : () -> ()
    %dma_start3A_219 = arith.constant 0 : i32
    %dma_start3A_220 = tpu.memref_slice %arg4[%arg0, %dma_start3A_219] : memref<2x10240xf32, #tpu.memory_space<hbm>> -> memref<1x10240xf32, #tpu.memory_space<hbm>>
    %dma_start3A_221 = tpu.memref_squeeze %dma_start3A_220 : memref<1x10240xf32, #tpu.memory_space<hbm>> -> memref<10240xf32, #tpu.memory_space<hbm>>
    %dma_start3A_222 = tpu.memref_slice %dma_start3A_221[%mul3A_0] : memref<10240xf32, #tpu.memory_space<hbm>> -> memref<640xf32, #tpu.memory_space<hbm>>
    %dma_start3A_223 = arith.constant 0 : i32
    %dma_start3A_224 = tpu.memref_slice %arg4[%arg0, %dma_start3A_223] : memref<2x10240xf32, #tpu.memory_space<hbm>> -> memref<1x10240xf32, #tpu.memory_space<hbm>>
    %dma_start3A_225 = tpu.memref_squeeze %dma_start3A_224 : memref<1x10240xf32, #tpu.memory_space<hbm>> -> memref<10240xf32, #tpu.memory_space<hbm>>
    %dma_start3A_226 = tpu.memref_slice %dma_start3A_225[%mul3A_0] : memref<10240xf32, #tpu.memory_space<hbm>> -> memref<640xf32, #tpu.memory_space<hbm>>
    tpu.enqueue_dma source(%arg14 : memref<640xf32, #tpu.memory_space<vmem>>) target(%dma_start3A_226 : memref<640xf32, #tpu.memory_space<hbm>>) target_semaphore(%arg20 : memref<!tpu.dma_semaphore, #tpu.memory_space<semaphore_mem>>)
    %eq3A_227 = arith.constant 0 : i32
    %eq3A_228 = arith.cmpi eq, %arg0, %eq3A_227 : i32
    %convert_element_type3A_229 = arith.extui %eq3A_228 : i1 to i32
    %cond3A_230 = arith.constant 0 : i32
    %cond3A_231 = arith.cmpi ne, %convert_element_type3A_229, %cond3A_230 : i32
    scf.if %cond3A_231 {
      "tpu.region"() ({
        %run_scoped3A = tpu.sem_alloc : memref<!tpu.dma_semaphore, #tpu.memory_space<semaphore_mem>>
        %dma_start3A_240 = tpu.memref_slice %arg16[%mul3A_0] : memref<10240xf32, #tpu.memory_space<vmem_shared>> -> memref<640xf32, #tpu.memory_space<vmem_shared>>
        %dma_start3A_241 = tpu.memref_slice %arg16[%mul3A_0] : memref<10240xf32, #tpu.memory_space<vmem_shared>> -> memref<640xf32, #tpu.memory_space<vmem_shared>>
        tpu.enqueue_dma source(%dma_start3A_241 : memref<640xf32, #tpu.memory_space<vmem_shared>>) target(%arg15 : memref<640xf32, #tpu.memory_space<vmem>>) target_semaphore(%run_scoped3A : memref<!tpu.dma_semaphore, #tpu.memory_space<semaphore_mem>>)
        %dma_wait3A_242 = tpu.memref_slice %arg16[%mul3A_0] : memref<10240xf32, #tpu.memory_space<vmem_shared>> -> memref<640xf32, #tpu.memory_space<vmem_shared>>
        %dma_wait3A_243 = tpu.memref_slice %arg16[%mul3A_0] : memref<10240xf32, #tpu.memory_space<vmem_shared>> -> memref<640xf32, #tpu.memory_space<vmem_shared>>
        tpu.wait_dma2 semaphore(%run_scoped3A : memref<!tpu.dma_semaphore, #tpu.memory_space<semaphore_mem>>) src(%dma_wait3A_243 : memref<640xf32, #tpu.memory_space<vmem_shared>>) dst(%arg15 : memref<640xf32, #tpu.memory_space<vmem>>)
        tpu.yield
      }) : () -> ()
      "tpu.region"() ({
        %run_scoped3A = tpu.sem_alloc : memref<!tpu.dma_semaphore, #tpu.memory_space<semaphore_mem>>
        %dma_start3A_240 = tpu.memref_slice %arg5[%mul3A_0] : memref<10240xf32, #tpu.memory_space<hbm>> -> memref<640xf32, #tpu.memory_space<hbm>>
        %dma_start3A_241 = tpu.memref_slice %arg5[%mul3A_0] : memref<10240xf32, #tpu.memory_space<hbm>> -> memref<640xf32, #tpu.memory_space<hbm>>
        tpu.enqueue_dma source(%arg15 : memref<640xf32, #tpu.memory_space<vmem>>) target(%dma_start3A_241 : memref<640xf32, #tpu.memory_space<hbm>>) target_semaphore(%run_scoped3A : memref<!tpu.dma_semaphore, #tpu.memory_space<semaphore_mem>>)
        %dma_wait3A_242 = tpu.memref_slice %arg5[%mul3A_0] : memref<10240xf32, #tpu.memory_space<hbm>> -> memref<640xf32, #tpu.memory_space<hbm>>
        %dma_wait3A_243 = tpu.memref_slice %arg5[%mul3A_0] : memref<10240xf32, #tpu.memory_space<hbm>> -> memref<640xf32, #tpu.memory_space<hbm>>
        tpu.wait_dma2 semaphore(%run_scoped3A : memref<!tpu.dma_semaphore, #tpu.memory_space<semaphore_mem>>) src(%arg15 : memref<640xf32, #tpu.memory_space<vmem>>) dst(%dma_wait3A_243 : memref<640xf32, #tpu.memory_space<hbm>>)
        tpu.yield
      }) : () -> ()
    } else {
    }
    %dma_wait3A_232 = arith.constant 0 : i32
    %dma_wait3A_233 = tpu.memref_slice %arg4[%arg0, %dma_wait3A_232] : memref<2x10240xf32, #tpu.memory_space<hbm>> -> memref<1x10240xf32, #tpu.memory_space<hbm>>
    %dma_wait3A_234 = tpu.memref_squeeze %dma_wait3A_233 : memref<1x10240xf32, #tpu.memory_space<hbm>> -> memref<10240xf32, #tpu.memory_space<hbm>>
    %dma_wait3A_235 = tpu.memref_slice %dma_wait3A_234[%mul3A_0] : memref<10240xf32, #tpu.memory_space<hbm>> -> memref<640xf32, #tpu.memory_space<hbm>>
    %dma_wait3A_236 = arith.constant 0 : i32
    %dma_wait3A_237 = tpu.memref_slice %arg4[%arg0, %dma_wait3A_236] : memref<2x10240xf32, #tpu.memory_space<hbm>> -> memref<1x10240xf32, #tpu.memory_space<hbm>>
    %dma_wait3A_238 = tpu.memref_squeeze %dma_wait3A_237 : memref<1x10240xf32, #tpu.memory_space<hbm>> -> memref<10240xf32, #tpu.memory_space<hbm>>
    %dma_wait3A_239 = tpu.memref_slice %dma_wait3A_238[%mul3A_0] : memref<10240xf32, #tpu.memory_space<hbm>> -> memref<640xf32, #tpu.memory_space<hbm>>
    tpu.wait_dma2 semaphore(%arg20 : memref<!tpu.dma_semaphore, #tpu.memory_space<semaphore_mem>>) src(%arg14 : memref<640xf32, #tpu.memory_space<vmem>>) dst(%dma_wait3A_239 : memref<640xf32, #tpu.memory_space<hbm>>)
    return
  }
}

#map = affine_map<(d0, d1) -> (0, 0)>
#map1 = affine_map<(d0, d1) -> (0, 0, 0)>
module attributes {stable_mosaic.version = 14 : i64} {
  func.func @k(%arg0: i32, %arg1: i32, %arg2: memref<2x10240xf32, #tpu.memory_space<hbm>>, %arg3: memref<32x79x128xi32, #tpu.memory_space<hbm>>, %arg4: memref<32x79x128xi32, #tpu.memory_space<hbm>>, %arg5: memref<2x10240xf32, #tpu.memory_space<hbm>>, %arg6: memref<79x128xi32, #tpu.memory_space<vmem>>, %arg7: memref<79x128xi32, #tpu.memory_space<vmem>>, %arg8: memref<10240xf32, #tpu.memory_space<vmem>>, %arg9: memref<128xf32, #tpu.memory_space<vmem>>, %arg10: memref<128xf32, #tpu.memory_space<vmem>>, %arg11: memref<128xf32, #tpu.memory_space<vmem>>, %arg12: memref<128xf32, #tpu.memory_space<vmem>>, %arg13: memref<640xf32, #tpu.memory_space<vmem>>, %arg14: memref<640xf32, #tpu.memory_space<vmem>>, %arg15: memref<10240xf32, #tpu.memory_space<vmem_shared>>, %arg16: memref<10240xf32, #tpu.memory_space<vmem_shared>>, %arg17: memref<!tpu.dma_semaphore, #tpu.memory_space<semaphore_mem>>, %arg18: memref<!tpu.dma_semaphore, #tpu.memory_space<semaphore_mem>>, %arg19: memref<!tpu.dma_semaphore, #tpu.memory_space<semaphore_mem>>, %arg20: memref<!tpu.dma_semaphore, #tpu.memory_space<semaphore_mem>>, %arg21: memref<!tpu.dma_semaphore, #tpu.memory_space<semaphore_mem>>, %arg22: memref<!tpu.dma_semaphore, #tpu.memory_space<semaphore_mem>>, %arg23: memref<!tpu.dma_semaphore, #tpu.memory_space<semaphore_mem>>, %arg24: memref<!tpu.dma_semaphore, #tpu.memory_space<semaphore_mem>>) attributes {dimension_semantics = [#tpu.dimension_semantics<core_parallel>, #tpu.dimension_semantics<subcore_parallel>], iteration_bounds = array<i64: 2, 16>, scalar_prefetch = 0 : i64, scratch_operands = 19 : i64, tpu.core_type = #tpu.core_type<sc_vector_subcore>, window_params = [{transform_indices = #map}, {transform_indices = #map1}, {transform_indices = #map1}, {transform_indices = #map}]} {
    %mul3A = arith.constant 16 : i32
    %mul3A_0 = arith.muli %arg0, %mul3A : i32
    %add3A = arith.addi %mul3A_0, %arg1 : i32
    %mul3A_1 = arith.constant 640 : i32
    %mul3A_2 = arith.muli %arg1, %mul3A_1 : i32
    %dma_start3A = arith.constant 0 : i32
    %dma_start3A_3 = arith.constant 0 : i32
    %dma_start3A_4 = tpu.memref_slice %arg3[%add3A, %dma_start3A, %dma_start3A_3] : memref<32x79x128xi32, #tpu.memory_space<hbm>> -> memref<1x79x128xi32, #tpu.memory_space<hbm>>
    %dma_start3A_5 = tpu.memref_squeeze %dma_start3A_4 : memref<1x79x128xi32, #tpu.memory_space<hbm>> -> memref<79x128xi32, #tpu.memory_space<hbm>>
    %dma_start3A_6 = arith.constant 0 : i32
    %dma_start3A_7 = arith.constant 0 : i32
    %dma_start3A_8 = tpu.memref_slice %arg3[%add3A, %dma_start3A_6, %dma_start3A_7] : memref<32x79x128xi32, #tpu.memory_space<hbm>> -> memref<1x79x128xi32, #tpu.memory_space<hbm>>
    %dma_start3A_9 = tpu.memref_squeeze %dma_start3A_8 : memref<1x79x128xi32, #tpu.memory_space<hbm>> -> memref<79x128xi32, #tpu.memory_space<hbm>>
    tpu.enqueue_dma source(%dma_start3A_9 : memref<79x128xi32, #tpu.memory_space<hbm>>) target(%arg6 : memref<79x128xi32, #tpu.memory_space<vmem>>) target_semaphore(%arg21 : memref<!tpu.dma_semaphore, #tpu.memory_space<semaphore_mem>>)
    %dma_start3A_10 = arith.constant 0 : i32
    %dma_start3A_11 = arith.constant 0 : i32
    %dma_start3A_12 = tpu.memref_slice %arg4[%add3A, %dma_start3A_10, %dma_start3A_11] : memref<32x79x128xi32, #tpu.memory_space<hbm>> -> memref<1x79x128xi32, #tpu.memory_space<hbm>>
    %dma_start3A_13 = tpu.memref_squeeze %dma_start3A_12 : memref<1x79x128xi32, #tpu.memory_space<hbm>> -> memref<79x128xi32, #tpu.memory_space<hbm>>
    %dma_start3A_14 = arith.constant 0 : i32
    %dma_start3A_15 = arith.constant 0 : i32
    %dma_start3A_16 = tpu.memref_slice %arg4[%add3A, %dma_start3A_14, %dma_start3A_15] : memref<32x79x128xi32, #tpu.memory_space<hbm>> -> memref<1x79x128xi32, #tpu.memory_space<hbm>>
    %dma_start3A_17 = tpu.memref_squeeze %dma_start3A_16 : memref<1x79x128xi32, #tpu.memory_space<hbm>> -> memref<79x128xi32, #tpu.memory_space<hbm>>
    tpu.enqueue_dma source(%dma_start3A_17 : memref<79x128xi32, #tpu.memory_space<hbm>>) target(%arg7 : memref<79x128xi32, #tpu.memory_space<vmem>>) target_semaphore(%arg22 : memref<!tpu.dma_semaphore, #tpu.memory_space<semaphore_mem>>)
    %dma_start3A_18 = arith.constant 0 : i32
    %dma_start3A_19 = arith.constant 0 : i32
    %dma_start3A_20 = tpu.memref_slice %arg2[%dma_start3A_18, %dma_start3A_19] : memref<2x10240xf32, #tpu.memory_space<hbm>> -> memref<1x10240xf32, #tpu.memory_space<hbm>>
    %dma_start3A_21 = tpu.memref_squeeze %dma_start3A_20 : memref<1x10240xf32, #tpu.memory_space<hbm>> -> memref<10240xf32, #tpu.memory_space<hbm>>
    %dma_start3A_22 = tpu.memref_slice %dma_start3A_21[%mul3A_2] : memref<10240xf32, #tpu.memory_space<hbm>> -> memref<640xf32, #tpu.memory_space<hbm>>
    %dma_start3A_23 = arith.constant 0 : i32
    %dma_start3A_24 = tpu.memref_slice %arg2[%dma_start3A_18, %dma_start3A_23] : memref<2x10240xf32, #tpu.memory_space<hbm>> -> memref<1x10240xf32, #tpu.memory_space<hbm>>
    %dma_start3A_25 = tpu.memref_squeeze %dma_start3A_24 : memref<1x10240xf32, #tpu.memory_space<hbm>> -> memref<10240xf32, #tpu.memory_space<hbm>>
    %dma_start3A_26 = tpu.memref_slice %dma_start3A_25[%mul3A_2] : memref<10240xf32, #tpu.memory_space<hbm>> -> memref<640xf32, #tpu.memory_space<hbm>>
    tpu.enqueue_dma source(%dma_start3A_26 : memref<640xf32, #tpu.memory_space<hbm>>) target(%arg13 : memref<640xf32, #tpu.memory_space<vmem>>) target_semaphore(%arg23 : memref<!tpu.dma_semaphore, #tpu.memory_space<semaphore_mem>>)
    %dma_start3A_27 = arith.constant 1 : i32
    %dma_start3A_28 = arith.constant 0 : i32
    %dma_start3A_29 = tpu.memref_slice %arg2[%dma_start3A_27, %dma_start3A_28] : memref<2x10240xf32, #tpu.memory_space<hbm>> -> memref<1x10240xf32, #tpu.memory_space<hbm>>
    %dma_start3A_30 = tpu.memref_squeeze %dma_start3A_29 : memref<1x10240xf32, #tpu.memory_space<hbm>> -> memref<10240xf32, #tpu.memory_space<hbm>>
    %dma_start3A_31 = tpu.memref_slice %dma_start3A_30[%mul3A_2] : memref<10240xf32, #tpu.memory_space<hbm>> -> memref<640xf32, #tpu.memory_space<hbm>>
    %dma_start3A_32 = arith.constant 0 : i32
    %dma_start3A_33 = tpu.memref_slice %arg2[%dma_start3A_27, %dma_start3A_32] : memref<2x10240xf32, #tpu.memory_space<hbm>> -> memref<1x10240xf32, #tpu.memory_space<hbm>>
    %dma_start3A_34 = tpu.memref_squeeze %dma_start3A_33 : memref<1x10240xf32, #tpu.memory_space<hbm>> -> memref<10240xf32, #tpu.memory_space<hbm>>
    %dma_start3A_35 = tpu.memref_slice %dma_start3A_34[%mul3A_2] : memref<10240xf32, #tpu.memory_space<hbm>> -> memref<640xf32, #tpu.memory_space<hbm>>
    tpu.enqueue_dma source(%dma_start3A_35 : memref<640xf32, #tpu.memory_space<hbm>>) target(%arg14 : memref<640xf32, #tpu.memory_space<vmem>>) target_semaphore(%arg24 : memref<!tpu.dma_semaphore, #tpu.memory_space<semaphore_mem>>)
    %dma_wait3A = arith.constant 0 : i32
    %dma_wait3A_36 = arith.constant 0 : i32
    %dma_wait3A_37 = tpu.memref_slice %arg2[%dma_wait3A, %dma_wait3A_36] : memref<2x10240xf32, #tpu.memory_space<hbm>> -> memref<1x10240xf32, #tpu.memory_space<hbm>>
    %dma_wait3A_38 = tpu.memref_squeeze %dma_wait3A_37 : memref<1x10240xf32, #tpu.memory_space<hbm>> -> memref<10240xf32, #tpu.memory_space<hbm>>
    %dma_wait3A_39 = tpu.memref_slice %dma_wait3A_38[%mul3A_2] : memref<10240xf32, #tpu.memory_space<hbm>> -> memref<640xf32, #tpu.memory_space<hbm>>
    %dma_wait3A_40 = arith.constant 0 : i32
    %dma_wait3A_41 = tpu.memref_slice %arg2[%dma_wait3A, %dma_wait3A_40] : memref<2x10240xf32, #tpu.memory_space<hbm>> -> memref<1x10240xf32, #tpu.memory_space<hbm>>
    %dma_wait3A_42 = tpu.memref_squeeze %dma_wait3A_41 : memref<1x10240xf32, #tpu.memory_space<hbm>> -> memref<10240xf32, #tpu.memory_space<hbm>>
    %dma_wait3A_43 = tpu.memref_slice %dma_wait3A_42[%mul3A_2] : memref<10240xf32, #tpu.memory_space<hbm>> -> memref<640xf32, #tpu.memory_space<hbm>>
    tpu.wait_dma2 semaphore(%arg23 : memref<!tpu.dma_semaphore, #tpu.memory_space<semaphore_mem>>) src(%dma_wait3A_43 : memref<640xf32, #tpu.memory_space<hbm>>) dst(%arg13 : memref<640xf32, #tpu.memory_space<vmem>>)
    %dma_wait3A_44 = arith.constant 1 : i32
    %dma_wait3A_45 = arith.constant 0 : i32
    %dma_wait3A_46 = tpu.memref_slice %arg2[%dma_wait3A_44, %dma_wait3A_45] : memref<2x10240xf32, #tpu.memory_space<hbm>> -> memref<1x10240xf32, #tpu.memory_space<hbm>>
    %dma_wait3A_47 = tpu.memref_squeeze %dma_wait3A_46 : memref<1x10240xf32, #tpu.memory_space<hbm>> -> memref<10240xf32, #tpu.memory_space<hbm>>
    %dma_wait3A_48 = tpu.memref_slice %dma_wait3A_47[%mul3A_2] : memref<10240xf32, #tpu.memory_space<hbm>> -> memref<640xf32, #tpu.memory_space<hbm>>
    %dma_wait3A_49 = arith.constant 0 : i32
    %dma_wait3A_50 = tpu.memref_slice %arg2[%dma_wait3A_44, %dma_wait3A_49] : memref<2x10240xf32, #tpu.memory_space<hbm>> -> memref<1x10240xf32, #tpu.memory_space<hbm>>
    %dma_wait3A_51 = tpu.memref_squeeze %dma_wait3A_50 : memref<1x10240xf32, #tpu.memory_space<hbm>> -> memref<10240xf32, #tpu.memory_space<hbm>>
    %dma_wait3A_52 = tpu.memref_slice %dma_wait3A_51[%mul3A_2] : memref<10240xf32, #tpu.memory_space<hbm>> -> memref<640xf32, #tpu.memory_space<hbm>>
    tpu.wait_dma2 semaphore(%arg24 : memref<!tpu.dma_semaphore, #tpu.memory_space<semaphore_mem>>) src(%dma_wait3A_52 : memref<640xf32, #tpu.memory_space<hbm>>) dst(%arg14 : memref<640xf32, #tpu.memory_space<vmem>>)
    %scan3A = arith.constant 0 : i32
    %scan3A_53 = arith.constant 40 : i32
    %scan3A_54 = arith.addi %scan3A, %scan3A_53 : i32
    %scan3A_55 = arith.constant 1 : i32
    scf.for %scan3A_204 = %scan3A to %scan3A_54 step %scan3A_55  : i32 {
      %mul3A_205 = arith.constant 16 : i32
      %mul3A_206 = arith.muli %scan3A_204, %mul3A_205 : i32
      %add3A_207 = arith.constant 0 : i32
      %add3A_208 = arith.addi %add3A_207, %mul3A_206 : i32
      %get3A = arith.index_cast %add3A_208 : i32 to index
      %get3A_209 = tpu.vector_load %arg13[%get3A] {strides = array<i32>} : memref<640xf32, #tpu.memory_space<vmem>>, vector<16xf32>,
      %get3A_210 = arith.index_cast %add3A_208 : i32 to index
      %get3A_211 = tpu.vector_load %arg14[%get3A_210] {strides = array<i32>} : memref<640xf32, #tpu.memory_space<vmem>>, vector<16xf32>,
      %add3A_212 = arith.addf %get3A_209, %get3A_211 : vector<16xf32>
      %swap3A = arith.index_cast %add3A_208 : i32 to index
      %swap3A_213 = tpu.vector_load %arg13[%swap3A] {strides = array<i32>} : memref<640xf32, #tpu.memory_space<vmem>>, vector<16xf32>,
      tpu.vector_store %arg13[%swap3A], %add3A_212 {strides = array<i32>} : memref<640xf32, #tpu.memory_space<vmem>>, vector<16xf32>,
    }
    %scan3A_56 = arith.constant 40 : i32
    "tpu.region"() ({
      %run_scoped3A = tpu.sem_alloc : memref<!tpu.dma_semaphore, #tpu.memory_space<semaphore_mem>>
      %dma_start3A_204 = tpu.memref_slice %arg15[%mul3A_2] : memref<10240xf32, #tpu.memory_space<vmem_shared>> -> memref<640xf32, #tpu.memory_space<vmem_shared>>
      %dma_start3A_205 = tpu.memref_slice %arg15[%mul3A_2] : memref<10240xf32, #tpu.memory_space<vmem_shared>> -> memref<640xf32, #tpu.memory_space<vmem_shared>>
      tpu.enqueue_dma source(%arg13 : memref<640xf32, #tpu.memory_space<vmem>>) target(%dma_start3A_205 : memref<640xf32, #tpu.memory_space<vmem_shared>>) target_semaphore(%run_scoped3A : memref<!tpu.dma_semaphore, #tpu.memory_space<semaphore_mem>>)
      %dma_wait3A_206 = tpu.memref_slice %arg15[%mul3A_2] : memref<10240xf32, #tpu.memory_space<vmem_shared>> -> memref<640xf32, #tpu.memory_space<vmem_shared>>
      %dma_wait3A_207 = tpu.memref_slice %arg15[%mul3A_2] : memref<10240xf32, #tpu.memory_space<vmem_shared>> -> memref<640xf32, #tpu.memory_space<vmem_shared>>
      tpu.wait_dma2 semaphore(%run_scoped3A : memref<!tpu.dma_semaphore, #tpu.memory_space<semaphore_mem>>) src(%arg13 : memref<640xf32, #tpu.memory_space<vmem>>) dst(%dma_wait3A_207 : memref<640xf32, #tpu.memory_space<vmem_shared>>)
      tpu.yield
    }) : () -> ()
    %eq3A = arith.constant 0 : i32
    %eq3A_57 = arith.cmpi eq, %arg0, %eq3A : i32
    %convert_element_type3A = arith.extui %eq3A_57 : i1 to i32
    %cond3A = arith.constant 0 : i32
    %cond3A_58 = arith.cmpi ne, %convert_element_type3A, %cond3A : i32
    scf.if %cond3A_58 {
      "tpu.region"() ({
        %run_scoped3A = tpu.sem_alloc : memref<!tpu.dma_semaphore, #tpu.memory_space<semaphore_mem>>
        %dma_start3A_204 = tpu.memref_slice %arg16[%mul3A_2] : memref<10240xf32, #tpu.memory_space<vmem_shared>> -> memref<640xf32, #tpu.memory_space<vmem_shared>>
        %dma_start3A_205 = tpu.memref_slice %arg16[%mul3A_2] : memref<10240xf32, #tpu.memory_space<vmem_shared>> -> memref<640xf32, #tpu.memory_space<vmem_shared>>
        tpu.enqueue_dma source(%arg13 : memref<640xf32, #tpu.memory_space<vmem>>) target(%dma_start3A_205 : memref<640xf32, #tpu.memory_space<vmem_shared>>) target_semaphore(%run_scoped3A : memref<!tpu.dma_semaphore, #tpu.memory_space<semaphore_mem>>)
        %dma_wait3A_206 = tpu.memref_slice %arg16[%mul3A_2] : memref<10240xf32, #tpu.memory_space<vmem_shared>> -> memref<640xf32, #tpu.memory_space<vmem_shared>>
        %dma_wait3A_207 = tpu.memref_slice %arg16[%mul3A_2] : memref<10240xf32, #tpu.memory_space<vmem_shared>> -> memref<640xf32, #tpu.memory_space<vmem_shared>>
        tpu.wait_dma2 semaphore(%run_scoped3A : memref<!tpu.dma_semaphore, #tpu.memory_space<semaphore_mem>>) src(%arg13 : memref<640xf32, #tpu.memory_space<vmem>>) dst(%dma_wait3A_207 : memref<640xf32, #tpu.memory_space<vmem_shared>>)
        tpu.yield
      }) : () -> ()
    } else {
    }
    %ne3A = arith.constant 0 : i32
    %ne3A_59 = arith.cmpi ne, %arg0, %ne3A : i32
    %convert_element_type3A_60 = arith.extui %ne3A_59 : i1 to i32
    %cond3A_61 = arith.constant 0 : i32
    %cond3A_62 = arith.cmpi ne, %convert_element_type3A_60, %cond3A_61 : i32
    scf.if %cond3A_62 {
      %broadcast_in_dim3A = arith.constant 0.000000e+00 : f32
      %broadcast_in_dim3A_204 = vector.broadcast %broadcast_in_dim3A : f32 to vector<16xf32>
      %scan3A_205 = arith.constant 0 : i32
      %scan3A_206 = arith.constant 40 : i32
      %scan3A_207 = arith.addi %scan3A_205, %scan3A_206 : i32
      %scan3A_208 = arith.constant 1 : i32
      scf.for %scan3A_210 = %scan3A_205 to %scan3A_207 step %scan3A_208  : i32 {
        %mul3A_211 = arith.constant 16 : i32
        %mul3A_212 = arith.muli %scan3A_210, %mul3A_211 : i32
        %add3A_213 = arith.constant 0 : i32
        %add3A_214 = arith.addi %add3A_213, %mul3A_212 : i32
        %swap3A = arith.index_cast %add3A_214 : i32 to index
        %swap3A_215 = tpu.vector_load %arg14[%swap3A] {strides = array<i32>} : memref<640xf32, #tpu.memory_space<vmem>>, vector<16xf32>,
        tpu.vector_store %arg14[%swap3A], %broadcast_in_dim3A_204 {strides = array<i32>} : memref<640xf32, #tpu.memory_space<vmem>>, vector<16xf32>,
      }
      %scan3A_209 = arith.constant 40 : i32
      "tpu.region"() ({
        %run_scoped3A = tpu.sem_alloc : memref<!tpu.dma_semaphore, #tpu.memory_space<semaphore_mem>>
        %dma_start3A_210 = tpu.memref_slice %arg16[%mul3A_2] : memref<10240xf32, #tpu.memory_space<vmem_shared>> -> memref<640xf32, #tpu.memory_space<vmem_shared>>
        %dma_start3A_211 = tpu.memref_slice %arg16[%mul3A_2] : memref<10240xf32, #tpu.memory_space<vmem_shared>> -> memref<640xf32, #tpu.memory_space<vmem_shared>>
        tpu.enqueue_dma source(%arg14 : memref<640xf32, #tpu.memory_space<vmem>>) target(%dma_start3A_211 : memref<640xf32, #tpu.memory_space<vmem_shared>>) target_semaphore(%run_scoped3A : memref<!tpu.dma_semaphore, #tpu.memory_space<semaphore_mem>>)
        %dma_wait3A_212 = tpu.memref_slice %arg16[%mul3A_2] : memref<10240xf32, #tpu.memory_space<vmem_shared>> -> memref<640xf32, #tpu.memory_space<vmem_shared>>
        %dma_wait3A_213 = tpu.memref_slice %arg16[%mul3A_2] : memref<10240xf32, #tpu.memory_space<vmem_shared>> -> memref<640xf32, #tpu.memory_space<vmem_shared>>
        tpu.wait_dma2 semaphore(%run_scoped3A : memref<!tpu.dma_semaphore, #tpu.memory_space<semaphore_mem>>) src(%arg14 : memref<640xf32, #tpu.memory_space<vmem>>) dst(%dma_wait3A_213 : memref<640xf32, #tpu.memory_space<vmem_shared>>)
        tpu.yield
      }) : () -> ()
    } else {
    }
    %dma_wait3A_63 = arith.constant 0 : i32
    %dma_wait3A_64 = arith.constant 0 : i32
    %dma_wait3A_65 = tpu.memref_slice %arg3[%add3A, %dma_wait3A_63, %dma_wait3A_64] : memref<32x79x128xi32, #tpu.memory_space<hbm>> -> memref<1x79x128xi32, #tpu.memory_space<hbm>>
    %dma_wait3A_66 = tpu.memref_squeeze %dma_wait3A_65 : memref<1x79x128xi32, #tpu.memory_space<hbm>> -> memref<79x128xi32, #tpu.memory_space<hbm>>
    %dma_wait3A_67 = arith.constant 0 : i32
    %dma_wait3A_68 = arith.constant 0 : i32
    %dma_wait3A_69 = tpu.memref_slice %arg3[%add3A, %dma_wait3A_67, %dma_wait3A_68] : memref<32x79x128xi32, #tpu.memory_space<hbm>> -> memref<1x79x128xi32, #tpu.memory_space<hbm>>
    %dma_wait3A_70 = tpu.memref_squeeze %dma_wait3A_69 : memref<1x79x128xi32, #tpu.memory_space<hbm>> -> memref<79x128xi32, #tpu.memory_space<hbm>>
    tpu.wait_dma2 semaphore(%arg21 : memref<!tpu.dma_semaphore, #tpu.memory_space<semaphore_mem>>) src(%dma_wait3A_70 : memref<79x128xi32, #tpu.memory_space<hbm>>) dst(%arg6 : memref<79x128xi32, #tpu.memory_space<vmem>>)
    %dma_wait3A_71 = arith.constant 0 : i32
    %dma_wait3A_72 = arith.constant 0 : i32
    %dma_wait3A_73 = tpu.memref_slice %arg4[%add3A, %dma_wait3A_71, %dma_wait3A_72] : memref<32x79x128xi32, #tpu.memory_space<hbm>> -> memref<1x79x128xi32, #tpu.memory_space<hbm>>
    %dma_wait3A_74 = tpu.memref_squeeze %dma_wait3A_73 : memref<1x79x128xi32, #tpu.memory_space<hbm>> -> memref<79x128xi32, #tpu.memory_space<hbm>>
    %dma_wait3A_75 = arith.constant 0 : i32
    %dma_wait3A_76 = arith.constant 0 : i32
    %dma_wait3A_77 = tpu.memref_slice %arg4[%add3A, %dma_wait3A_75, %dma_wait3A_76] : memref<32x79x128xi32, #tpu.memory_space<hbm>> -> memref<1x79x128xi32, #tpu.memory_space<hbm>>
    %dma_wait3A_78 = tpu.memref_squeeze %dma_wait3A_77 : memref<1x79x128xi32, #tpu.memory_space<hbm>> -> memref<79x128xi32, #tpu.memory_space<hbm>>
    tpu.wait_dma2 semaphore(%arg22 : memref<!tpu.dma_semaphore, #tpu.memory_space<semaphore_mem>>) src(%dma_wait3A_78 : memref<79x128xi32, #tpu.memory_space<hbm>>) dst(%arg7 : memref<79x128xi32, #tpu.memory_space<vmem>>)
    %barrier3A = arith.constant 0 : index
    tpu.barrier barrier_id(%barrier3A)
    "tpu.region"() ({
      %run_scoped3A = tpu.sem_alloc : memref<!tpu.dma_semaphore, #tpu.memory_space<semaphore_mem>>
      tpu.enqueue_dma source(%arg15 : memref<10240xf32, #tpu.memory_space<vmem_shared>>) target(%arg8 : memref<10240xf32, #tpu.memory_space<vmem>>) target_semaphore(%run_scoped3A : memref<!tpu.dma_semaphore, #tpu.memory_space<semaphore_mem>>)
      tpu.wait_dma2 semaphore(%run_scoped3A : memref<!tpu.dma_semaphore, #tpu.memory_space<semaphore_mem>>) src(%arg15 : memref<10240xf32, #tpu.memory_space<vmem_shared>>) dst(%arg8 : memref<10240xf32, #tpu.memory_space<vmem>>)
      tpu.yield
    }) : () -> ()
    %scan3A_79 = arith.constant 0 : i32
    %scan3A_80 = arith.constant 8 : i32
    %scan3A_81 = arith.addi %scan3A_79, %scan3A_80 : i32
    %scan3A_82 = arith.constant 1 : i32
    scf.for %scan3A_204 = %scan3A_79 to %scan3A_81 step %scan3A_82  : i32 {
      %mul3A_205 = arith.constant 16 : i32
      %mul3A_206 = arith.muli %scan3A_204, %mul3A_205 : i32
      %add3A_207 = arith.constant 0 : i32
      %add3A_208 = arith.addi %add3A_207, %mul3A_206 : i32
      %get3A = arith.constant 0 : i32
      %get3A_209 = arith.index_cast %get3A : i32 to index
      %get3A_210 = arith.index_cast %add3A_208 : i32 to index
      %get3A_211 = tpu.vector_load %arg7[%get3A_209, %get3A_210] {strides = array<i32>} : memref<79x128xi32, #tpu.memory_space<vmem>>, vector<16xi32>,
      %gather3A = tpu.vector_load_idx %arg8[%get3A_211] : memref<10240xf32, #tpu.memory_space<vmem>>[vector<16xi32>], vector<16xf32>,
      %swap3A = arith.index_cast %add3A_208 : i32 to index
      %swap3A_212 = tpu.vector_load %arg9[%swap3A] {strides = array<i32>} : memref<128xf32, #tpu.memory_space<vmem>>, vector<16xf32>,
      tpu.vector_store %arg9[%swap3A], %gather3A {strides = array<i32>} : memref<128xf32, #tpu.memory_space<vmem>>, vector<16xf32>,
    }
    %scan3A_83 = arith.constant 8 : i32
    %dma_start3A_84 = arith.constant 0 : i32
    %dma_start3A_85 = arith.constant 0 : i32
    %dma_start3A_86 = tpu.memref_slice %arg6[%dma_start3A_84, %dma_start3A_85] : memref<79x128xi32, #tpu.memory_space<vmem>> -> memref<1x128xi32, #tpu.memory_space<vmem>>
    %dma_start3A_87 = tpu.memref_squeeze %dma_start3A_86 : memref<1x128xi32, #tpu.memory_space<vmem>> -> memref<128xi32, #tpu.memory_space<vmem>>
    %dma_start3A_88 = arith.constant 0 : i32
    %dma_start3A_89 = tpu.memref_slice %arg16[%dma_start3A_88] : memref<10240xf32, #tpu.memory_space<vmem_shared>> -> memref<10240xf32, #tpu.memory_space<vmem_shared>>
    tpu.enqueue_indirect_dma source(%arg9 : memref<128xf32, #tpu.memory_space<vmem>>) target(%dma_start3A_89 : memref<10240xf32, #tpu.memory_space<vmem_shared>>) offsets(%dma_start3A_87 : memref<128xi32, #tpu.memory_space<vmem>>) semaphore(%arg21 : memref<!tpu.dma_semaphore, #tpu.memory_space<semaphore_mem>>) {add = true}
    %scan3A_90 = arith.constant 0 : i32
    %scan3A_91 = arith.constant 8 : i32
    %scan3A_92 = arith.addi %scan3A_90, %scan3A_91 : i32
    %scan3A_93 = arith.constant 1 : i32
    scf.for %scan3A_204 = %scan3A_90 to %scan3A_92 step %scan3A_93  : i32 {
      %mul3A_205 = arith.constant 16 : i32
      %mul3A_206 = arith.muli %scan3A_204, %mul3A_205 : i32
      %add3A_207 = arith.constant 0 : i32
      %add3A_208 = arith.addi %add3A_207, %mul3A_206 : i32
      %get3A = arith.constant 1 : i32
      %get3A_209 = arith.index_cast %get3A : i32 to index
      %get3A_210 = arith.index_cast %add3A_208 : i32 to index
      %get3A_211 = tpu.vector_load %arg7[%get3A_209, %get3A_210] {strides = array<i32>} : memref<79x128xi32, #tpu.memory_space<vmem>>, vector<16xi32>,
      %gather3A = tpu.vector_load_idx %arg8[%get3A_211] : memref<10240xf32, #tpu.memory_space<vmem>>[vector<16xi32>], vector<16xf32>,
      %swap3A = arith.index_cast %add3A_208 : i32 to index
      %swap3A_212 = tpu.vector_load %arg10[%swap3A] {strides = array<i32>} : memref<128xf32, #tpu.memory_space<vmem>>, vector<16xf32>,
      tpu.vector_store %arg10[%swap3A], %gather3A {strides = array<i32>} : memref<128xf32, #tpu.memory_space<vmem>>, vector<16xf32>,
    }
    %scan3A_94 = arith.constant 8 : i32
    %dma_start3A_95 = arith.constant 1 : i32
    %dma_start3A_96 = arith.constant 0 : i32
    %dma_start3A_97 = tpu.memref_slice %arg6[%dma_start3A_95, %dma_start3A_96] : memref<79x128xi32, #tpu.memory_space<vmem>> -> memref<1x128xi32, #tpu.memory_space<vmem>>
    %dma_start3A_98 = tpu.memref_squeeze %dma_start3A_97 : memref<1x128xi32, #tpu.memory_space<vmem>> -> memref<128xi32, #tpu.memory_space<vmem>>
    %dma_start3A_99 = arith.constant 0 : i32
    %dma_start3A_100 = tpu.memref_slice %arg16[%dma_start3A_99] : memref<10240xf32, #tpu.memory_space<vmem_shared>> -> memref<10240xf32, #tpu.memory_space<vmem_shared>>
    tpu.enqueue_indirect_dma source(%arg10 : memref<128xf32, #tpu.memory_space<vmem>>) target(%dma_start3A_100 : memref<10240xf32, #tpu.memory_space<vmem_shared>>) offsets(%dma_start3A_98 : memref<128xi32, #tpu.memory_space<vmem>>) semaphore(%arg22 : memref<!tpu.dma_semaphore, #tpu.memory_space<semaphore_mem>>) {add = true}
    %scan3A_101 = arith.constant 0 : i32
    %scan3A_102 = arith.constant 8 : i32
    %scan3A_103 = arith.addi %scan3A_101, %scan3A_102 : i32
    %scan3A_104 = arith.constant 1 : i32
    scf.for %scan3A_204 = %scan3A_101 to %scan3A_103 step %scan3A_104  : i32 {
      %mul3A_205 = arith.constant 16 : i32
      %mul3A_206 = arith.muli %scan3A_204, %mul3A_205 : i32
      %add3A_207 = arith.constant 0 : i32
      %add3A_208 = arith.addi %add3A_207, %mul3A_206 : i32
      %get3A = arith.constant 2 : i32
      %get3A_209 = arith.index_cast %get3A : i32 to index
      %get3A_210 = arith.index_cast %add3A_208 : i32 to index
      %get3A_211 = tpu.vector_load %arg7[%get3A_209, %get3A_210] {strides = array<i32>} : memref<79x128xi32, #tpu.memory_space<vmem>>, vector<16xi32>,
      %gather3A = tpu.vector_load_idx %arg8[%get3A_211] : memref<10240xf32, #tpu.memory_space<vmem>>[vector<16xi32>], vector<16xf32>,
      %swap3A = arith.index_cast %add3A_208 : i32 to index
      %swap3A_212 = tpu.vector_load %arg11[%swap3A] {strides = array<i32>} : memref<128xf32, #tpu.memory_space<vmem>>, vector<16xf32>,
      tpu.vector_store %arg11[%swap3A], %gather3A {strides = array<i32>} : memref<128xf32, #tpu.memory_space<vmem>>, vector<16xf32>,
    }
    %scan3A_105 = arith.constant 8 : i32
    %dma_start3A_106 = arith.constant 2 : i32
    %dma_start3A_107 = arith.constant 0 : i32
    %dma_start3A_108 = tpu.memref_slice %arg6[%dma_start3A_106, %dma_start3A_107] : memref<79x128xi32, #tpu.memory_space<vmem>> -> memref<1x128xi32, #tpu.memory_space<vmem>>
    %dma_start3A_109 = tpu.memref_squeeze %dma_start3A_108 : memref<1x128xi32, #tpu.memory_space<vmem>> -> memref<128xi32, #tpu.memory_space<vmem>>
    %dma_start3A_110 = arith.constant 0 : i32
    %dma_start3A_111 = tpu.memref_slice %arg16[%dma_start3A_110] : memref<10240xf32, #tpu.memory_space<vmem_shared>> -> memref<10240xf32, #tpu.memory_space<vmem_shared>>
    tpu.enqueue_indirect_dma source(%arg11 : memref<128xf32, #tpu.memory_space<vmem>>) target(%dma_start3A_111 : memref<10240xf32, #tpu.memory_space<vmem_shared>>) offsets(%dma_start3A_109 : memref<128xi32, #tpu.memory_space<vmem>>) semaphore(%arg23 : memref<!tpu.dma_semaphore, #tpu.memory_space<semaphore_mem>>) {add = true}
    %scan3A_112 = arith.constant 0 : i32
    %scan3A_113 = arith.constant 8 : i32
    %scan3A_114 = arith.addi %scan3A_112, %scan3A_113 : i32
    %scan3A_115 = arith.constant 1 : i32
    scf.for %scan3A_204 = %scan3A_112 to %scan3A_114 step %scan3A_115  : i32 {
      %mul3A_205 = arith.constant 16 : i32
      %mul3A_206 = arith.muli %scan3A_204, %mul3A_205 : i32
      %add3A_207 = arith.constant 0 : i32
      %add3A_208 = arith.addi %add3A_207, %mul3A_206 : i32
      %get3A = arith.constant 3 : i32
      %get3A_209 = arith.index_cast %get3A : i32 to index
      %get3A_210 = arith.index_cast %add3A_208 : i32 to index
      %get3A_211 = tpu.vector_load %arg7[%get3A_209, %get3A_210] {strides = array<i32>} : memref<79x128xi32, #tpu.memory_space<vmem>>, vector<16xi32>,
      %gather3A = tpu.vector_load_idx %arg8[%get3A_211] : memref<10240xf32, #tpu.memory_space<vmem>>[vector<16xi32>], vector<16xf32>,
      %swap3A = arith.index_cast %add3A_208 : i32 to index
      %swap3A_212 = tpu.vector_load %arg12[%swap3A] {strides = array<i32>} : memref<128xf32, #tpu.memory_space<vmem>>, vector<16xf32>,
      tpu.vector_store %arg12[%swap3A], %gather3A {strides = array<i32>} : memref<128xf32, #tpu.memory_space<vmem>>, vector<16xf32>,
    }
    %scan3A_116 = arith.constant 8 : i32
    %dma_start3A_117 = arith.constant 3 : i32
    %dma_start3A_118 = arith.constant 0 : i32
    %dma_start3A_119 = tpu.memref_slice %arg6[%dma_start3A_117, %dma_start3A_118] : memref<79x128xi32, #tpu.memory_space<vmem>> -> memref<1x128xi32, #tpu.memory_space<vmem>>
    %dma_start3A_120 = tpu.memref_squeeze %dma_start3A_119 : memref<1x128xi32, #tpu.memory_space<vmem>> -> memref<128xi32, #tpu.memory_space<vmem>>
    %dma_start3A_121 = arith.constant 0 : i32
    %dma_start3A_122 = tpu.memref_slice %arg16[%dma_start3A_121] : memref<10240xf32, #tpu.memory_space<vmem_shared>> -> memref<10240xf32, #tpu.memory_space<vmem_shared>>
    tpu.enqueue_indirect_dma source(%arg12 : memref<128xf32, #tpu.memory_space<vmem>>) target(%dma_start3A_122 : memref<10240xf32, #tpu.memory_space<vmem_shared>>) offsets(%dma_start3A_120 : memref<128xi32, #tpu.memory_space<vmem>>) semaphore(%arg24 : memref<!tpu.dma_semaphore, #tpu.memory_space<semaphore_mem>>) {add = true}
    %scan3A_123 = arith.constant 0 : i32
    %scan3A_124 = arith.constant 18 : i32
    %scan3A_125 = arith.addi %scan3A_123, %scan3A_124 : i32
    %scan3A_126 = arith.constant 1 : i32
    scf.for %scan3A_204 = %scan3A_123 to %scan3A_125 step %scan3A_126  : i32 {
      %mul3A_205 = arith.constant 4 : i32
      %mul3A_206 = arith.muli %scan3A_204, %mul3A_205 : i32
      %add3A_207 = arith.constant 4 : i32
      %add3A_208 = arith.addi %add3A_207, %mul3A_206 : i32
      %add3A_209 = arith.constant 0 : i32
      %add3A_210 = arith.addi %add3A_208, %add3A_209 : i32
      %add3A_211 = arith.constant 0 : i32
      %add3A_212 = arith.addi %add3A_211, %add3A_210 : i32
      %dma_wait3A_213 = arith.constant 0 : i32
      %dma_wait3A_214 = tpu.memref_slice %arg6[%add3A_212, %dma_wait3A_213] : memref<79x128xi32, #tpu.memory_space<vmem>> -> memref<1x128xi32, #tpu.memory_space<vmem>>
      %dma_wait3A_215 = tpu.memref_squeeze %dma_wait3A_214 : memref<1x128xi32, #tpu.memory_space<vmem>> -> memref<128xi32, #tpu.memory_space<vmem>>
      %dma_wait3A_216 = arith.constant 0 : i32
      %dma_wait3A_217 = tpu.memref_slice %arg16[%dma_wait3A_216] : memref<10240xf32, #tpu.memory_space<vmem_shared>> -> memref<10240xf32, #tpu.memory_space<vmem_shared>>
      tpu.wait_indirect_dma semaphore(%arg21 : memref<!tpu.dma_semaphore, #tpu.memory_space<semaphore_mem>>) src(%arg9 : memref<128xf32, #tpu.memory_space<vmem>>) dst(%dma_wait3A_217 : memref<10240xf32, #tpu.memory_space<vmem_shared>>)
      %scan3A_218 = arith.constant 0 : i32
      %scan3A_219 = arith.constant 8 : i32
      %scan3A_220 = arith.addi %scan3A_218, %scan3A_219 : i32
      %scan3A_221 = arith.constant 1 : i32
      scf.for %scan3A_293 = %scan3A_218 to %scan3A_220 step %scan3A_221  : i32 {
        %mul3A_294 = arith.constant 16 : i32
        %mul3A_295 = arith.muli %scan3A_293, %mul3A_294 : i32
        %add3A_296 = arith.constant 0 : i32
        %add3A_297 = arith.addi %add3A_296, %mul3A_295 : i32
        %get3A = arith.index_cast %add3A_210 : i32 to index
        %get3A_298 = arith.index_cast %add3A_297 : i32 to index
        %get3A_299 = tpu.vector_load %arg7[%get3A, %get3A_298] {strides = array<i32>} : memref<79x128xi32, #tpu.memory_space<vmem>>, vector<16xi32>,
        %gather3A = tpu.vector_load_idx %arg8[%get3A_299] : memref<10240xf32, #tpu.memory_space<vmem>>[vector<16xi32>], vector<16xf32>,
        %swap3A = arith.index_cast %add3A_297 : i32 to index
        %swap3A_300 = tpu.vector_load %arg9[%swap3A] {strides = array<i32>} : memref<128xf32, #tpu.memory_space<vmem>>, vector<16xf32>,
        tpu.vector_store %arg9[%swap3A], %gather3A {strides = array<i32>} : memref<128xf32, #tpu.memory_space<vmem>>, vector<16xf32>,
      }
      %scan3A_222 = arith.constant 8 : i32
      %add3A_223 = arith.constant 0 : i32
      %add3A_224 = arith.addi %add3A_223, %add3A_210 : i32
      %dma_start3A_225 = arith.constant 0 : i32
      %dma_start3A_226 = tpu.memref_slice %arg6[%add3A_224, %dma_start3A_225] : memref<79x128xi32, #tpu.memory_space<vmem>> -> memref<1x128xi32, #tpu.memory_space<vmem>>
      %dma_start3A_227 = tpu.memref_squeeze %dma_start3A_226 : memref<1x128xi32, #tpu.memory_space<vmem>> -> memref<128xi32, #tpu.memory_space<vmem>>
      %dma_start3A_228 = arith.constant 0 : i32
      %dma_start3A_229 = tpu.memref_slice %arg16[%dma_start3A_228] : memref<10240xf32, #tpu.memory_space<vmem_shared>> -> memref<10240xf32, #tpu.memory_space<vmem_shared>>
      tpu.enqueue_indirect_dma source(%arg9 : memref<128xf32, #tpu.memory_space<vmem>>) target(%dma_start3A_229 : memref<10240xf32, #tpu.memory_space<vmem_shared>>) offsets(%dma_start3A_227 : memref<128xi32, #tpu.memory_space<vmem>>) semaphore(%arg21 : memref<!tpu.dma_semaphore, #tpu.memory_space<semaphore_mem>>) {add = true}
      %add3A_230 = arith.constant 1 : i32
      %add3A_231 = arith.addi %add3A_208, %add3A_230 : i32
      %add3A_232 = arith.constant 0 : i32
      %add3A_233 = arith.addi %add3A_232, %add3A_231 : i32
      %dma_wait3A_234 = arith.constant 0 : i32
      %dma_wait3A_235 = tpu.memref_slice %arg6[%add3A_233, %dma_wait3A_234] : memref<79x128xi32, #tpu.memory_space<vmem>> -> memref<1x128xi32, #tpu.memory_space<vmem>>
      %dma_wait3A_236 = tpu.memref_squeeze %dma_wait3A_235 : memref<1x128xi32, #tpu.memory_space<vmem>> -> memref<128xi32, #tpu.memory_space<vmem>>
      %dma_wait3A_237 = arith.constant 0 : i32
      %dma_wait3A_238 = tpu.memref_slice %arg16[%dma_wait3A_237] : memref<10240xf32, #tpu.memory_space<vmem_shared>> -> memref<10240xf32, #tpu.memory_space<vmem_shared>>
      tpu.wait_indirect_dma semaphore(%arg22 : memref<!tpu.dma_semaphore, #tpu.memory_space<semaphore_mem>>) src(%arg10 : memref<128xf32, #tpu.memory_space<vmem>>) dst(%dma_wait3A_238 : memref<10240xf32, #tpu.memory_space<vmem_shared>>)
      %scan3A_239 = arith.constant 0 : i32
      %scan3A_240 = arith.constant 8 : i32
      %scan3A_241 = arith.addi %scan3A_239, %scan3A_240 : i32
      %scan3A_242 = arith.constant 1 : i32
      scf.for %scan3A_293 = %scan3A_239 to %scan3A_241 step %scan3A_242  : i32 {
        %mul3A_294 = arith.constant 16 : i32
        %mul3A_295 = arith.muli %scan3A_293, %mul3A_294 : i32
        %add3A_296 = arith.constant 0 : i32
        %add3A_297 = arith.addi %add3A_296, %mul3A_295 : i32
        %get3A = arith.index_cast %add3A_231 : i32 to index
        %get3A_298 = arith.index_cast %add3A_297 : i32 to index
        %get3A_299 = tpu.vector_load %arg7[%get3A, %get3A_298] {strides = array<i32>} : memref<79x128xi32, #tpu.memory_space<vmem>>, vector<16xi32>,
        %gather3A = tpu.vector_load_idx %arg8[%get3A_299] : memref<10240xf32, #tpu.memory_space<vmem>>[vector<16xi32>], vector<16xf32>,
        %swap3A = arith.index_cast %add3A_297 : i32 to index
        %swap3A_300 = tpu.vector_load %arg10[%swap3A] {strides = array<i32>} : memref<128xf32, #tpu.memory_space<vmem>>, vector<16xf32>,
        tpu.vector_store %arg10[%swap3A], %gather3A {strides = array<i32>} : memref<128xf32, #tpu.memory_space<vmem>>, vector<16xf32>,
      }
      %scan3A_243 = arith.constant 8 : i32
      %add3A_244 = arith.constant 0 : i32
      %add3A_245 = arith.addi %add3A_244, %add3A_231 : i32
      %dma_start3A_246 = arith.constant 0 : i32
      %dma_start3A_247 = tpu.memref_slice %arg6[%add3A_245, %dma_start3A_246] : memref<79x128xi32, #tpu.memory_space<vmem>> -> memref<1x128xi32, #tpu.memory_space<vmem>>
      %dma_start3A_248 = tpu.memref_squeeze %dma_start3A_247 : memref<1x128xi32, #tpu.memory_space<vmem>> -> memref<128xi32, #tpu.memory_space<vmem>>
      %dma_start3A_249 = arith.constant 0 : i32
      %dma_start3A_250 = tpu.memref_slice %arg16[%dma_start3A_249] : memref<10240xf32, #tpu.memory_space<vmem_shared>> -> memref<10240xf32, #tpu.memory_space<vmem_shared>>
      tpu.enqueue_indirect_dma source(%arg10 : memref<128xf32, #tpu.memory_space<vmem>>) target(%dma_start3A_250 : memref<10240xf32, #tpu.memory_space<vmem_shared>>) offsets(%dma_start3A_248 : memref<128xi32, #tpu.memory_space<vmem>>) semaphore(%arg22 : memref<!tpu.dma_semaphore, #tpu.memory_space<semaphore_mem>>) {add = true}
      %add3A_251 = arith.constant 2 : i32
      %add3A_252 = arith.addi %add3A_208, %add3A_251 : i32
      %add3A_253 = arith.constant 0 : i32
      %add3A_254 = arith.addi %add3A_253, %add3A_252 : i32
      %dma_wait3A_255 = arith.constant 0 : i32
      %dma_wait3A_256 = tpu.memref_slice %arg6[%add3A_254, %dma_wait3A_255] : memref<79x128xi32, #tpu.memory_space<vmem>> -> memref<1x128xi32, #tpu.memory_space<vmem>>
      %dma_wait3A_257 = tpu.memref_squeeze %dma_wait3A_256 : memref<1x128xi32, #tpu.memory_space<vmem>> -> memref<128xi32, #tpu.memory_space<vmem>>
      %dma_wait3A_258 = arith.constant 0 : i32
      %dma_wait3A_259 = tpu.memref_slice %arg16[%dma_wait3A_258] : memref<10240xf32, #tpu.memory_space<vmem_shared>> -> memref<10240xf32, #tpu.memory_space<vmem_shared>>
      tpu.wait_indirect_dma semaphore(%arg23 : memref<!tpu.dma_semaphore, #tpu.memory_space<semaphore_mem>>) src(%arg11 : memref<128xf32, #tpu.memory_space<vmem>>) dst(%dma_wait3A_259 : memref<10240xf32, #tpu.memory_space<vmem_shared>>)
      %scan3A_260 = arith.constant 0 : i32
      %scan3A_261 = arith.constant 8 : i32
      %scan3A_262 = arith.addi %scan3A_260, %scan3A_261 : i32
      %scan3A_263 = arith.constant 1 : i32
      scf.for %scan3A_293 = %scan3A_260 to %scan3A_262 step %scan3A_263  : i32 {
        %mul3A_294 = arith.constant 16 : i32
        %mul3A_295 = arith.muli %scan3A_293, %mul3A_294 : i32
        %add3A_296 = arith.constant 0 : i32
        %add3A_297 = arith.addi %add3A_296, %mul3A_295 : i32
        %get3A = arith.index_cast %add3A_252 : i32 to index
        %get3A_298 = arith.index_cast %add3A_297 : i32 to index
        %get3A_299 = tpu.vector_load %arg7[%get3A, %get3A_298] {strides = array<i32>} : memref<79x128xi32, #tpu.memory_space<vmem>>, vector<16xi32>,
        %gather3A = tpu.vector_load_idx %arg8[%get3A_299] : memref<10240xf32, #tpu.memory_space<vmem>>[vector<16xi32>], vector<16xf32>,
        %swap3A = arith.index_cast %add3A_297 : i32 to index
        %swap3A_300 = tpu.vector_load %arg11[%swap3A] {strides = array<i32>} : memref<128xf32, #tpu.memory_space<vmem>>, vector<16xf32>,
        tpu.vector_store %arg11[%swap3A], %gather3A {strides = array<i32>} : memref<128xf32, #tpu.memory_space<vmem>>, vector<16xf32>,
      }
      %scan3A_264 = arith.constant 8 : i32
      %add3A_265 = arith.constant 0 : i32
      %add3A_266 = arith.addi %add3A_265, %add3A_252 : i32
      %dma_start3A_267 = arith.constant 0 : i32
      %dma_start3A_268 = tpu.memref_slice %arg6[%add3A_266, %dma_start3A_267] : memref<79x128xi32, #tpu.memory_space<vmem>> -> memref<1x128xi32, #tpu.memory_space<vmem>>
      %dma_start3A_269 = tpu.memref_squeeze %dma_start3A_268 : memref<1x128xi32, #tpu.memory_space<vmem>> -> memref<128xi32, #tpu.memory_space<vmem>>
      %dma_start3A_270 = arith.constant 0 : i32
      %dma_start3A_271 = tpu.memref_slice %arg16[%dma_start3A_270] : memref<10240xf32, #tpu.memory_space<vmem_shared>> -> memref<10240xf32, #tpu.memory_space<vmem_shared>>
      tpu.enqueue_indirect_dma source(%arg11 : memref<128xf32, #tpu.memory_space<vmem>>) target(%dma_start3A_271 : memref<10240xf32, #tpu.memory_space<vmem_shared>>) offsets(%dma_start3A_269 : memref<128xi32, #tpu.memory_space<vmem>>) semaphore(%arg23 : memref<!tpu.dma_semaphore, #tpu.memory_space<semaphore_mem>>) {add = true}
      %add3A_272 = arith.constant 3 : i32
      %add3A_273 = arith.addi %add3A_208, %add3A_272 : i32
      %add3A_274 = arith.constant 0 : i32
      %add3A_275 = arith.addi %add3A_274, %add3A_273 : i32
      %dma_wait3A_276 = arith.constant 0 : i32
      %dma_wait3A_277 = tpu.memref_slice %arg6[%add3A_275, %dma_wait3A_276] : memref<79x128xi32, #tpu.memory_space<vmem>> -> memref<1x128xi32, #tpu.memory_space<vmem>>
      %dma_wait3A_278 = tpu.memref_squeeze %dma_wait3A_277 : memref<1x128xi32, #tpu.memory_space<vmem>> -> memref<128xi32, #tpu.memory_space<vmem>>
      %dma_wait3A_279 = arith.constant 0 : i32
      %dma_wait3A_280 = tpu.memref_slice %arg16[%dma_wait3A_279] : memref<10240xf32, #tpu.memory_space<vmem_shared>> -> memref<10240xf32, #tpu.memory_space<vmem_shared>>
      tpu.wait_indirect_dma semaphore(%arg24 : memref<!tpu.dma_semaphore, #tpu.memory_space<semaphore_mem>>) src(%arg12 : memref<128xf32, #tpu.memory_space<vmem>>) dst(%dma_wait3A_280 : memref<10240xf32, #tpu.memory_space<vmem_shared>>)
      %scan3A_281 = arith.constant 0 : i32
      %scan3A_282 = arith.constant 8 : i32
      %scan3A_283 = arith.addi %scan3A_281, %scan3A_282 : i32
      %scan3A_284 = arith.constant 1 : i32
      scf.for %scan3A_293 = %scan3A_281 to %scan3A_283 step %scan3A_284  : i32 {
        %mul3A_294 = arith.constant 16 : i32
        %mul3A_295 = arith.muli %scan3A_293, %mul3A_294 : i32
        %add3A_296 = arith.constant 0 : i32
        %add3A_297 = arith.addi %add3A_296, %mul3A_295 : i32
        %get3A = arith.index_cast %add3A_273 : i32 to index
        %get3A_298 = arith.index_cast %add3A_297 : i32 to index
        %get3A_299 = tpu.vector_load %arg7[%get3A, %get3A_298] {strides = array<i32>} : memref<79x128xi32, #tpu.memory_space<vmem>>, vector<16xi32>,
        %gather3A = tpu.vector_load_idx %arg8[%get3A_299] : memref<10240xf32, #tpu.memory_space<vmem>>[vector<16xi32>], vector<16xf32>,
        %swap3A = arith.index_cast %add3A_297 : i32 to index
        %swap3A_300 = tpu.vector_load %arg12[%swap3A] {strides = array<i32>} : memref<128xf32, #tpu.memory_space<vmem>>, vector<16xf32>,
        tpu.vector_store %arg12[%swap3A], %gather3A {strides = array<i32>} : memref<128xf32, #tpu.memory_space<vmem>>, vector<16xf32>,
      }
      %scan3A_285 = arith.constant 8 : i32
      %add3A_286 = arith.constant 0 : i32
      %add3A_287 = arith.addi %add3A_286, %add3A_273 : i32
      %dma_start3A_288 = arith.constant 0 : i32
      %dma_start3A_289 = tpu.memref_slice %arg6[%add3A_287, %dma_start3A_288] : memref<79x128xi32, #tpu.memory_space<vmem>> -> memref<1x128xi32, #tpu.memory_space<vmem>>
      %dma_start3A_290 = tpu.memref_squeeze %dma_start3A_289 : memref<1x128xi32, #tpu.memory_space<vmem>> -> memref<128xi32, #tpu.memory_space<vmem>>
      %dma_start3A_291 = arith.constant 0 : i32
      %dma_start3A_292 = tpu.memref_slice %arg16[%dma_start3A_291] : memref<10240xf32, #tpu.memory_space<vmem_shared>> -> memref<10240xf32, #tpu.memory_space<vmem_shared>>
      tpu.enqueue_indirect_dma source(%arg12 : memref<128xf32, #tpu.memory_space<vmem>>) target(%dma_start3A_292 : memref<10240xf32, #tpu.memory_space<vmem_shared>>) offsets(%dma_start3A_290 : memref<128xi32, #tpu.memory_space<vmem>>) semaphore(%arg24 : memref<!tpu.dma_semaphore, #tpu.memory_space<semaphore_mem>>) {add = true}
    }
    %scan3A_127 = arith.constant 18 : i32
    %dma_wait3A_128 = arith.constant 76 : i32
    %dma_wait3A_129 = arith.constant 0 : i32
    %dma_wait3A_130 = tpu.memref_slice %arg6[%dma_wait3A_128, %dma_wait3A_129] : memref<79x128xi32, #tpu.memory_space<vmem>> -> memref<1x128xi32, #tpu.memory_space<vmem>>
    %dma_wait3A_131 = tpu.memref_squeeze %dma_wait3A_130 : memref<1x128xi32, #tpu.memory_space<vmem>> -> memref<128xi32, #tpu.memory_space<vmem>>
    %dma_wait3A_132 = arith.constant 0 : i32
    %dma_wait3A_133 = tpu.memref_slice %arg16[%dma_wait3A_132] : memref<10240xf32, #tpu.memory_space<vmem_shared>> -> memref<10240xf32, #tpu.memory_space<vmem_shared>>
    tpu.wait_indirect_dma semaphore(%arg21 : memref<!tpu.dma_semaphore, #tpu.memory_space<semaphore_mem>>) src(%arg9 : memref<128xf32, #tpu.memory_space<vmem>>) dst(%dma_wait3A_133 : memref<10240xf32, #tpu.memory_space<vmem_shared>>)
    %scan3A_134 = arith.constant 0 : i32
    %scan3A_135 = arith.constant 8 : i32
    %scan3A_136 = arith.addi %scan3A_134, %scan3A_135 : i32
    %scan3A_137 = arith.constant 1 : i32
    scf.for %scan3A_204 = %scan3A_134 to %scan3A_136 step %scan3A_137  : i32 {
      %mul3A_205 = arith.constant 16 : i32
      %mul3A_206 = arith.muli %scan3A_204, %mul3A_205 : i32
      %add3A_207 = arith.constant 0 : i32
      %add3A_208 = arith.addi %add3A_207, %mul3A_206 : i32
      %get3A = arith.constant 76 : i32
      %get3A_209 = arith.index_cast %get3A : i32 to index
      %get3A_210 = arith.index_cast %add3A_208 : i32 to index
      %get3A_211 = tpu.vector_load %arg7[%get3A_209, %get3A_210] {strides = array<i32>} : memref<79x128xi32, #tpu.memory_space<vmem>>, vector<16xi32>,
      %gather3A = tpu.vector_load_idx %arg8[%get3A_211] : memref<10240xf32, #tpu.memory_space<vmem>>[vector<16xi32>], vector<16xf32>,
      %swap3A = arith.index_cast %add3A_208 : i32 to index
      %swap3A_212 = tpu.vector_load %arg9[%swap3A] {strides = array<i32>} : memref<128xf32, #tpu.memory_space<vmem>>, vector<16xf32>,
      tpu.vector_store %arg9[%swap3A], %gather3A {strides = array<i32>} : memref<128xf32, #tpu.memory_space<vmem>>, vector<16xf32>,
    }
    %scan3A_138 = arith.constant 8 : i32
    %dma_start3A_139 = arith.constant 76 : i32
    %dma_start3A_140 = arith.constant 0 : i32
    %dma_start3A_141 = tpu.memref_slice %arg6[%dma_start3A_139, %dma_start3A_140] : memref<79x128xi32, #tpu.memory_space<vmem>> -> memref<1x128xi32, #tpu.memory_space<vmem>>
    %dma_start3A_142 = tpu.memref_squeeze %dma_start3A_141 : memref<1x128xi32, #tpu.memory_space<vmem>> -> memref<128xi32, #tpu.memory_space<vmem>>
    %dma_start3A_143 = arith.constant 0 : i32
    %dma_start3A_144 = tpu.memref_slice %arg16[%dma_start3A_143] : memref<10240xf32, #tpu.memory_space<vmem_shared>> -> memref<10240xf32, #tpu.memory_space<vmem_shared>>
    tpu.enqueue_indirect_dma source(%arg9 : memref<128xf32, #tpu.memory_space<vmem>>) target(%dma_start3A_144 : memref<10240xf32, #tpu.memory_space<vmem_shared>>) offsets(%dma_start3A_142 : memref<128xi32, #tpu.memory_space<vmem>>) semaphore(%arg21 : memref<!tpu.dma_semaphore, #tpu.memory_space<semaphore_mem>>) {add = true}
    %dma_wait3A_145 = arith.constant 77 : i32
    %dma_wait3A_146 = arith.constant 0 : i32
    %dma_wait3A_147 = tpu.memref_slice %arg6[%dma_wait3A_145, %dma_wait3A_146] : memref<79x128xi32, #tpu.memory_space<vmem>> -> memref<1x128xi32, #tpu.memory_space<vmem>>
    %dma_wait3A_148 = tpu.memref_squeeze %dma_wait3A_147 : memref<1x128xi32, #tpu.memory_space<vmem>> -> memref<128xi32, #tpu.memory_space<vmem>>
    %dma_wait3A_149 = arith.constant 0 : i32
    %dma_wait3A_150 = tpu.memref_slice %arg16[%dma_wait3A_149] : memref<10240xf32, #tpu.memory_space<vmem_shared>> -> memref<10240xf32, #tpu.memory_space<vmem_shared>>
    tpu.wait_indirect_dma semaphore(%arg22 : memref<!tpu.dma_semaphore, #tpu.memory_space<semaphore_mem>>) src(%arg10 : memref<128xf32, #tpu.memory_space<vmem>>) dst(%dma_wait3A_150 : memref<10240xf32, #tpu.memory_space<vmem_shared>>)
    %scan3A_151 = arith.constant 0 : i32
    %scan3A_152 = arith.constant 8 : i32
    %scan3A_153 = arith.addi %scan3A_151, %scan3A_152 : i32
    %scan3A_154 = arith.constant 1 : i32
    scf.for %scan3A_204 = %scan3A_151 to %scan3A_153 step %scan3A_154  : i32 {
      %mul3A_205 = arith.constant 16 : i32
      %mul3A_206 = arith.muli %scan3A_204, %mul3A_205 : i32
      %add3A_207 = arith.constant 0 : i32
      %add3A_208 = arith.addi %add3A_207, %mul3A_206 : i32
      %get3A = arith.constant 77 : i32
      %get3A_209 = arith.index_cast %get3A : i32 to index
      %get3A_210 = arith.index_cast %add3A_208 : i32 to index
      %get3A_211 = tpu.vector_load %arg7[%get3A_209, %get3A_210] {strides = array<i32>} : memref<79x128xi32, #tpu.memory_space<vmem>>, vector<16xi32>,
      %gather3A = tpu.vector_load_idx %arg8[%get3A_211] : memref<10240xf32, #tpu.memory_space<vmem>>[vector<16xi32>], vector<16xf32>,
      %swap3A = arith.index_cast %add3A_208 : i32 to index
      %swap3A_212 = tpu.vector_load %arg10[%swap3A] {strides = array<i32>} : memref<128xf32, #tpu.memory_space<vmem>>, vector<16xf32>,
      tpu.vector_store %arg10[%swap3A], %gather3A {strides = array<i32>} : memref<128xf32, #tpu.memory_space<vmem>>, vector<16xf32>,
    }
    %scan3A_155 = arith.constant 8 : i32
    %dma_start3A_156 = arith.constant 77 : i32
    %dma_start3A_157 = arith.constant 0 : i32
    %dma_start3A_158 = tpu.memref_slice %arg6[%dma_start3A_156, %dma_start3A_157] : memref<79x128xi32, #tpu.memory_space<vmem>> -> memref<1x128xi32, #tpu.memory_space<vmem>>
    %dma_start3A_159 = tpu.memref_squeeze %dma_start3A_158 : memref<1x128xi32, #tpu.memory_space<vmem>> -> memref<128xi32, #tpu.memory_space<vmem>>
    %dma_start3A_160 = arith.constant 0 : i32
    %dma_start3A_161 = tpu.memref_slice %arg16[%dma_start3A_160] : memref<10240xf32, #tpu.memory_space<vmem_shared>> -> memref<10240xf32, #tpu.memory_space<vmem_shared>>
    tpu.enqueue_indirect_dma source(%arg10 : memref<128xf32, #tpu.memory_space<vmem>>) target(%dma_start3A_161 : memref<10240xf32, #tpu.memory_space<vmem_shared>>) offsets(%dma_start3A_159 : memref<128xi32, #tpu.memory_space<vmem>>) semaphore(%arg22 : memref<!tpu.dma_semaphore, #tpu.memory_space<semaphore_mem>>) {add = true}
    %dma_wait3A_162 = arith.constant 78 : i32
    %dma_wait3A_163 = arith.constant 0 : i32
    %dma_wait3A_164 = tpu.memref_slice %arg6[%dma_wait3A_162, %dma_wait3A_163] : memref<79x128xi32, #tpu.memory_space<vmem>> -> memref<1x128xi32, #tpu.memory_space<vmem>>
    %dma_wait3A_165 = tpu.memref_squeeze %dma_wait3A_164 : memref<1x128xi32, #tpu.memory_space<vmem>> -> memref<128xi32, #tpu.memory_space<vmem>>
    %dma_wait3A_166 = arith.constant 0 : i32
    %dma_wait3A_167 = tpu.memref_slice %arg16[%dma_wait3A_166] : memref<10240xf32, #tpu.memory_space<vmem_shared>> -> memref<10240xf32, #tpu.memory_space<vmem_shared>>
    tpu.wait_indirect_dma semaphore(%arg23 : memref<!tpu.dma_semaphore, #tpu.memory_space<semaphore_mem>>) src(%arg11 : memref<128xf32, #tpu.memory_space<vmem>>) dst(%dma_wait3A_167 : memref<10240xf32, #tpu.memory_space<vmem_shared>>)
    %scan3A_168 = arith.constant 0 : i32
    %scan3A_169 = arith.constant 8 : i32
    %scan3A_170 = arith.addi %scan3A_168, %scan3A_169 : i32
    %scan3A_171 = arith.constant 1 : i32
    scf.for %scan3A_204 = %scan3A_168 to %scan3A_170 step %scan3A_171  : i32 {
      %mul3A_205 = arith.constant 16 : i32
      %mul3A_206 = arith.muli %scan3A_204, %mul3A_205 : i32
      %add3A_207 = arith.constant 0 : i32
      %add3A_208 = arith.addi %add3A_207, %mul3A_206 : i32
      %get3A = arith.constant 78 : i32
      %get3A_209 = arith.index_cast %get3A : i32 to index
      %get3A_210 = arith.index_cast %add3A_208 : i32 to index
      %get3A_211 = tpu.vector_load %arg7[%get3A_209, %get3A_210] {strides = array<i32>} : memref<79x128xi32, #tpu.memory_space<vmem>>, vector<16xi32>,
      %gather3A = tpu.vector_load_idx %arg8[%get3A_211] : memref<10240xf32, #tpu.memory_space<vmem>>[vector<16xi32>], vector<16xf32>,
      %swap3A = arith.index_cast %add3A_208 : i32 to index
      %swap3A_212 = tpu.vector_load %arg11[%swap3A] {strides = array<i32>} : memref<128xf32, #tpu.memory_space<vmem>>, vector<16xf32>,
      tpu.vector_store %arg11[%swap3A], %gather3A {strides = array<i32>} : memref<128xf32, #tpu.memory_space<vmem>>, vector<16xf32>,
    }
    %scan3A_172 = arith.constant 8 : i32
    %dma_start3A_173 = arith.constant 78 : i32
    %dma_start3A_174 = arith.constant 0 : i32
    %dma_start3A_175 = tpu.memref_slice %arg6[%dma_start3A_173, %dma_start3A_174] : memref<79x128xi32, #tpu.memory_space<vmem>> -> memref<1x128xi32, #tpu.memory_space<vmem>>
    %dma_start3A_176 = tpu.memref_squeeze %dma_start3A_175 : memref<1x128xi32, #tpu.memory_space<vmem>> -> memref<128xi32, #tpu.memory_space<vmem>>
    %dma_start3A_177 = arith.constant 0 : i32
    %dma_start3A_178 = tpu.memref_slice %arg16[%dma_start3A_177] : memref<10240xf32, #tpu.memory_space<vmem_shared>> -> memref<10240xf32, #tpu.memory_space<vmem_shared>>
    tpu.enqueue_indirect_dma source(%arg11 : memref<128xf32, #tpu.memory_space<vmem>>) target(%dma_start3A_178 : memref<10240xf32, #tpu.memory_space<vmem_shared>>) offsets(%dma_start3A_176 : memref<128xi32, #tpu.memory_space<vmem>>) semaphore(%arg23 : memref<!tpu.dma_semaphore, #tpu.memory_space<semaphore_mem>>) {add = true}
    %dma_wait3A_179 = arith.constant 76 : i32
    %dma_wait3A_180 = arith.constant 0 : i32
    %dma_wait3A_181 = tpu.memref_slice %arg6[%dma_wait3A_179, %dma_wait3A_180] : memref<79x128xi32, #tpu.memory_space<vmem>> -> memref<1x128xi32, #tpu.memory_space<vmem>>
    %dma_wait3A_182 = tpu.memref_squeeze %dma_wait3A_181 : memref<1x128xi32, #tpu.memory_space<vmem>> -> memref<128xi32, #tpu.memory_space<vmem>>
    %dma_wait3A_183 = arith.constant 0 : i32
    %dma_wait3A_184 = tpu.memref_slice %arg16[%dma_wait3A_183] : memref<10240xf32, #tpu.memory_space<vmem_shared>> -> memref<10240xf32, #tpu.memory_space<vmem_shared>>
    tpu.wait_indirect_dma semaphore(%arg21 : memref<!tpu.dma_semaphore, #tpu.memory_space<semaphore_mem>>) src(%arg9 : memref<128xf32, #tpu.memory_space<vmem>>) dst(%dma_wait3A_184 : memref<10240xf32, #tpu.memory_space<vmem_shared>>)
    %dma_wait3A_185 = arith.constant 77 : i32
    %dma_wait3A_186 = arith.constant 0 : i32
    %dma_wait3A_187 = tpu.memref_slice %arg6[%dma_wait3A_185, %dma_wait3A_186] : memref<79x128xi32, #tpu.memory_space<vmem>> -> memref<1x128xi32, #tpu.memory_space<vmem>>
    %dma_wait3A_188 = tpu.memref_squeeze %dma_wait3A_187 : memref<1x128xi32, #tpu.memory_space<vmem>> -> memref<128xi32, #tpu.memory_space<vmem>>
    %dma_wait3A_189 = arith.constant 0 : i32
    %dma_wait3A_190 = tpu.memref_slice %arg16[%dma_wait3A_189] : memref<10240xf32, #tpu.memory_space<vmem_shared>> -> memref<10240xf32, #tpu.memory_space<vmem_shared>>
    tpu.wait_indirect_dma semaphore(%arg22 : memref<!tpu.dma_semaphore, #tpu.memory_space<semaphore_mem>>) src(%arg10 : memref<128xf32, #tpu.memory_space<vmem>>) dst(%dma_wait3A_190 : memref<10240xf32, #tpu.memory_space<vmem_shared>>)
    %dma_wait3A_191 = arith.constant 78 : i32
    %dma_wait3A_192 = arith.constant 0 : i32
    %dma_wait3A_193 = tpu.memref_slice %arg6[%dma_wait3A_191, %dma_wait3A_192] : memref<79x128xi32, #tpu.memory_space<vmem>> -> memref<1x128xi32, #tpu.memory_space<vmem>>
    %dma_wait3A_194 = tpu.memref_squeeze %dma_wait3A_193 : memref<1x128xi32, #tpu.memory_space<vmem>> -> memref<128xi32, #tpu.memory_space<vmem>>
    %dma_wait3A_195 = arith.constant 0 : i32
    %dma_wait3A_196 = tpu.memref_slice %arg16[%dma_wait3A_195] : memref<10240xf32, #tpu.memory_space<vmem_shared>> -> memref<10240xf32, #tpu.memory_space<vmem_shared>>
    tpu.wait_indirect_dma semaphore(%arg23 : memref<!tpu.dma_semaphore, #tpu.memory_space<semaphore_mem>>) src(%arg11 : memref<128xf32, #tpu.memory_space<vmem>>) dst(%dma_wait3A_196 : memref<10240xf32, #tpu.memory_space<vmem_shared>>)
    %dma_wait3A_197 = arith.constant 75 : i32
    %dma_wait3A_198 = arith.constant 0 : i32
    %dma_wait3A_199 = tpu.memref_slice %arg6[%dma_wait3A_197, %dma_wait3A_198] : memref<79x128xi32, #tpu.memory_space<vmem>> -> memref<1x128xi32, #tpu.memory_space<vmem>>
    %dma_wait3A_200 = tpu.memref_squeeze %dma_wait3A_199 : memref<1x128xi32, #tpu.memory_space<vmem>> -> memref<128xi32, #tpu.memory_space<vmem>>
    %dma_wait3A_201 = arith.constant 0 : i32
    %dma_wait3A_202 = tpu.memref_slice %arg16[%dma_wait3A_201] : memref<10240xf32, #tpu.memory_space<vmem_shared>> -> memref<10240xf32, #tpu.memory_space<vmem_shared>>
    tpu.wait_indirect_dma semaphore(%arg24 : memref<!tpu.dma_semaphore, #tpu.memory_space<semaphore_mem>>) src(%arg12 : memref<128xf32, #tpu.memory_space<vmem>>) dst(%dma_wait3A_202 : memref<10240xf32, #tpu.memory_space<vmem_shared>>)
    %barrier3A_203 = arith.constant 0 : index
    tpu.barrier barrier_id(%barrier3A_203)
    "tpu.region"() ({
      %run_scoped3A = tpu.sem_alloc : memref<!tpu.dma_semaphore, #tpu.memory_space<semaphore_mem>>
      %dma_start3A_204 = tpu.memref_slice %arg16[%mul3A_2] : memref<10240xf32, #tpu.memory_space<vmem_shared>> -> memref<640xf32, #tpu.memory_space<vmem_shared>>
      %dma_start3A_205 = tpu.memref_slice %arg16[%mul3A_2] : memref<10240xf32, #tpu.memory_space<vmem_shared>> -> memref<640xf32, #tpu.memory_space<vmem_shared>>
      tpu.enqueue_dma source(%dma_start3A_205 : memref<640xf32, #tpu.memory_space<vmem_shared>>) target(%arg13 : memref<640xf32, #tpu.memory_space<vmem>>) target_semaphore(%run_scoped3A : memref<!tpu.dma_semaphore, #tpu.memory_space<semaphore_mem>>)
      %dma_wait3A_206 = tpu.memref_slice %arg16[%mul3A_2] : memref<10240xf32, #tpu.memory_space<vmem_shared>> -> memref<640xf32, #tpu.memory_space<vmem_shared>>
      %dma_wait3A_207 = tpu.memref_slice %arg16[%mul3A_2] : memref<10240xf32, #tpu.memory_space<vmem_shared>> -> memref<640xf32, #tpu.memory_space<vmem_shared>>
      tpu.wait_dma2 semaphore(%run_scoped3A : memref<!tpu.dma_semaphore, #tpu.memory_space<semaphore_mem>>) src(%dma_wait3A_207 : memref<640xf32, #tpu.memory_space<vmem_shared>>) dst(%arg13 : memref<640xf32, #tpu.memory_space<vmem>>)
      tpu.yield
    }) : () -> ()
    "tpu.region"() ({
      %run_scoped3A = tpu.sem_alloc : memref<!tpu.dma_semaphore, #tpu.memory_space<semaphore_mem>>
      %dma_start3A_204 = arith.constant 0 : i32
      %dma_start3A_205 = tpu.memref_slice %arg5[%arg0, %dma_start3A_204] : memref<2x10240xf32, #tpu.memory_space<hbm>> -> memref<1x10240xf32, #tpu.memory_space<hbm>>
      %dma_start3A_206 = tpu.memref_squeeze %dma_start3A_205 : memref<1x10240xf32, #tpu.memory_space<hbm>> -> memref<10240xf32, #tpu.memory_space<hbm>>
      %dma_start3A_207 = tpu.memref_slice %dma_start3A_206[%mul3A_2] : memref<10240xf32, #tpu.memory_space<hbm>> -> memref<640xf32, #tpu.memory_space<hbm>>
      %dma_start3A_208 = arith.constant 0 : i32
      %dma_start3A_209 = tpu.memref_slice %arg5[%arg0, %dma_start3A_208] : memref<2x10240xf32, #tpu.memory_space<hbm>> -> memref<1x10240xf32, #tpu.memory_space<hbm>>
      %dma_start3A_210 = tpu.memref_squeeze %dma_start3A_209 : memref<1x10240xf32, #tpu.memory_space<hbm>> -> memref<10240xf32, #tpu.memory_space<hbm>>
      %dma_start3A_211 = tpu.memref_slice %dma_start3A_210[%mul3A_2] : memref<10240xf32, #tpu.memory_space<hbm>> -> memref<640xf32, #tpu.memory_space<hbm>>
      tpu.enqueue_dma source(%arg13 : memref<640xf32, #tpu.memory_space<vmem>>) target(%dma_start3A_211 : memref<640xf32, #tpu.memory_space<hbm>>) target_semaphore(%run_scoped3A : memref<!tpu.dma_semaphore, #tpu.memory_space<semaphore_mem>>)
      %dma_wait3A_212 = arith.constant 0 : i32
      %dma_wait3A_213 = tpu.memref_slice %arg5[%arg0, %dma_wait3A_212] : memref<2x10240xf32, #tpu.memory_space<hbm>> -> memref<1x10240xf32, #tpu.memory_space<hbm>>
      %dma_wait3A_214 = tpu.memref_squeeze %dma_wait3A_213 : memref<1x10240xf32, #tpu.memory_space<hbm>> -> memref<10240xf32, #tpu.memory_space<hbm>>
      %dma_wait3A_215 = tpu.memref_slice %dma_wait3A_214[%mul3A_2] : memref<10240xf32, #tpu.memory_space<hbm>> -> memref<640xf32, #tpu.memory_space<hbm>>
      %dma_wait3A_216 = arith.constant 0 : i32
      %dma_wait3A_217 = tpu.memref_slice %arg5[%arg0, %dma_wait3A_216] : memref<2x10240xf32, #tpu.memory_space<hbm>> -> memref<1x10240xf32, #tpu.memory_space<hbm>>
      %dma_wait3A_218 = tpu.memref_squeeze %dma_wait3A_217 : memref<1x10240xf32, #tpu.memory_space<hbm>> -> memref<10240xf32, #tpu.memory_space<hbm>>
      %dma_wait3A_219 = tpu.memref_slice %dma_wait3A_218[%mul3A_2] : memref<10240xf32, #tpu.memory_space<hbm>> -> memref<640xf32, #tpu.memory_space<hbm>>
      tpu.wait_dma2 semaphore(%run_scoped3A : memref<!tpu.dma_semaphore, #tpu.memory_space<semaphore_mem>>) src(%arg13 : memref<640xf32, #tpu.memory_space<vmem>>) dst(%dma_wait3A_219 : memref<640xf32, #tpu.memory_space<hbm>>)
      tpu.yield
    }) : () -> ()
    return
  }
}

module attributes {stable_mosaic.version = 14 : i64} {
  func.func @body(%arg0: memref<2x10000xf32, #tpu.memory_space<vmem>>, %arg1: memref<2x10000xf32, #tpu.memory_space<vmem>>, %arg2: memref<1x10000xf32, #tpu.memory_space<vmem>>, %arg3: memref<10000x128xf32, #tpu.memory_space<vmem>>, %arg4: memref<128x128xf32, #tpu.memory_space<vmem>>, %arg5: memref<1x128xf32, #tpu.memory_space<vmem>>, %arg6: memref<128x128xf32, #tpu.memory_space<vmem>>, %arg7: memref<1x128xf32, #tpu.memory_space<vmem>>, %arg8: memref<128x128xf32, #tpu.memory_space<vmem>>, %arg9: memref<1x128xf32, #tpu.memory_space<vmem>>, %arg10: memref<1x128xf32, #tpu.memory_space<vmem>>) attributes {dimension_semantics = [], scalar_prefetch = 0 : i64, scratch_operands = 0 : i64, tpu.core_type = #tpu.core_type<tc>} {
    %get3A = arith.constant 0 : index
    %get3A_0 = arith.constant 0 : index
    %get3A_1 = vector.load %arg0[%get3A, %get3A_0] : memref<2x10000xf32, #tpu.memory_space<vmem>>, vector<1x10000xf32>
    %get3A_2 = arith.constant 1 : index
    %get3A_3 = arith.constant 0 : index
    %get3A_4 = vector.load %arg0[%get3A_2, %get3A_3] : memref<2x10000xf32, #tpu.memory_space<vmem>>, vector<1x10000xf32>
    %add3A = arith.addf %get3A_1, %get3A_4 : vector<1x10000xf32>
    %get3A_5 = arith.constant 0 : index
    %get3A_6 = arith.constant 0 : index
    %get3A_7 = vector.load %arg3[%get3A_5, %get3A_6] : memref<10000x128xf32, #tpu.memory_space<vmem>>, vector<10000x128xf32>
    %dot_general3A = arith.constant dense<0.000000e+00> : vector<1x128xf32>
    %dot_general3A_8 = tpu.matmul %add3A, %get3A_7, %dot_general3A {dimension_numbers = #tpu.dot_dimension_numbers<[1], [0], [0], [1], [0, 0, 1, 1], [], []>, precision = #tpu.contract_precision<fp32>, transpose_lhs_hint = false} : vector<1x10000xf32>, vector<10000x128xf32>, vector<1x128xf32> -> vector<1x128xf32>
    %reduce_sum3A = vector.shape_cast %add3A : vector<1x10000xf32> to vector<1x1x10000xf32>
    %reduce_sum3A_9 = arith.constant dense<0.000000e+00> : vector<1xf32>
    %reduce_sum3A_10 = vector.multi_reduction <add>, %reduce_sum3A, %reduce_sum3A_9 [1, 2] : vector<1x1x10000xf32> to vector<1xf32>
    %reduce_sum3A_11 = vector.shape_cast %reduce_sum3A_10 : vector<1xf32> to vector<1x1x1xf32>
    %reduce_sum3A_12 = vector.extract %reduce_sum3A_11[0, 0, 0] : f32 from vector<1x1x1xf32>
    %get3A_13 = arith.constant 0 : index
    %get3A_14 = arith.constant 0 : index
    %get3A_15 = vector.load %arg1[%get3A_13, %get3A_14] : memref<2x10000xf32, #tpu.memory_space<vmem>>, vector<2x10000xf32>
    %reduce_sum3A_16 = vector.shape_cast %get3A_15 : vector<2x10000xf32> to vector<1x2x10000xf32>
    %reduce_sum3A_17 = arith.constant dense<0.000000e+00> : vector<1xf32>
    %reduce_sum3A_18 = vector.multi_reduction <add>, %reduce_sum3A_16, %reduce_sum3A_17 [1, 2] : vector<1x2x10000xf32> to vector<1xf32>
    %reduce_sum3A_19 = vector.shape_cast %reduce_sum3A_18 : vector<1xf32> to vector<1x1x1xf32>
    %reduce_sum3A_20 = vector.extract %reduce_sum3A_19[0, 0, 0] : f32 from vector<1x1x1xf32>
    %get3A_21 = arith.constant 0 : index
    %get3A_22 = arith.constant 0 : index
    %get3A_23 = vector.load %arg2[%get3A_21, %get3A_22] : memref<1x10000xf32, #tpu.memory_space<vmem>>, vector<1x10000xf32>
    %reduce_sum3A_24 = vector.shape_cast %get3A_23 : vector<1x10000xf32> to vector<1x1x10000xf32>
    %reduce_sum3A_25 = arith.constant dense<0.000000e+00> : vector<1xf32>
    %reduce_sum3A_26 = vector.multi_reduction <add>, %reduce_sum3A_24, %reduce_sum3A_25 [1, 2] : vector<1x1x10000xf32> to vector<1xf32>
    %reduce_sum3A_27 = vector.shape_cast %reduce_sum3A_26 : vector<1xf32> to vector<1x1x1xf32>
    %reduce_sum3A_28 = vector.extract %reduce_sum3A_27[0, 0, 0] : f32 from vector<1x1x1xf32>
    %get3A_29 = arith.constant 0 : index
    %get3A_30 = arith.constant 0 : index
    %get3A_31 = vector.load %arg4[%get3A_29, %get3A_30] : memref<128x128xf32, #tpu.memory_space<vmem>>, vector<128x128xf32>
    %dot_general3A_32 = arith.constant dense<0.000000e+00> : vector<1x128xf32>
    %dot_general3A_33 = tpu.matmul %dot_general3A_8, %get3A_31, %dot_general3A_32 {dimension_numbers = #tpu.dot_dimension_numbers<[1], [1], [0], [0], [0, 0, 1, 0], [], []>, precision = #tpu.contract_precision<fp32>, transpose_lhs_hint = false} : vector<1x128xf32>, vector<128x128xf32>, vector<1x128xf32> -> vector<1x128xf32>
    %get3A_34 = arith.constant 0 : index
    %get3A_35 = arith.constant 0 : index
    %get3A_36 = vector.load %arg5[%get3A_34, %get3A_35] : memref<1x128xf32, #tpu.memory_space<vmem>>, vector<1x128xf32>
    %mul3A = vector.broadcast %reduce_sum3A_12 : f32 to vector<1x128xf32>
    %mul3A_37 = arith.mulf %mul3A, %get3A_36 : vector<1x128xf32>
    %add3A_38 = arith.addf %dot_general3A_33, %mul3A_37 : vector<1x128xf32>
    %get3A_39 = arith.constant 0 : index
    %get3A_40 = arith.constant 0 : index
    %get3A_41 = vector.load %arg6[%get3A_39, %get3A_40] : memref<128x128xf32, #tpu.memory_space<vmem>>, vector<128x128xf32>
    %dot_general3A_42 = arith.constant dense<0.000000e+00> : vector<1x128xf32>
    %dot_general3A_43 = tpu.matmul %add3A_38, %get3A_41, %dot_general3A_42 {dimension_numbers = #tpu.dot_dimension_numbers<[1], [1], [0], [0], [0, 0, 1, 0], [], []>, precision = #tpu.contract_precision<fp32>, transpose_lhs_hint = false} : vector<1x128xf32>, vector<128x128xf32>, vector<1x128xf32> -> vector<1x128xf32>
    %get3A_44 = arith.constant 0 : index
    %get3A_45 = arith.constant 0 : index
    %get3A_46 = vector.load %arg7[%get3A_44, %get3A_45] : memref<1x128xf32, #tpu.memory_space<vmem>>, vector<1x128xf32>
    %mul3A_47 = vector.broadcast %reduce_sum3A_20 : f32 to vector<1x128xf32>
    %mul3A_48 = arith.mulf %mul3A_47, %get3A_46 : vector<1x128xf32>
    %add3A_49 = arith.addf %dot_general3A_43, %mul3A_48 : vector<1x128xf32>
    %get3A_50 = arith.constant 0 : index
    %get3A_51 = arith.constant 0 : index
    %get3A_52 = vector.load %arg8[%get3A_50, %get3A_51] : memref<128x128xf32, #tpu.memory_space<vmem>>, vector<128x128xf32>
    %dot_general3A_53 = arith.constant dense<0.000000e+00> : vector<1x128xf32>
    %dot_general3A_54 = tpu.matmul %add3A_49, %get3A_52, %dot_general3A_53 {dimension_numbers = #tpu.dot_dimension_numbers<[1], [1], [0], [0], [0, 0, 1, 0], [], []>, precision = #tpu.contract_precision<fp32>, transpose_lhs_hint = false} : vector<1x128xf32>, vector<128x128xf32>, vector<1x128xf32> -> vector<1x128xf32>
    %get3A_55 = arith.constant 0 : index
    %get3A_56 = arith.constant 0 : index
    %get3A_57 = vector.load %arg9[%get3A_55, %get3A_56] : memref<1x128xf32, #tpu.memory_space<vmem>>, vector<1x128xf32>
    %mul3A_58 = vector.broadcast %reduce_sum3A_28 : f32 to vector<1x128xf32>
    %mul3A_59 = arith.mulf %mul3A_58, %get3A_57 : vector<1x128xf32>
    %add3A_60 = arith.addf %dot_general3A_54, %mul3A_59 : vector<1x128xf32>
    %mul3A_61 = arith.constant 9.99999974E-5 : f32
    %mul3A_62 = vector.broadcast %mul3A_61 : f32 to vector<1x128xf32>
    %mul3A_63 = arith.mulf %add3A_60, %mul3A_62 : vector<1x128xf32>
    %swap3A = arith.constant 0 : index
    %swap3A_64 = arith.constant 0 : index
    %swap3A_65 = vector.load %arg10[%swap3A, %swap3A_64] : memref<1x128xf32, #tpu.memory_space<vmem>>, vector<1x128xf32>
    tpu.vector_store %arg10[%swap3A, %swap3A_64], %mul3A_63 {strides = array<i32>} : memref<1x128xf32, #tpu.memory_space<vmem>>, vector<1x128xf32>,
    return
  }
}

</mosaic_0001>

<sc_bundles>
// kernel: kernel.5.cloned.1.call-start
scs
__scs_entry_jumppad:
0x0: {  	(pc) =	sbr.rel $0x88, $3  }
0x1: {  	(tag) =	ssettag $0x0;
	lr =	simm.s32 $0x1  }
0x2: {  	[smem:$0x3F99] =	sst lr;
	_ =	strace $0xD0000000  }
0x3: {  	_ = 	snop  }
0x4: {  	_ = 	snop  }
0x5: {  	_ = 	snop  }
0x6: {  	_ = 	snop  }
0x7: {  	_ = 	snop  }
__scs_overlays_trampoline_lowered:
0x8: {  	[smem:$0x3FA8] =	sst s0  }
0x9: {  	[smem:$0x3FA9] =	sst s1  }
0xa: {  	[smem:$0x3FAA] =	sst s2  }
0xb: {  	[smem:$0x3FAB] =	sst s3  }
0xc: {  	[smem:$0x3FAC] =	sst s4  }
0xd: {  	[smem:$0x3FAD] =	sst s5  }
0xe: {  	[smem:$0x3FAE] =	sst s6  }
0xf: {  	[smem:$0x3FAF] =	sst s7  }
0x10: {  	[smem:$0x3FB0] =	sst s8  }
0x11: {  	[smem:$0x3FB1] =	sst s9;
	s0 =	simm.s32 @!p0 $0x0  }
0x12: {  	s1 =	sld [smem:$0x3F97];
	s0 =	simm.s32 @p0 $0x1  }
0x13: {  	[smem:$0x3FB2] =	sst s0;
	s0 =	simm.s32 @!p1 $0x0  }
0x14: {  	s2 =	sld [smem:$0x3F96];
	s0 =	simm.s32 @p1 $0x1  }
0x15: {  	[smem:$0x3FB3] =	sst s0;
	s0 =	simm.s32 @!p2 $0x0  }
0x16: {  	s3 =	sld [smem:$0x3FDB];
	s0 =	simm.s32 @p2 $0x1  }
0x17: {  	s4 =	simm.s32 $0x1BF5;
	[smem:$0x3FB5] =	sst s0  }
0x18: {  	s0 =	sld [smem:$0x3F98];
	_ =	swait.ge [sflag:s4], $0x0  }
0x19: {  	s7 =	sld [smem:$0x3F99]  }
0x1a: {  	s8 =	sadd.s32 $0xFFFFE003, lr  }
0x1b: {  	s9 =	sadd.s32 $0xFFFFFEF7, lr;
	s5 =	simm.s32 $0xFFFFFFFF;
	p2 =	slt.u32 s8, $0xFFFFF086  }
0x1c: {  	p1 =	slt.u32 s9, $0xF7A;
	s5 =	simm.s32 @!p2 $0x0  }
0x1d: {  	s5 =	simm.s32 @p1 $0x1;
	p0 =	seq.s32 s7, s2  }
0x1e: {  	s7 =	smul.u32 @!p0 $0xF7A, s2;
	p2 =	seq.s32 @!p0 s5, $0x0  }
0x1f: {  	s9 =	smul.u32 $0xF7A, s1;
	s8 =	simm.s32 @!p0 $0x1BF5;
	p2 =	por !p2, p0  }
0x20: {  	[sflag:s8] =	ssyncset.s32 @!p0 $0xFFFFF086;
	s6 =	sadd.s32 @!p0 s3, s7;
	s7 =	simm.s32 @!p0 $0x108  }
0x21: {  	s3 =	sadd.s32 s3, s9;
	s6 =	sadd.s32 @!p0 $0x88, s6;
	s7 =	simm.s32 @p2 $0x1082  }
0x22: {  	[simem:s7], [sflag:s8] =	dma.local @!p0 [hbm:s6], $0xF7A  }
0x23: {  	s9 =	sor.u32 $0xD0000000, s2;
	s6 =	simm.s32 $0x108;
	_ =	swait.ge @!p0 [sflag:s8], $0x0  }
0x24: {  	s3 =	sadd.s32 $0x88, s3;
	s6 =	simm.s32 @!p1 $0x1082;
	[sflag:s4] =	ssyncset.s32 $0xFFFFF086  }
0x25: {  	[simem:s6], [sflag:s4] =	dma.local [hbm:s3], $0xF7A  }
0x26: {  	[smem:$0x3F99] =	sst s1;
	(tag) =	ssettag s2;
	_ =	strace s9  }
0x27: {  	s1 =	sld [smem:$0x3FA9]  }
0x28: {  	s2 =	sld [smem:$0x3FAA]  }
0x29: {  	s4 =	sld [smem:$0x3FAC]  }
0x2a: {  	p0 =	seq.s32 s5, $0x0;
	s5 =	sld [smem:$0x3FAD]  }
0x2b: {  	s6 =	sld [smem:$0x3FAE]  }
0x2c: {  	s7 =	sld [smem:$0x3FAF]  }
0x2d: {  	s3 =	simm.s32 $0x108;
	s8 =	sld [smem:$0x3FB0]  }
0x2e: {  	s3 =	simm.s32 @!p0 $0x1082;
	s9 =	sld [smem:$0x3FB1]  }
0x2f: {  	lr =	sadd.s32 s0, s3;
	s0 =	sld [smem:$0x3FA8]  }
0x30: {  	s3 =	sld [smem:$0x3FAB]  }
0x31: {  	[smem:$0x3FB4] =	sst s10  }
0x32: {  	s10 =	sld [smem:$0x3FB2];
	_ =	sdelay $0x3  }
0x33: {  	p0 =	seq.s32 s10, $0x1;
	s10 =	sld [smem:$0x3FB4];
	_ =	sdelay $0x3  }
0x34: {  	[smem:$0x3FB4] =	sst s10  }
0x35: {  	s10 =	sld [smem:$0x3FB3];
	_ =	sdelay $0x3  }
0x36: {  	p1 =	seq.s32 s10, $0x1;
	s10 =	sld [smem:$0x3FB4];
	_ =	sdelay $0x3  }
0x37: {  	[smem:$0x3FB4] =	sst s10  }
0x38: {  	s10 =	sld [smem:$0x3FB5]  }
0x39: {  	_ = 	snop;
	(pc) =	sbr.ind lr, $3  }
0x3a: {  	_ = 	snop  }
0x3b: {  	_ = 	snop  }
0x3c: {  	p2 =	seq.s32 s10, $0x1;
	s10 =	sld [smem:$0x3FB4]  }
0x3d: {  	_ =	shalt  }
0x3e: {  	_ =	shalt  }
0x3f: {  	_ =	shalt  }
0x40: {  	_ =	shalt  }
0x41: {  	_ =	shalt  }
0x42: {  	_ =	shalt  }
0x43: {  	_ =	shalt  }
0x44: {  	_ =	shalt  }
0x45: {  	_ =	shalt  }
0x46: {  	_ =	shalt  }
0x47: {  	_ =	shalt  }
0x48: {  	_ =	shalt  }
0x49: {  	_ =	shalt  }
0x4a: {  	_ =	shalt  }
0x4b: {  	_ =	shalt  }
0x4c: {  	_ =	shalt  }
0x4d: {  	_ =	shalt  }
0x4e: {  	_ =	shalt  }
0x4f: {  	_ =	shalt  }
0x50: {  	_ =	shalt  }
0x51: {  	_ =	shalt  }
0x52: {  	_ =	shalt  }
0x53: {  	_ =	shalt  }
0x54: {  	_ =	shalt  }
0x55: {  	_ =	shalt  }
0x56: {  	_ =	shalt  }
0x57: {  	_ =	shalt  }
0x58: {  	_ =	shalt  }
0x59: {  	_ =	shalt  }
0x5a: {  	_ =	shalt  }
0x5b: {  	_ =	shalt  }
0x5c: {  	_ =	shalt  }
0x5d: {  	_ =	shalt  }
0x5e: {  	_ =	shalt  }
0x5f: {  	_ =	shalt  }
0x60: {  	_ =	shalt  }
0x61: {  	_ =	shalt  }
0x62: {  	_ =	shalt  }
0x63: {  	_ =	shalt  }
0x64: {  	_ =	shalt  }
0x65: {  	_ =	shalt  }
0x66: {  	_ =	shalt  }
0x67: {  	_ =	shalt  }
0x68: {  	_ =	shalt  }
0x69: {  	_ =	shalt  }
0x6a: {  	_ =	shalt  }
0x6b: {  	_ =	shalt  }
0x6c: {  	_ =	shalt  }
0x6d: {  	_ =	shalt  }
0x6e: {  	_ =	shalt  }
0x6f: {  	_ =	shalt  }
0x70: {  	_ =	shalt  }
0x71: {  	_ =	shalt  }
0x72: {  	_ =	shalt  }
0x73: {  	_ =	shalt  }
0x74: {  	_ =	shalt  }
0x75: {  	_ =	shalt  }
0x76: {  	_ =	shalt  }
0x77: {  	_ =	shalt  }
0x78: {  	_ =	shalt  }
0x79: {  	_ =	shalt  }
0x7a: {  	_ =	shalt  }
0x7b: {  	_ =	shalt  }
0x7c: {  	_ =	shalt  }
0x7d: {  	_ =	shalt  }
0x7e: {  	_ =	shalt  }
0x7f: {  	_ =	shalt  }
0x80: {  	_ =	shalt  }
0x81: {  	_ =	shalt  }
0x82: {  	_ =	shalt  }
0x83: {  	_ =	shalt  }
0x84: {  	_ =	shalt  }
0x85: {  	_ =	shalt  }
0x86: {  	_ =	shalt  }
0x87: {  	_ =	shalt  }
.Lfunc_end0:
.L_simem_size_0:
called_computation_lowered:
.L_overlay_start_0:
0x88: {  	s2 =	sld [smem:$0x3FD9]  }
0x89: {  	s3 =	sld [smem:$0x3FFE];
	_ =	sdelay $0x1  }
0x8a: {  	s1 =	srdreg.scid  }
0x8b: {  	s0 =	sand.u32 $0x1, s1  }
0x8c: {  	s16 =	sshll.u32 s0, $0xA;
	s2 =	sadd.s32 s3, s2  }
0x8d: {  	s2 =	sadd.s32 s2, s16  }
0x8e: {  	[smem:$0x3FC0] =	sst s2  }
0x8f: {  	_ = 	snop  }
0x90: {  	(tm) =	ssettm $0x1  }
0x91: {  	s17 =	sld [smem:$0x3FFB];
	_ =	sdelay $0x3  }
0x92: {  	_ =	strace s17  }
0x93: {  	s2 =	sld [smem:$0x3FFC];
	_ =	sdelay $0x3  }
0x94: {  	_ =	strace s2  }
0x95: {  	s2 =	sld [smem:$0x3FFD];
	_ =	sdelay $0x3  }
0x96: {  	_ =	strace s2  }
0x97: {  	_ =	strace $0x8FFFFFFF  }
0x98: {  	s18 =	sld [smem:$0x3FDB];
	_ =	sdelay $0x1  }
0x99: {  	s19 =	simm.s32 $_scs_section_size  }
0x9a: {  	s4 =	simm.s32 $_size__tile_overlayer_lowered;
	s5 =	simm.s32 $_tile_overlayer_lowered  }
0x9b: {  	s22 =	simm.s32 $0x1BFF;
	s21 =	sshll.u32 s5, $0x1;
	s2 =	sadd.s32 s19, s18  }
0x9c: {  	s6 =	simm.s32 $0x0;
	s20 =	sshll.u32 s4, $0x1;
	s4 =	sadd.s32 s21, s2  }
0x9d: {  	[timem:s6], [sflag:s22] =	dma.local [hbm:s4], s20  }
0x9e: {  	_ =	swait.ge [sflag:s22], s20  }
0x9f: {  	s3 =	ssub.s32 $0x0, s20;
	[sflag:s22] =	ssyncset.done $0x0  }
0xa0: {  	[sflag:s22] =	ssyncadd.s32 s3;
	_ =	sdelay $0x1  }
0xa1: {  	s23 =	simm.s32 $0x1B8B  }
0xa2: {  	_ =	swait.ge [sflag:s23], $0x1  }
0xa3: {  	[sflag:s23] =	ssyncset.done $0x0  }
0xa4: {  	s25 =	simm.s32 $0x1B8E;
	s24 =	sld [smem:$0x3FFE];
	[sflag:s23] =	ssyncadd.s32 $0xFFFFFFFF  }
0xa5: {  	s26 =	simm.s32 $execute0_lowered;
	[smem:$0x3FD2] =	sst s25  }
0xa6: {  	s4 =	sshll.u32 s26, $0x1;
	_ =	strace $0x80000046;
	[dreg:$0x1] =	wrdreg $0xFFFFFFFF  }
0xa7: {  	s28 =	simm.s32 $_size_execute0_lowered;
	s2 =	sadd.s32 s2, s4;
	[dreg:$0x0] =	wrdreg $0x0  }
0xa8: {  	s4 =	sshll.u32 s28, $0x1;
	[dreg:$0x2] =	wrdreg s2  }
0xa9: {  	[dreg:$0x3] =	wrdreg s4  }
0xaa: {  	[dreg:$0x4] =	wrdreg $0xC0  }
0xab: {  	_ =	task [dreg:s6], $0x5FFFF  }
0xac: {  	[dreg:$0x1] =	wrdreg $0xFFFFFFFF  }
0xad: {  	[dreg:$0x0] =	wrdreg $0x60  }
0xae: {  	[dreg:$0x2] =	wrdreg s24  }
0xaf: {  	[dreg:$0x3] =	wrdreg $0xA7800  }
0xb0: {  	[dreg:$0x4] =	wrdreg $0xAA000  }
0xb1: {  	[dreg:$0x5] =	wrdreg $0x9  }
0xb2: {  	_ =	task.clear_ibuf [dreg:s6], $0x6FFFF;
	_ =	strace $0x90000046  }
0xb3: {  	s29 =	simm.s32 $0x9;
	_ =	strace $0x80000048  }
0xb4: {  	_ =	swait.ge [sflag:s29], $0x1  }
0xb5: {  	[sflag:s29] =	ssyncadd.s32 $0xFFFFFFFF  }
0xb6: {  	_ =	strace $0x90000048  }
0xb7: {  	_ =	sfence  }
0xb8: {  	s30 =	sld [smem:$0x0];
	_ =	sdelay $0x2  }
0xb9: {  	s31 =	sshll.u32 s1, $0xD;
	s1 =	sshrl.u32 s1, $0x2  }
0xba: {  	s3 =	sand.u32 $0x4000, s31;
	s1 =	sadd.s32 s1, s30  }
0xbb: {  	s0 =	sor.u32 s3, s0;
	s1 =	sshll.u32 s1, $0x11  }
0xbc: {  	s0 =	sor.u32 s1, s0  }
0xbd: {  	s0 =	sadd.s32 $0x8F2B, s0  }
0xbe: {  	[sflag:s0] =	ssyncadd.remote.s32 $0x1  }
0xbf: {  	_ =	sfence.sel $0xFFFF  }
0xc0: {  	[dreg:$0x0] =	wrdreg $0xFFFFFFFF;
	(pc) =	sbr.abs _section_cstart, $3  }
0xc1: {  	[dreg:$0x1] =	wrdreg $0xFFFFFFFF  }
0xc2: {  	_ =	task.clear_ibuf [dreg:s6], $0x2FFFF;
	_ =	strace $0x9FFFFFFF  }
0xc3: {  	(tm) =	ssettm $0x7FFFFFFF  }
tec
execute0_lowered:
.L_overlay_start_1:
0x0: {  	(tag) =	ssettag $0x1  }
0x1: {  	s0 =	rddreg [dreg:$0x0]  }
0x2: {  	s2 =	rddreg [dreg:$0x1]  }
0x3: {  	s3 =	rddreg [dreg:$0x2]  }
0x4: {  	s13 =	stileid.u32;
	s1 =	srdreg.scid;
	s4 =	simm.s32 $0x0  }
0x5: {  	s28 =	simm.s32 $0x2;
	s29 =	simm.s32 $0x3;
	s30 =	simm.s32 $0x4  }
0x6: {  	s31 =	simm.s32 $0xA100;
	s1 =	sand.u32 $0x1, s1;
	s6 =	smul.u32 $0xA00, s13  }
0x7: {  	s5 =	sshll.u32 s13, $0x1;
	[smem:$0x7FF] =	sst s4;
	s8 =	smul.u32 $0x280, s13  }
0x8: {  	s26 =	smul.u32 $0xA0, s13;
	s5 =	sor.u32 s1, s5;
	_ =	strace $0x80000047  }
0x9: {  	s7 =	sshll.u32 s1, $0x4;
	s9 =	ssub.s32 $0x2, s1;
	s11 =	smul.u32 $0x9E00, s1  }
0xa: {  	p0 =	seq.s32 s1, $0x0;
	p1 =	sne.s32 s1, $0x0;
	s1 =	simm.s32 $0x5  }
0xb: {  	s5 =	smul.u32 $0x500, s5;
	s6 =	sadd.s32 s6, s0;
	s10 =	sadd.s32 s7, s0  }
0xc: {  	s17 =	sshrl.u32 s8, $0x3;
	s18 =	sshrl.u32 s9, $0x1;
	s7 =	sadd.s32 s8, s2  }
0xd: {  	s8 =	sadd.s32 s8, s3;
	s12 =	ssub.s32 s9, s18;
	s6 =	sadd.s32 $0xBC00, s6  }
0xe: {  	s9 =	sshrl.u32 s11, $0x2;
	s25 =	sadd.s32 $0x16200, s10;
	s18 =	simm.s32 $0x9  }
0xf: {  	s10 =	simm.s32 $0x7;
	[dreg:$0x4] =	wrdreg s6;
	s19 =	sadd.s32 $0x80, s9  }
0x10: {  	s11 =	simm.s32 $0x8;
	s20 =	sadd.s32 $0x100, s9;
	[dreg:$0x6] =	wrdreg s19  }
0x11: {  	s5 =	sadd.s32 s5, s0;
	s21 =	sadd.s32 $0x180, s9;
	[dreg:$0x7] =	wrdreg s20  }
0x12: {  	s0 =	sadd.s32 s17, s0;
	s22 =	sadd.s32 $0x2600, s9;
	[dreg:$0x8] =	wrdreg s21  }
0x13: {  	s23 =	sadd.s32 $0x2680, s9;
	s24 =	sadd.s32 $0x2700, s9;
	[dreg:$0x9] =	wrdreg s22  }
0x14: {  	s17 =	smax.u32 s12, $0x1;
	s6 =	simm.s32 $0x6;
	[dreg:$0xa] =	wrdreg s23  }
0x15: {  	s12 =	simm.s32 $0x0;
	s5 =	sadd.s32 $0x1C00, s5;
	[dreg:$0xb] =	wrdreg s24  }
0x16: {  	s16 =	sadd.s32 $0x15C00, s0;
	s20 =	simm.s32 $0xA280;
	s21 =	simm.s32 $0x80  }
0x17: {  	s22 =	simm.s32 $0xA000;
	s23 =	simm.s32 $0x100;
	s24 =	sadd.s32 s26, s25  }
0x18: {  	s26 =	simm.s32 $0x1;
	s19 =	simm.s32 $0x7800;
	s25 =	simm.s32 $0xA080  }
0x19: {  	v0 =	vimm.f32 $1.000000000e+00;
	s0 =	simm.s32 $0xA180;
	[dreg:$0x5] =	wrdreg s5;
	s5 =	simm.s32 $0xA200  }
.LBB2_1:
0x1a: {  	s13 =	rddreg [dreg:$0x4]  }
0x1b: {  	[tilespmem:s4], [sflag:$0x9] =	stream.linear.gather [hbm4b:s13+s4], $0x4F00, $0x38;
	[tilespmem:$0xAC80] =	vst v63  }
0x1c: {  	_ =	swait.ge [sflag:s18], $0x4F00  }
0x1d: {  	[sflag:s18] =	ssyncset.done $0x0  }
0x1e: {  	s14 =	simm.s32 $0x5000;
	s15 =	rddreg [dreg:$0x5];
	[sflag:s18] =	ssyncadd.s32 $0xFFFFB100  }
0x1f: {  	[tilespmem:s14], [sflag:$0x5] =	stream.linear.gather [hbm4b:s15+s4], $0x2780, $0x38;
	[tilespmem:$0xAC80] =	vst v63  }
0x20: {  	[tilespmem:$0xA000] =	vst v0  }
0x21: {  	[tilespmem:$0xA010] =	vst v0  }
0x22: {  	[tilespmem:$0xA020] =	vst v0  }
0x23: {  	[tilespmem:$0xA030] =	vst v0  }
0x24: {  	[tilespmem:$0xA040] =	vst v0  }
0x25: {  	[tilespmem:$0xA050] =	vst v0  }
0x26: {  	[tilespmem:$0xA060] =	vst v0  }
0x27: {  	[tilespmem:$0xA070] =	vst v0  }
0x28: {  	[tilespmem:$0xA280] =	vst v0  }
0x29: {  	[tilespmem:$0xA290] =	vst v0  }
0x2a: {  	[tilespmem:$0xA2A0] =	vst v0  }
0x2b: {  	[tilespmem:$0xA2B0] =	vst v0  }
0x2c: {  	[tilespmem:$0xA2C0] =	vst v0  }
0x2d: {  	[tilespmem:$0xA2D0] =	vst v0  }
0x2e: {  	[tilespmem:$0xA2E0] =	vst v0  }
0x2f: {  	[tilespmem:$0xA2F0] =	vst v0  }
0x30: {  	[tilespmem:$0xA300] =	vst v0  }
0x31: {  	[tilespmem:$0xA310] =	vst v0  }
0x32: {  	[tilespmem:$0xA320] =	vst v0  }
0x33: {  	[tilespmem:$0xA330] =	vst v0  }
0x34: {  	[tilespmem:$0xA340] =	vst v0  }
0x35: {  	[tilespmem:$0xA350] =	vst v0  }
0x36: {  	[tilespmem:$0xA360] =	vst v0  }
0x37: {  	[tilespmem:$0xA370] =	vst v0  }
0x38: {  	[tilespmem:$0xA380] =	vst v0  }
0x39: {  	[tilespmem:$0xA390] =	vst v0  }
0x3a: {  	[tilespmem:$0xA3A0] =	vst v0  }
0x3b: {  	[tilespmem:$0xA3B0] =	vst v0  }
0x3c: {  	[tilespmem:$0xA3C0] =	vst v0  }
0x3d: {  	[tilespmem:$0xA3D0] =	vst v0  }
0x3e: {  	[tilespmem:$0xA3E0] =	vst v0  }
0x3f: {  	[tilespmem:$0xA3F0] =	vst v0  }
0x40: {  	[tilespmem:$0xA400] =	vst v0  }
0x41: {  	[tilespmem:$0xA410] =	vst v0  }
0x42: {  	[tilespmem:$0xA420] =	vst v0  }
0x43: {  	[tilespmem:$0xA430] =	vst v0  }
0x44: {  	[tilespmem:$0xA440] =	vst v0  }
0x45: {  	[tilespmem:$0xA450] =	vst v0  }
0x46: {  	[tilespmem:$0xA460] =	vst v0  }
0x47: {  	[tilespmem:$0xA470] =	vst v0  }
0x48: {  	[tilespmem:$0xA480] =	vst v0  }
0x49: {  	[tilespmem:$0xA490] =	vst v0  }
0x4a: {  	[tilespmem:$0xA4A0] =	vst v0  }
0x4b: {  	[tilespmem:$0xA4B0] =	vst v0  }
0x4c: {  	[tilespmem:$0xA4C0] =	vst v0  }
0x4d: {  	[tilespmem:$0xA4D0] =	vst v0  }
0x4e: {  	[tilespmem:$0xA4E0] =	vst v0  }
0x4f: {  	[tilespmem:$0xA4F0] =	vst v0  }
0x50: {  	[spmem:s7] =	stream.linear.scatter [tilespmem:s20], [sflag:$0x9], $0x280, $0x38;
	[tilespmem:$0xAC80] =	vst v63  }
0x51: {  	_ =	swait.ge [sflag:s18], $0x280  }
0x52: {  	[sflag:s18] =	ssyncset.done $0x0  }
0x53: {  	[sflag:s18] =	ssyncadd.s32 $0xFFFFFD80  }
0x54: {  	[bflag:$0x0] =	sbarrier.arrive $0xFFFF  }
0x55: {  	[spmem:s2] =	stream.indirect.scatter.add.f32 [tilespmem:s22], [sflag:$0x1], $0x1, s4, s21, $0xb8;
	[tilespmem:$0xAC80] =	vst v63  }
0x56: {  	_ = 	snop  }
0x57: {  	[spmem:s2] =	stream.indirect.scatter.add.f32 [tilespmem:s22], [sflag:$0x2], $0x1, s21, s21, $0xb8;
	[tilespmem:$0xAC80] =	vst v63  }
0x58: {  	_ = 	snop  }
0x59: {  	[spmem:s2] =	stream.indirect.scatter.add.f32 [tilespmem:s22], [sflag:$0x3], $0x1, s23, s21, $0xb8;
	[tilespmem:$0xAC80] =	vst v63  }
0x5a: {  	s23 =	simm.s32 $0x180  }
0x5b: {  	[spmem:s2] =	stream.indirect.scatter.add.f32 [tilespmem:s22], [sflag:$0x4], $0x1, s23, s21, $0xb8;
	[tilespmem:$0xAC80] =	vst v63  }
0x5c: {  	_ =	swait.ge [sflag:s26], $0x80  }
0x5d: {  	[sflag:s26] =	ssyncset.done $0x0  }
0x5e: {  	s14 =	simm.s32 $0x200;
	[sflag:s26] =	ssyncadd.s32 $0xFFFFFF80  }
0x5f: {  	[spmem:s2] =	stream.indirect.scatter.add.f32 [tilespmem:s22], [sflag:$0x1], $0x1, s14, s21, $0xb8;
	[tilespmem:$0xAC80] =	vst v63  }
0x60: {  	_ =	swait.ge [sflag:s28], $0x80  }
0x61: {  	[sflag:s28] =	ssyncset.done $0x0  }
0x62: {  	s15 =	simm.s32 $0x280;
	[sflag:s28] =	ssyncadd.s32 $0xFFFFFF80  }
0x63: {  	[spmem:s2] =	stream.indirect.scatter.add.f32 [tilespmem:s22], [sflag:$0x2], $0x1, s15, s21, $0xb8;
	[tilespmem:$0xAC80] =	vst v63  }
0x64: {  	_ =	swait.ge [sflag:s29], $0x80  }
0x65: {  	[sflag:s29] =	ssyncset.done $0x0  }
0x66: {  	s23 =	simm.s32 $0x300;
	[sflag:s29] =	ssyncadd.s32 $0xFFFFFF80  }
0x67: {  	[spmem:s2] =	stream.indirect.scatter.add.f32 [tilespmem:s22], [sflag:$0x3], $0x1, s23, s21, $0xb8;
	[tilespmem:$0xAC80] =	vst v63  }
0x68: {  	_ =	swait.ge [sflag:s30], $0x80  }
0x69: {  	[sflag:s30] =	ssyncset.done $0x0  }
0x6a: {  	s13 =	simm.s32 $0xFFFED800;
	s14 =	simm.s32 $0x380;
	[sflag:s30] =	ssyncadd.s32 $0xFFFFFF80  }
.LBB2_2:
0x6b: {  	[spmem:s2] =	stream.indirect.scatter.add.f32 [tilespmem:s22], [sflag:$0x4], $0x1, s14, s21, $0xb8;
	[tilespmem:$0xAC80] =	vst v63  }
0x6c: {  	s14 =	smov.u32 s13  }
0x6d: {  	p2 =	sne.s32 s13, $0xFFFFF800;
	s13 =	sadd.s32 $0x800, s13;
	_ =	swait.ge [sflag:s26], $0x80  }
0x6e: {  	s14 =	sshra.s32 s14, $0x2;
	[sflag:s26] =	ssyncset.done $0x0  }
0x6f: {  	s15 =	sadd.s32 $0x4E00, s14;
	[sflag:s26] =	ssyncadd.s32 $0xFFFFFF80  }
0x70: {  	[spmem:s2] =	stream.indirect.scatter.add.f32 [tilespmem:s22], [sflag:$0x1], $0x1, s15, s21, $0xb8;
	[tilespmem:$0xAC80] =	vst v63  }
0x71: {  	_ =	swait.ge [sflag:s28], $0x80  }
0x72: {  	[sflag:s28] =	ssyncset.done $0x0  }
0x73: {  	s15 =	sadd.s32 $0x4E80, s14;
	[sflag:s28] =	ssyncadd.s32 $0xFFFFFF80  }
0x74: {  	[spmem:s2] =	stream.indirect.scatter.add.f32 [tilespmem:s22], [sflag:$0x2], $0x1, s15, s21, $0xb8;
	[tilespmem:$0xAC80] =	vst v63  }
0x75: {  	_ =	swait.ge [sflag:s29], $0x80  }
0x76: {  	[sflag:s29] =	ssyncset.done $0x0  }
.Ltmp0:
0x77: {  	s15 =	sadd.s32 $0x4F00, s14;
	[sflag:s29] =	ssyncadd.s32 $0xFFFFFF80;
	(pc) =	sbr.rel @p2 .LBB2_2-.Ltmp0, $4  }
0x78: {  	[spmem:s2] =	stream.indirect.scatter.add.f32 [tilespmem:s22], [sflag:$0x3], $0x1, s15, s21, $0xb8;
	[tilespmem:$0xAC80] =	vst v63  }
0x79: {  	_ =	swait.ge [sflag:s30], $0x80  }
0x7a: {  	[sflag:s30] =	ssyncset.done $0x0  }
0x7b: {  	s14 =	sadd.s32 $0x4F80, s14;
	[sflag:s30] =	ssyncadd.s32 $0xFFFFFF80  }
0x7c: {  	[spmem:s2] =	stream.indirect.scatter.add.f32 [tilespmem:s22], [sflag:$0x4], $0x1, s14, s21, $0xb8;
	[tilespmem:$0xAC80] =	vst v63  }
0x7d: {  	_ =	swait.ge [sflag:s26], $0x80  }
0x7e: {  	[sflag:s26] =	ssyncset.done $0x0  }
0x7f: {  	s13 =	simm.s32 $0x4E00;
	[sflag:s26] =	ssyncadd.s32 $0xFFFFFF80  }
0x80: {  	[spmem:s2] =	stream.indirect.scatter.add.f32 [tilespmem:s22], [sflag:$0x1], $0x1, s13, s21, $0xb8;
	[tilespmem:$0xAC80] =	vst v63  }
0x81: {  	_ =	swait.ge [sflag:s28], $0x80  }
0x82: {  	[sflag:s28] =	ssyncset.done $0x0  }
0x83: {  	s23 =	simm.s32 $0x4E80;
	[sflag:s28] =	ssyncadd.s32 $0xFFFFFF80  }
0x84: {  	[spmem:s2] =	stream.indirect.scatter.add.f32 [tilespmem:s22], [sflag:$0x2], $0x1, s23, s21, $0xb8;
	[tilespmem:$0xAC80] =	vst v63  }
0x85: {  	_ =	swait.ge [sflag:s29], $0x80  }
0x86: {  	[sflag:s29] =	ssyncset.done $0x0  }
0x87: {  	[sflag:s29] =	ssyncadd.s32 $0xFFFFFF80  }
0x88: {  	_ =	swait.ge [sflag:s30], $0x80  }
0x89: {  	[sflag:s30] =	ssyncset.done $0x0  }
0x8a: {  	[sflag:s30] =	ssyncadd.s32 $0xFFFFFF80  }
0x8b: {  	_ =	swait.ge [sflag:s26], $0x80  }
0x8c: {  	[sflag:s26] =	ssyncset.done $0x0  }
0x8d: {  	[sflag:s26] =	ssyncadd.s32 $0xFFFFFF80  }
0x8e: {  	_ =	swait.ge [sflag:s28], $0x80  }
0x8f: {  	[sflag:s28] =	ssyncset.done $0x0  }
0x90: {  	[sflag:s28] =	ssyncadd.s32 $0xFFFFFF80  }
0x91: {  	_ =	swait.ge [sflag:s1], $0x2780  }
0x92: {  	[sflag:s1] =	ssyncset.done $0x0  }
0x93: {  	[sflag:s1] =	ssyncadd.s32 $0xFFFFD880  }
0x94: {  	[bflag:$0x0] =	sbarrier.arrive $0xFFFF  }
0x95: {  	[tilespmem:s19], [sflag:$0x2] =	stream.linear.gather [spmem:s2], $0x2800, $0x38;
	[tilespmem:$0xAC80] =	vst v63  }
0x96: {  	s13 =	simm.s32 @p0 $0xA280  }
0x97: {  	[tilespmem:s13], [sflag:$0x9] =	stream.linear.gather @p0 [spmem:s7], $0x280, $0x38;
	[tilespmem:$0xAC80] =	vst v63  }
0x98: {  	s13 =	simm.s32 @p0 $0x9  }
0x99: {  	_ =	swait.ge @p0 [sflag:s13], $0x280  }
0x9a: {  	[sflag:s13] =	ssyncset.done @p0 $0x0  }
0x9b: {  	v1 =	vimm.f32 @!p0 $0.0e+00;
	[sflag:s13] =	ssyncadd.s32 @p0 $0xFFFFFD80  }
0x9c: {  	[tilespmem:$0xA500] =	vst @!p0 v1  }
0x9d: {  	[tilespmem:$0xA510] =	vst @!p0 v1  }
0x9e: {  	[tilespmem:$0xA520] =	vst @!p0 v1  }
0x9f: {  	[tilespmem:$0xA530] =	vst @!p0 v1  }
0xa0: {  	[tilespmem:$0xA540] =	vst @!p0 v1  }
0xa1: {  	[tilespmem:$0xA550] =	vst @!p0 v1  }
0xa2: {  	[tilespmem:$0xA560] =	vst @!p0 v1  }
0xa3: {  	[tilespmem:$0xA570] =	vst @!p0 v1  }
0xa4: {  	[tilespmem:$0xA580] =	vst @!p0 v1  }
0xa5: {  	[tilespmem:$0xA590] =	vst @!p0 v1  }
0xa6: {  	[tilespmem:$0xA5A0] =	vst @!p0 v1  }
0xa7: {  	[tilespmem:$0xA5B0] =	vst @!p0 v1  }
0xa8: {  	[tilespmem:$0xA5C0] =	vst @!p0 v1  }
0xa9: {  	[tilespmem:$0xA5D0] =	vst @!p0 v1  }
0xaa: {  	[tilespmem:$0xA5E0] =	vst @!p0 v1  }
0xab: {  	[tilespmem:$0xA5F0] =	vst @!p0 v1  }
0xac: {  	[tilespmem:$0xA600] =	vst @!p0 v1  }
0xad: {  	[tilespmem:$0xA610] =	vst @!p0 v1  }
0xae: {  	[tilespmem:$0xA620] =	vst @!p0 v1  }
0xaf: {  	[tilespmem:$0xA630] =	vst @!p0 v1  }
0xb0: {  	[tilespmem:$0xA640] =	vst @!p0 v1  }
0xb1: {  	[tilespmem:$0xA650] =	vst @!p0 v1  }
0xb2: {  	[tilespmem:$0xA660] =	vst @!p0 v1  }
0xb3: {  	[tilespmem:$0xA670] =	vst @!p0 v1  }
0xb4: {  	[tilespmem:$0xA680] =	vst @!p0 v1  }
0xb5: {  	[tilespmem:$0xA690] =	vst @!p0 v1  }
0xb6: {  	[tilespmem:$0xA6A0] =	vst @!p0 v1  }
0xb7: {  	[tilespmem:$0xA6B0] =	vst @!p0 v1  }
0xb8: {  	[tilespmem:$0xA6C0] =	vst @!p0 v1  }
0xb9: {  	[tilespmem:$0xA6D0] =	vst @!p0 v1  }
0xba: {  	[tilespmem:$0xA6E0] =	vst @!p0 v1  }
0xbb: {  	[tilespmem:$0xA6F0] =	vst @!p0 v1  }
0xbc: {  	[tilespmem:$0xA700] =	vst @!p0 v1  }
0xbd: {  	[tilespmem:$0xA710] =	vst @!p0 v1  }
0xbe: {  	[tilespmem:$0xA720] =	vst @!p0 v1  }
0xbf: {  	[tilespmem:$0xA730] =	vst @!p0 v1  }
0xc0: {  	[tilespmem:$0xA740] =	vst @!p0 v1  }
0xc1: {  	[tilespmem:$0xA750] =	vst @!p0 v1  }
0xc2: {  	s13 =	simm.s32 @!p0 $0xA500;
	[tilespmem:$0xA760] =	vst @!p0 v1  }
0xc3: {  	[tilespmem:$0xA770] =	vst @!p0 v1;
	s13 =	simm.s32 @p0 $0xA280  }
0xc4: {  	[spmem:s8] =	stream.linear.scatter [tilespmem:s13], [sflag:$0x9], $0x280, $0x38;
	[tilespmem:$0xAC80] =	vst v63  }
0xc5: {  	_ =	swait.ge [sflag:s18], $0x280  }
0xc6: {  	[sflag:s18] =	ssyncset.done $0x0  }
0xc7: {  	[sflag:s18] =	ssyncadd.s32 $0xFFFFFD80  }
0xc8: {  	_ =	swait.ge [sflag:s28], $0x2800  }
0xc9: {  	[sflag:s28] =	ssyncset.done $0x0  }
0xca: {  	[sflag:s28] =	ssyncadd.s32 $0xFFFFD800  }
0xcb: {  	[bflag:$0x0] =	sbarrier.arrive $0xFFFF  }
0xcc: {  	v1 =	vld [tilespmem:$0x5000];
	_ =	sdelay $0x5  }
0xcd: {  	v2 =	vld [tilespmem:$0x5010];
	_ =	sdelay $0x1  }
0xce: {  	v1 =	vld.idx.msk [tilespmem:v1+s19+$0x0], $0xffff;
	_ =	sdelay $0x3  }
0xcf: {  	v3 =	vld [tilespmem:$0x5020]  }
0xd0: {  	[tilespmem:$0xA080] =	vst v1  }
0xd1: {  	v1 =	vld.idx.msk [tilespmem:v2+s19+$0x0], $0xffff;
	_ =	sdelay $0x3  }
0xd2: {  	v2 =	vld [tilespmem:$0x5030]  }
0xd3: {  	[tilespmem:$0xA090] =	vst v1  }
0xd4: {  	v1 =	vld.idx.msk [tilespmem:v3+s19+$0x0], $0xffff;
	_ =	sdelay $0x3  }
0xd5: {  	v3 =	vld [tilespmem:$0x5040]  }
0xd6: {  	[tilespmem:$0xA0A0] =	vst v1  }
0xd7: {  	v1 =	vld.idx.msk [tilespmem:v2+s19+$0x0], $0xffff;
	_ =	sdelay $0x3  }
0xd8: {  	v2 =	vld [tilespmem:$0x5050]  }
0xd9: {  	[tilespmem:$0xA0B0] =	vst v1  }
0xda: {  	v1 =	vld.idx.msk [tilespmem:v3+s19+$0x0], $0xffff;
	_ =	sdelay $0x3  }
0xdb: {  	v3 =	vld [tilespmem:$0x5060]  }
0xdc: {  	[tilespmem:$0xA0C0] =	vst v1  }
0xdd: {  	v1 =	vld.idx.msk [tilespmem:v2+s19+$0x0], $0xffff;
	_ =	sdelay $0x3  }
0xde: {  	v2 =	vld [tilespmem:$0x5070]  }
0xdf: {  	[tilespmem:$0xA0D0] =	vst v1  }
0xe0: {  	v1 =	vld.idx.msk [tilespmem:v3+s19+$0x0], $0xffff;
	_ =	sdelay $0x4  }
0xe1: {  	[tilespmem:$0xA0E0] =	vst v1  }
0xe2: {  	v1 =	vld.idx.msk [tilespmem:v2+s19+$0x0], $0xffff;
	_ =	sdelay $0x4  }
0xe3: {  	[tilespmem:$0xA0F0] =	vst v1  }
0xe4: {  	[spmem:s3] =	stream.indirect.scatter.add.f32 [tilespmem:s25], [sflag:$0x5], $0x1, s9, s21, $0xb8;
	[tilespmem:$0xAC80] =	vst v63  }
0xe5: {  	v1 =	vld [tilespmem:$0x5080];
	_ =	sdelay $0x5  }
0xe6: {  	v2 =	vld [tilespmem:$0x5090];
	_ =	sdelay $0x1  }
0xe7: {  	v1 =	vld.idx.msk [tilespmem:v1+s19+$0x0], $0xffff;
	_ =	sdelay $0x3  }
0xe8: {  	v3 =	vld [tilespmem:$0x50A0]  }
0xe9: {  	[tilespmem:$0xA100] =	vst v1  }
0xea: {  	v1 =	vld.idx.msk [tilespmem:v2+s19+$0x0], $0xffff;
	_ =	sdelay $0x3  }
0xeb: {  	v2 =	vld [tilespmem:$0x50B0]  }
0xec: {  	[tilespmem:$0xA110] =	vst v1  }
0xed: {  	v1 =	vld.idx.msk [tilespmem:v3+s19+$0x0], $0xffff;
	_ =	sdelay $0x3  }
0xee: {  	v3 =	vld [tilespmem:$0x50C0]  }
0xef: {  	[tilespmem:$0xA120] =	vst v1  }
0xf0: {  	v1 =	vld.idx.msk [tilespmem:v2+s19+$0x0], $0xffff;
	_ =	sdelay $0x3  }
0xf1: {  	v2 =	vld [tilespmem:$0x50D0]  }
0xf2: {  	[tilespmem:$0xA130] =	vst v1  }
0xf3: {  	v1 =	vld.idx.msk [tilespmem:v3+s19+$0x0], $0xffff;
	_ =	sdelay $0x3  }
0xf4: {  	v3 =	vld [tilespmem:$0x50E0]  }
0xf5: {  	[tilespmem:$0xA140] =	vst v1  }
0xf6: {  	v1 =	vld.idx.msk [tilespmem:v2+s19+$0x0], $0xffff;
	_ =	sdelay $0x3  }
0xf7: {  	v2 =	vld [tilespmem:$0x50F0]  }
0xf8: {  	[tilespmem:$0xA150] =	vst v1  }
0xf9: {  	v1 =	vld.idx.msk [tilespmem:v3+s19+$0x0], $0xffff;
	_ =	sdelay $0x4  }
0xfa: {  	[tilespmem:$0xA160] =	vst v1  }
0xfb: {  	v1 =	vld.idx.msk [tilespmem:v2+s19+$0x0], $0xffff;
	_ =	sdelay $0x4  }
0xfc: {  	s14 =	rddreg [dreg:$0x6];
	[tilespmem:$0xA170] =	vst v1  }
0xfd: {  	[spmem:s3] =	stream.indirect.scatter.add.f32 [tilespmem:s31], [sflag:$0x6], $0x1, s14, s21, $0xb8;
	[tilespmem:$0xAC80] =	vst v63  }
0xfe: {  	v1 =	vld [tilespmem:$0x5100];
	_ =	sdelay $0x5  }
0xff: {  	v2 =	vld [tilespmem:$0x5110];
	_ =	sdelay $0x1  }
0x100: {  	v1 =	vld.idx.msk [tilespmem:v1+s19+$0x0], $0xffff;
	_ =	sdelay $0x3  }
0x101: {  	v3 =	vld [tilespmem:$0x5120]  }
0x102: {  	[tilespmem:$0xA180] =	vst v1  }
0x103: {  	v1 =	vld.idx.msk [tilespmem:v2+s19+$0x0], $0xffff;
	_ =	sdelay $0x3  }
0x104: {  	v2 =	vld [tilespmem:$0x5130]  }
0x105: {  	[tilespmem:$0xA190] =	vst v1  }
0x106: {  	v1 =	vld.idx.msk [tilespmem:v3+s19+$0x0], $0xffff;
	_ =	sdelay $0x3  }
0x107: {  	v3 =	vld [tilespmem:$0x5140]  }
0x108: {  	[tilespmem:$0xA1A0] =	vst v1  }
0x109: {  	v1 =	vld.idx.msk [tilespmem:v2+s19+$0x0], $0xffff;
	_ =	sdelay $0x3  }
0x10a: {  	v2 =	vld [tilespmem:$0x5150]  }
0x10b: {  	[tilespmem:$0xA1B0] =	vst v1  }
0x10c: {  	v1 =	vld.idx.msk [tilespmem:v3+s19+$0x0], $0xffff;
	_ =	sdelay $0x3  }
0x10d: {  	v3 =	vld [tilespmem:$0x5160]  }
0x10e: {  	[tilespmem:$0xA1C0] =	vst v1  }
0x10f: {  	v1 =	vld.idx.msk [tilespmem:v2+s19+$0x0], $0xffff;
	_ =	sdelay $0x3  }
0x110: {  	v2 =	vld [tilespmem:$0x5170]  }
0x111: {  	[tilespmem:$0xA1D0] =	vst v1  }
0x112: {  	v1 =	vld.idx.msk [tilespmem:v3+s19+$0x0], $0xffff;
	_ =	sdelay $0x4  }
0x113: {  	[tilespmem:$0xA1E0] =	vst v1  }
0x114: {  	v1 =	vld.idx.msk [tilespmem:v2+s19+$0x0], $0xffff;
	_ =	sdelay $0x4  }
0x115: {  	s15 =	rddreg [dreg:$0x7];
	[tilespmem:$0xA1F0] =	vst v1  }
0x116: {  	[spmem:s3] =	stream.indirect.scatter.add.f32 [tilespmem:s0], [sflag:$0x7], $0x1, s15, s21, $0xb8;
	[tilespmem:$0xAC80] =	vst v63  }
0x117: {  	v1 =	vld [tilespmem:$0x5180];
	_ =	sdelay $0x5  }
0x118: {  	v2 =	vld [tilespmem:$0x5190];
	_ =	sdelay $0x1  }
0x119: {  	v1 =	vld.idx.msk [tilespmem:v1+s19+$0x0], $0xffff;
	_ =	sdelay $0x3  }
0x11a: {  	v3 =	vld [tilespmem:$0x51A0]  }
0x11b: {  	[tilespmem:$0xA200] =	vst v1  }
0x11c: {  	v1 =	vld.idx.msk [tilespmem:v2+s19+$0x0], $0xffff;
	_ =	sdelay $0x3  }
0x11d: {  	v2 =	vld [tilespmem:$0x51B0]  }
0x11e: {  	[tilespmem:$0xA210] =	vst v1  }
0x11f: {  	v1 =	vld.idx.msk [tilespmem:v3+s19+$0x0], $0xffff;
	_ =	sdelay $0x3  }
0x120: {  	v3 =	vld [tilespmem:$0x51C0]  }
0x121: {  	[tilespmem:$0xA220] =	vst v1  }
0x122: {  	v1 =	vld.idx.msk [tilespmem:v2+s19+$0x0], $0xffff;
	_ =	sdelay $0x3  }
0x123: {  	v2 =	vld [tilespmem:$0x51D0]  }
0x124: {  	[tilespmem:$0xA230] =	vst v1  }
0x125: {  	v1 =	vld.idx.msk [tilespmem:v3+s19+$0x0], $0xffff;
	_ =	sdelay $0x3  }
0x126: {  	v3 =	vld [tilespmem:$0x51E0]  }
0x127: {  	[tilespmem:$0xA240] =	vst v1  }
0x128: {  	v1 =	vld.idx.msk [tilespmem:v2+s19+$0x0], $0xffff;
	_ =	sdelay $0x3  }
0x129: {  	v2 =	vld [tilespmem:$0x51F0]  }
0x12a: {  	[tilespmem:$0xA250] =	vst v1  }
0x12b: {  	v1 =	vld.idx.msk [tilespmem:v3+s19+$0x0], $0xffff;
	_ =	sdelay $0x4  }
0x12c: {  	[tilespmem:$0xA260] =	vst v1  }
0x12d: {  	v1 =	vld.idx.msk [tilespmem:v2+s19+$0x0], $0xffff;
	_ =	sdelay $0x4  }
0x12e: {  	s13 =	simm.s32 $0x0;
	s23 =	rddreg [dreg:$0x8];
	[tilespmem:$0xA270] =	vst v1  }
0x12f: {  	[spmem:s3] =	stream.indirect.scatter.add.f32 [tilespmem:s5], [sflag:$0x8], $0x1, s23, s21, $0xb8;
	[tilespmem:$0xAC80] =	vst v63  }
.LBB2_4:
0x130: {  	_ =	swait.ge [sflag:s1], $0x80  }
0x131: {  	[sflag:s1] =	ssyncset.done $0x0  }
0x132: {  	s14 =	sshra.s32 s13, $0x2;
	[sflag:s1] =	ssyncadd.s32 $0xFFFFFF80  }
0x133: {  	v1 =	vld [tilespmem:s14+$0x5200];
	_ =	sdelay $0x7  }
0x134: {  	v1 =	vld.idx.msk [tilespmem:v1+s19+$0x0], $0xffff;
	_ =	sdelay $0x4  }
0x135: {  	[tilespmem:$0xA080] =	vst v1  }
0x136: {  	v1 =	vld [tilespmem:s14+$0x5210];
	_ =	sdelay $0x7  }
0x137: {  	v1 =	vld.idx.msk [tilespmem:v1+s19+$0x0], $0xffff;
	_ =	sdelay $0x4  }
0x138: {  	[tilespmem:$0xA090] =	vst v1  }
0x139: {  	v1 =	vld [tilespmem:s14+$0x5220];
	_ =	sdelay $0x7  }
0x13a: {  	v1 =	vld.idx.msk [tilespmem:v1+s19+$0x0], $0xffff;
	_ =	sdelay $0x4  }
0x13b: {  	[tilespmem:$0xA0A0] =	vst v1  }
0x13c: {  	v1 =	vld [tilespmem:s14+$0x5230];
	_ =	sdelay $0x7  }
0x13d: {  	v1 =	vld.idx.msk [tilespmem:v1+s19+$0x0], $0xffff;
	_ =	sdelay $0x4  }
0x13e: {  	[tilespmem:$0xA0B0] =	vst v1  }
0x13f: {  	v1 =	vld [tilespmem:s14+$0x5240];
	_ =	sdelay $0x7  }
0x140: {  	v1 =	vld.idx.msk [tilespmem:v1+s19+$0x0], $0xffff;
	_ =	sdelay $0x4  }
0x141: {  	[tilespmem:$0xA0C0] =	vst v1  }
0x142: {  	v1 =	vld [tilespmem:s14+$0x5250];
	_ =	sdelay $0x7  }
0x143: {  	v1 =	vld.idx.msk [tilespmem:v1+s19+$0x0], $0xffff;
	_ =	sdelay $0x4  }
0x144: {  	[tilespmem:$0xA0D0] =	vst v1  }
0x145: {  	v1 =	vld [tilespmem:s14+$0x5260];
	_ =	sdelay $0x7  }
0x146: {  	v1 =	vld.idx.msk [tilespmem:v1+s19+$0x0], $0xffff;
	_ =	sdelay $0x4  }
0x147: {  	[tilespmem:$0xA0E0] =	vst v1  }
0x148: {  	v1 =	vld [tilespmem:s14+$0x5270];
	_ =	sdelay $0x7  }
0x149: {  	v1 =	vld.idx.msk [tilespmem:v1+s19+$0x0], $0xffff;
	_ =	sdelay $0x3  }
0x14a: {  	s15 =	sadd.s32 s14, s9  }
0x14b: {  	s23 =	sadd.s32 $0x200, s15;
	[tilespmem:$0xA0F0] =	vst v1  }
0x14c: {  	[spmem:s3] =	stream.indirect.scatter.add.f32 [tilespmem:s25], [sflag:$0x5], $0x1, s23, s21, $0xb8;
	[tilespmem:$0xAC80] =	vst v63  }
0x14d: {  	_ =	swait.ge [sflag:s6], $0x80  }
0x14e: {  	[sflag:s6] =	ssyncset.done $0x0  }
0x14f: {  	[sflag:s6] =	ssyncadd.s32 $0xFFFFFF80  }
0x150: {  	v1 =	vld [tilespmem:s14+$0x5280];
	_ =	sdelay $0x7  }
0x151: {  	v1 =	vld.idx.msk [tilespmem:v1+s19+$0x0], $0xffff;
	_ =	sdelay $0x4  }
0x152: {  	[tilespmem:$0xA100] =	vst v1  }
0x153: {  	v1 =	vld [tilespmem:s14+$0x5290];
	_ =	sdelay $0x7  }
0x154: {  	v1 =	vld.idx.msk [tilespmem:v1+s19+$0x0], $0xffff;
	_ =	sdelay $0x4  }
0x155: {  	[tilespmem:$0xA110] =	vst v1  }
0x156: {  	v1 =	vld [tilespmem:s14+$0x52A0];
	_ =	sdelay $0x7  }
0x157: {  	v1 =	vld.idx.msk [tilespmem:v1+s19+$0x0], $0xffff;
	_ =	sdelay $0x4  }
0x158: {  	[tilespmem:$0xA120] =	vst v1  }
0x159: {  	v1 =	vld [tilespmem:s14+$0x52B0];
	_ =	sdelay $0x7  }
0x15a: {  	v1 =	vld.idx.msk [tilespmem:v1+s19+$0x0], $0xffff;
	_ =	sdelay $0x4  }
0x15b: {  	[tilespmem:$0xA130] =	vst v1  }
0x15c: {  	v1 =	vld [tilespmem:s14+$0x52C0];
	_ =	sdelay $0x7  }
0x15d: {  	v1 =	vld.idx.msk [tilespmem:v1+s19+$0x0], $0xffff;
	_ =	sdelay $0x4  }
0x15e: {  	[tilespmem:$0xA140] =	vst v1  }
0x15f: {  	v1 =	vld [tilespmem:s14+$0x52D0];
	_ =	sdelay $0x7  }
0x160: {  	v1 =	vld.idx.msk [tilespmem:v1+s19+$0x0], $0xffff;
	_ =	sdelay $0x4  }
0x161: {  	[tilespmem:$0xA150] =	vst v1  }
0x162: {  	v1 =	vld [tilespmem:s14+$0x52E0];
	_ =	sdelay $0x7  }
0x163: {  	v1 =	vld.idx.msk [tilespmem:v1+s19+$0x0], $0xffff;
	_ =	sdelay $0x4  }
0x164: {  	[tilespmem:$0xA160] =	vst v1  }
0x165: {  	v1 =	vld [tilespmem:s14+$0x52F0];
	_ =	sdelay $0x7  }
0x166: {  	v1 =	vld.idx.msk [tilespmem:v1+s19+$0x0], $0xffff;
	_ =	sdelay $0x4  }
0x167: {  	s23 =	sadd.s32 $0x280, s15;
	[tilespmem:$0xA170] =	vst v1  }
0x168: {  	[spmem:s3] =	stream.indirect.scatter.add.f32 [tilespmem:s31], [sflag:$0x6], $0x1, s23, s21, $0xb8;
	[tilespmem:$0xAC80] =	vst v63  }
0x169: {  	_ =	swait.ge [sflag:s10], $0x80  }
0x16a: {  	[sflag:s10] =	ssyncset.done $0x0  }
0x16b: {  	[sflag:s10] =	ssyncadd.s32 $0xFFFFFF80  }
0x16c: {  	v1 =	vld [tilespmem:s14+$0x5300];
	_ =	sdelay $0x7  }
0x16d: {  	v1 =	vld.idx.msk [tilespmem:v1+s19+$0x0], $0xffff;
	_ =	sdelay $0x4  }
0x16e: {  	[tilespmem:$0xA180] =	vst v1  }
0x16f: {  	v1 =	vld [tilespmem:s14+$0x5310];
	_ =	sdelay $0x7  }
0x170: {  	v1 =	vld.idx.msk [tilespmem:v1+s19+$0x0], $0xffff;
	_ =	sdelay $0x4  }
0x171: {  	[tilespmem:$0xA190] =	vst v1  }
0x172: {  	v1 =	vld [tilespmem:s14+$0x5320];
	_ =	sdelay $0x7  }
0x173: {  	v1 =	vld.idx.msk [tilespmem:v1+s19+$0x0], $0xffff;
	_ =	sdelay $0x4  }
0x174: {  	[tilespmem:$0xA1A0] =	vst v1  }
0x175: {  	v1 =	vld [tilespmem:s14+$0x5330];
	_ =	sdelay $0x7  }
0x176: {  	v1 =	vld.idx.msk [tilespmem:v1+s19+$0x0], $0xffff;
	_ =	sdelay $0x4  }
0x177: {  	[tilespmem:$0xA1B0] =	vst v1  }
0x178: {  	v1 =	vld [tilespmem:s14+$0x5340];
	_ =	sdelay $0x7  }
0x179: {  	v1 =	vld.idx.msk [tilespmem:v1+s19+$0x0], $0xffff;
	_ =	sdelay $0x4  }
0x17a: {  	[tilespmem:$0xA1C0] =	vst v1  }
0x17b: {  	v1 =	vld [tilespmem:s14+$0x5350];
	_ =	sdelay $0x7  }
0x17c: {  	v1 =	vld.idx.msk [tilespmem:v1+s19+$0x0], $0xffff;
	_ =	sdelay $0x4  }
0x17d: {  	[tilespmem:$0xA1D0] =	vst v1  }
0x17e: {  	v1 =	vld [tilespmem:s14+$0x5360];
	_ =	sdelay $0x7  }
0x17f: {  	v1 =	vld.idx.msk [tilespmem:v1+s19+$0x0], $0xffff;
	_ =	sdelay $0x4  }
0x180: {  	[tilespmem:$0xA1E0] =	vst v1  }
0x181: {  	v1 =	vld [tilespmem:s14+$0x5370];
	_ =	sdelay $0x7  }
0x182: {  	v1 =	vld.idx.msk [tilespmem:v1+s19+$0x0], $0xffff;
	_ =	sdelay $0x4  }
0x183: {  	s23 =	sadd.s32 $0x300, s15;
	[tilespmem:$0xA1F0] =	vst v1  }
0x184: {  	[spmem:s3] =	stream.indirect.scatter.add.f32 [tilespmem:s0], [sflag:$0x7], $0x1, s23, s21, $0xb8;
	[tilespmem:$0xAC80] =	vst v63  }
0x185: {  	_ =	swait.ge [sflag:s11], $0x80  }
0x186: {  	[sflag:s11] =	ssyncset.done $0x0  }
0x187: {  	[sflag:s11] =	ssyncadd.s32 $0xFFFFFF80  }
0x188: {  	v1 =	vld [tilespmem:s14+$0x5380];
	_ =	sdelay $0x7  }
0x189: {  	v1 =	vld.idx.msk [tilespmem:v1+s19+$0x0], $0xffff;
	_ =	sdelay $0x4  }
0x18a: {  	[tilespmem:$0xA200] =	vst v1  }
0x18b: {  	v1 =	vld [tilespmem:s14+$0x5390];
	_ =	sdelay $0x7  }
0x18c: {  	v1 =	vld.idx.msk [tilespmem:v1+s19+$0x0], $0xffff;
	_ =	sdelay $0x4  }
0x18d: {  	[tilespmem:$0xA210] =	vst v1  }
0x18e: {  	v1 =	vld [tilespmem:s14+$0x53A0];
	_ =	sdelay $0x7  }
0x18f: {  	v1 =	vld.idx.msk [tilespmem:v1+s19+$0x0], $0xffff;
	_ =	sdelay $0x4  }
0x190: {  	[tilespmem:$0xA220] =	vst v1  }
0x191: {  	v1 =	vld [tilespmem:s14+$0x53B0];
	_ =	sdelay $0x7  }
0x192: {  	v1 =	vld.idx.msk [tilespmem:v1+s19+$0x0], $0xffff;
	_ =	sdelay $0x4  }
0x193: {  	[tilespmem:$0xA230] =	vst v1  }
0x194: {  	v1 =	vld [tilespmem:s14+$0x53C0];
	_ =	sdelay $0x7  }
0x195: {  	v1 =	vld.idx.msk [tilespmem:v1+s19+$0x0], $0xffff;
	_ =	sdelay $0x4  }
0x196: {  	[tilespmem:$0xA240] =	vst v1  }
0x197: {  	v1 =	vld [tilespmem:s14+$0x53D0];
	_ =	sdelay $0x7  }
0x198: {  	v1 =	vld.idx.msk [tilespmem:v1+s19+$0x0], $0xffff;
	_ =	sdelay $0x4  }
0x199: {  	[tilespmem:$0xA250] =	vst v1  }
0x19a: {  	v1 =	vld [tilespmem:s14+$0x53E0];
	_ =	sdelay $0x7  }
0x19b: {  	v1 =	vld.idx.msk [tilespmem:v1+s19+$0x0], $0xffff;
	_ =	sdelay $0x4  }
0x19c: {  	[tilespmem:$0xA260] =	vst v1  }
0x19d: {  	v1 =	vld [tilespmem:s14+$0x53F0];
	_ =	sdelay $0x7  }
0x19e: {  	v1 =	vld.idx.msk [tilespmem:v1+s19+$0x0], $0xffff  }
0x19f: {  	p2 =	sne.s32 s13, $0x8800  }
.Ltmp1:
0x1a0: {  	_ = 	snop;
	(pc) =	sbr.rel @p2 .LBB2_4-.Ltmp1, $3  }
0x1a1: {  	_ =	sdelay $0x1  }
0x1a2: {  	s13 =	sadd.s32 $0x800, s13;
	s23 =	sadd.s32 $0x380, s15;
	[tilespmem:$0xA270] =	vst v1  }
0x1a3: {  	[spmem:s3] =	stream.indirect.scatter.add.f32 [tilespmem:s5], [sflag:$0x8], $0x1, s23, s21, $0xb8;
	[tilespmem:$0xAC80] =	vst v63  }
0x1a4: {  	_ =	swait.ge [sflag:s1], $0x80  }
0x1a5: {  	[sflag:s1] =	ssyncset.done $0x0  }
0x1a6: {  	[sflag:s1] =	ssyncadd.s32 $0xFFFFFF80  }
0x1a7: {  	v1 =	vld [tilespmem:$0x7600];
	_ =	sdelay $0x5  }
0x1a8: {  	v2 =	vld [tilespmem:$0x7610];
	_ =	sdelay $0x1  }
0x1a9: {  	v1 =	vld.idx.msk [tilespmem:v1+s19+$0x0], $0xffff;
	_ =	sdelay $0x3  }
0x1aa: {  	v3 =	vld [tilespmem:$0x7620]  }
0x1ab: {  	[tilespmem:$0xA080] =	vst v1  }
0x1ac: {  	v1 =	vld.idx.msk [tilespmem:v2+s19+$0x0], $0xffff;
	_ =	sdelay $0x3  }
0x1ad: {  	v2 =	vld [tilespmem:$0x7630]  }
0x1ae: {  	[tilespmem:$0xA090] =	vst v1  }
0x1af: {  	v1 =	vld.idx.msk [tilespmem:v3+s19+$0x0], $0xffff;
	_ =	sdelay $0x3  }
0x1b0: {  	v3 =	vld [tilespmem:$0x7640]  }
0x1b1: {  	[tilespmem:$0xA0A0] =	vst v1  }
0x1b2: {  	v1 =	vld.idx.msk [tilespmem:v2+s19+$0x0], $0xffff;
	_ =	sdelay $0x3  }
0x1b3: {  	v2 =	vld [tilespmem:$0x7650]  }
0x1b4: {  	[tilespmem:$0xA0B0] =	vst v1  }
0x1b5: {  	v1 =	vld.idx.msk [tilespmem:v3+s19+$0x0], $0xffff;
	_ =	sdelay $0x3  }
0x1b6: {  	v3 =	vld [tilespmem:$0x7660]  }
0x1b7: {  	[tilespmem:$0xA0C0] =	vst v1  }
0x1b8: {  	v1 =	vld.idx.msk [tilespmem:v2+s19+$0x0], $0xffff;
	_ =	sdelay $0x3  }
0x1b9: {  	v2 =	vld [tilespmem:$0x7670]  }
0x1ba: {  	[tilespmem:$0xA0D0] =	vst v1  }
0x1bb: {  	v1 =	vld.idx.msk [tilespmem:v3+s19+$0x0], $0xffff;
	_ =	sdelay $0x4  }
0x1bc: {  	[tilespmem:$0xA0E0] =	vst v1  }
0x1bd: {  	v1 =	vld.idx.msk [tilespmem:v2+s19+$0x0], $0xffff;
	_ =	sdelay $0x4  }
0x1be: {  	s13 =	rddreg [dreg:$0x9];
	[tilespmem:$0xA0F0] =	vst v1  }
0x1bf: {  	[spmem:s3] =	stream.indirect.scatter.add.f32 [tilespmem:s25], [sflag:$0x5], $0x1, s13, s21, $0xb8;
	[tilespmem:$0xAC80] =	vst v63  }
0x1c0: {  	_ =	swait.ge [sflag:s6], $0x80  }
0x1c1: {  	[sflag:s6] =	ssyncset.done $0x0  }
0x1c2: {  	[sflag:s6] =	ssyncadd.s32 $0xFFFFFF80  }
0x1c3: {  	v1 =	vld [tilespmem:$0x7680];
	_ =	sdelay $0x5  }
0x1c4: {  	v2 =	vld [tilespmem:$0x7690];
	_ =	sdelay $0x1  }
0x1c5: {  	v1 =	vld.idx.msk [tilespmem:v1+s19+$0x0], $0xffff;
	_ =	sdelay $0x3  }
0x1c6: {  	v3 =	vld [tilespmem:$0x76A0]  }
0x1c7: {  	[tilespmem:$0xA100] =	vst v1  }
0x1c8: {  	v1 =	vld.idx.msk [tilespmem:v2+s19+$0x0], $0xffff;
	_ =	sdelay $0x3  }
0x1c9: {  	v2 =	vld [tilespmem:$0x76B0]  }
0x1ca: {  	[tilespmem:$0xA110] =	vst v1  }
0x1cb: {  	v1 =	vld.idx.msk [tilespmem:v3+s19+$0x0], $0xffff;
	_ =	sdelay $0x3  }
0x1cc: {  	v3 =	vld [tilespmem:$0x76C0]  }
0x1cd: {  	[tilespmem:$0xA120] =	vst v1  }
0x1ce: {  	v1 =	vld.idx.msk [tilespmem:v2+s19+$0x0], $0xffff;
	_ =	sdelay $0x3  }
0x1cf: {  	v2 =	vld [tilespmem:$0x76D0]  }
0x1d0: {  	[tilespmem:$0xA130] =	vst v1  }
0x1d1: {  	v1 =	vld.idx.msk [tilespmem:v3+s19+$0x0], $0xffff;
	_ =	sdelay $0x3  }
0x1d2: {  	v3 =	vld [tilespmem:$0x76E0]  }
0x1d3: {  	[tilespmem:$0xA140] =	vst v1  }
0x1d4: {  	v1 =	vld.idx.msk [tilespmem:v2+s19+$0x0], $0xffff;
	_ =	sdelay $0x3  }
0x1d5: {  	v2 =	vld [tilespmem:$0x76F0]  }
0x1d6: {  	[tilespmem:$0xA150] =	vst v1  }
0x1d7: {  	v1 =	vld.idx.msk [tilespmem:v3+s19+$0x0], $0xffff;
	_ =	sdelay $0x4  }
0x1d8: {  	[tilespmem:$0xA160] =	vst v1  }
0x1d9: {  	v1 =	vld.idx.msk [tilespmem:v2+s19+$0x0], $0xffff;
	_ =	sdelay $0x4  }
0x1da: {  	s15 =	rddreg [dreg:$0xa];
	[tilespmem:$0xA170] =	vst v1  }
0x1db: {  	[spmem:s3] =	stream.indirect.scatter.add.f32 [tilespmem:s31], [sflag:$0x6], $0x1, s15, s21, $0xb8;
	[tilespmem:$0xAC80] =	vst v63  }
0x1dc: {  	_ =	swait.ge [sflag:s10], $0x80  }
0x1dd: {  	[sflag:s10] =	ssyncset.done $0x0  }
0x1de: {  	[sflag:s10] =	ssyncadd.s32 $0xFFFFFF80  }
0x1df: {  	v1 =	vld [tilespmem:$0x7700];
	_ =	sdelay $0x5  }
0x1e0: {  	v2 =	vld [tilespmem:$0x7710];
	_ =	sdelay $0x1  }
0x1e1: {  	v1 =	vld.idx.msk [tilespmem:v1+s19+$0x0], $0xffff;
	_ =	sdelay $0x3  }
0x1e2: {  	v3 =	vld [tilespmem:$0x7720]  }
0x1e3: {  	[tilespmem:$0xA180] =	vst v1  }
0x1e4: {  	v1 =	vld.idx.msk [tilespmem:v2+s19+$0x0], $0xffff;
	_ =	sdelay $0x3  }
0x1e5: {  	v2 =	vld [tilespmem:$0x7730]  }
0x1e6: {  	[tilespmem:$0xA190] =	vst v1  }
0x1e7: {  	v1 =	vld.idx.msk [tilespmem:v3+s19+$0x0], $0xffff;
	_ =	sdelay $0x3  }
0x1e8: {  	v3 =	vld [tilespmem:$0x7740]  }
0x1e9: {  	[tilespmem:$0xA1A0] =	vst v1  }
0x1ea: {  	v1 =	vld.idx.msk [tilespmem:v2+s19+$0x0], $0xffff;
	_ =	sdelay $0x3  }
0x1eb: {  	v2 =	vld [tilespmem:$0x7750]  }
0x1ec: {  	[tilespmem:$0xA1B0] =	vst v1  }
0x1ed: {  	v1 =	vld.idx.msk [tilespmem:v3+s19+$0x0], $0xffff;
	_ =	sdelay $0x3  }
0x1ee: {  	v3 =	vld [tilespmem:$0x7760]  }
0x1ef: {  	[tilespmem:$0xA1C0] =	vst v1  }
0x1f0: {  	v1 =	vld.idx.msk [tilespmem:v2+s19+$0x0], $0xffff;
	_ =	sdelay $0x3  }
0x1f1: {  	v2 =	vld [tilespmem:$0x7770]  }
0x1f2: {  	[tilespmem:$0xA1D0] =	vst v1  }
0x1f3: {  	v1 =	vld.idx.msk [tilespmem:v3+s19+$0x0], $0xffff;
	_ =	sdelay $0x4  }
0x1f4: {  	[tilespmem:$0xA1E0] =	vst v1  }
0x1f5: {  	v1 =	vld.idx.msk [tilespmem:v2+s19+$0x0], $0xffff;
	_ =	sdelay $0x4  }
0x1f6: {  	s23 =	rddreg [dreg:$0xb];
	[tilespmem:$0xA1F0] =	vst v1  }
0x1f7: {  	[spmem:s3] =	stream.indirect.scatter.add.f32 [tilespmem:s0], [sflag:$0x7], $0x1, s23, s21, $0xb8;
	[tilespmem:$0xAC80] =	vst v63  }
0x1f8: {  	_ =	swait.ge [sflag:s1], $0x80  }
0x1f9: {  	[sflag:s1] =	ssyncset.done $0x0  }
0x1fa: {  	[sflag:s1] =	ssyncadd.s32 $0xFFFFFF80  }
0x1fb: {  	_ =	swait.ge [sflag:s6], $0x80  }
0x1fc: {  	[sflag:s6] =	ssyncset.done $0x0  }
0x1fd: {  	[sflag:s6] =	ssyncadd.s32 $0xFFFFFF80  }
0x1fe: {  	_ =	swait.ge [sflag:s10], $0x80  }
0x1ff: {  	[sflag:s10] =	ssyncset.done $0x0  }
0x200: {  	[sflag:s10] =	ssyncadd.s32 $0xFFFFFF80  }
0x201: {  	_ =	swait.ge [sflag:s11], $0x80  }
0x202: {  	[sflag:s11] =	ssyncset.done $0x0  }
0x203: {  	[sflag:s11] =	ssyncadd.s32 $0xFFFFFF80  }
0x204: {  	[bflag:$0x0] =	sbarrier.arrive $0xFFFF  }
0x205: {  	[tilespmem:s20], [sflag:$0x9] =	stream.linear.gather [spmem:s8], $0x280, $0x38;
	[tilespmem:$0xAC80] =	vst v63  }
0x206: {  	_ =	swait.ge [sflag:s18], $0x280  }
0x207: {  	[sflag:s18] =	ssyncset.done $0x0  }
0x208: {  	s23 =	simm.s32 $0x100;
	[sflag:s18] =	ssyncadd.s32 $0xFFFFFD80  }
0x209: {  	[hbm4b:s24+s21] =	stream.strided.scatter [tilespmem:s20], [sflag:$0x3], $0x280, s23, s21, $0x38;
	[tilespmem:$0xAC80] =	vst v63  }
0x20a: {  	s14 =	simm.s32 @!p1 $0x9;
	s13 =	simm.s32 @!p1 $0xA500  }
0x20b: {  	[tilespmem:s13], [sflag:$0x9] =	stream.linear.gather @!p1 [spmem:s7], $0x280, $0x38;
	[tilespmem:$0xAC80] =	vst v63  }
0x20c: {  	_ =	swait.ge @!p1 [sflag:s14], $0x280  }
0x20d: {  	[sflag:s14] =	ssyncset.done @!p1 $0x0  }
0x20e: {  	s12 =	sadd.s32 $0x1, s12;
	s15 =	simm.s32 @!p1 $0x0;
	[sflag:s14] =	ssyncadd.s32 @!p1 $0xFFFFFD80  }
0x20f: {  	[hbm4b:s16+s15] =	stream.linear.scatter @!p1 [tilespmem:s13], [sflag:$0x9], $0x280, $0x38;
	[tilespmem:$0xAC80] =	vst v63  }
0x210: {  	p2 =	sne.s32 s12, s17;
	_ =	swait.ge @!p1 [sflag:s14], $0x280  }
.Ltmp2:
0x211: {  	[sflag:s14] =	ssyncset.done @!p1 $0x0;
	(pc) =	sbr.rel @p2 .LBB2_1-.Ltmp2, $4  }
0x212: {  	[sflag:s14] =	ssyncadd.s32 @!p1 $0xFFFFFD80  }
0x213: {  	_ =	swait.ge [sflag:s29], $0x280  }
0x214: {  	[sflag:s29] =	ssyncset.done $0x0  }
0x215: {  	[sflag:s29] =	ssyncadd.s32 $0xFFFFFD80  }
0x216: {  	_ =	sfence.sel $0x180000  }
0x217: {  	[bflag:$0x0] =	sbarrier.arrive $0xFFFF  }
0x218: {  	_ =	strace $0x90000047  }
0x219: {  	s0 =	stileid.u32;
	[bflag:$0x2] =	sbarrier.arrive $0xFFFF  }
0x21a: {  	p0 =	sne.s32 s0, $0x0;
	s0 =	rddreg [dreg:$0x3]  }
0x21b: {  	s0 =	sadd.s32 @!p0 $0x100000, s0  }
0x21c: {  	[sflag:s0] =	ssyncadd.tile.s32 @!p0 $0x1;
	_ =	shalt  }
.Lfunc_end2:
_tile_overlayer_lowered:
.L_overlay_start_2:
0x21d: {  	(tag) =	ssettag $0x2  }
0x21e: {  	s0 =	rddreg [dreg:$0x0];
	s2 =	stileid.u32  }
0x21f: {  	s1 =	rddreg [dreg:$0x1];
	p0 =	sne.s32 s2, $0x0  }
0x220: {  	s3 =	rddreg [dreg:$0x2];
	[bflag:$0x3] =	sbarrier.arrive $0xFFFF;
	s2 =	simm.s32 @!p0 $0x1C09  }
0x221: {  	[timem:s3], [sflag:s2] =	dma.local @!p0 [hbm:s0], s1  }
0x222: {  	s0 =	simm.s32 @!p0 $0x9  }
0x223: {  	_ =	swait.ge @!p0 [sflag:s0], s1  }
0x224: {  	s1 =	ssub.s32 @!p0 $0x0, s1;
	[sflag:s0] =	ssyncset.done @!p0 $0x0  }
0x225: {  	[sflag:s0] =	ssyncadd.s32 @!p0 s1  }
0x226: {  	[bflag:$0x3] =	sbarrier.arrive $0xFFFF  }
0x227: {  	_ =	shalt  }

// kernel: kernel.8.cloned.1.call-start
scs
__scs_entry_jumppad:
0x0: {  	(pc) =	sbr.rel $0x88, $3  }
0x1: {  	(tag) =	ssettag $0x0;
	lr =	simm.s32 $0x1  }
0x2: {  	[smem:$0x3F99] =	sst lr;
	_ =	strace $0xD0000000  }
0x3: {  	_ = 	snop  }
0x4: {  	_ = 	snop  }
0x5: {  	_ = 	snop  }
0x6: {  	_ = 	snop  }
0x7: {  	_ = 	snop  }
__scs_overlays_trampoline_lowered:
0x8: {  	[smem:$0x3FA8] =	sst s0  }
0x9: {  	[smem:$0x3FA9] =	sst s1  }
0xa: {  	[smem:$0x3FAA] =	sst s2  }
0xb: {  	[smem:$0x3FAB] =	sst s3  }
0xc: {  	[smem:$0x3FAC] =	sst s4  }
0xd: {  	[smem:$0x3FAD] =	sst s5  }
0xe: {  	[smem:$0x3FAE] =	sst s6  }
0xf: {  	[smem:$0x3FAF] =	sst s7  }
0x10: {  	[smem:$0x3FB0] =	sst s8  }
0x11: {  	[smem:$0x3FB1] =	sst s9;
	s0 =	simm.s32 @!p0 $0x0  }
0x12: {  	s1 =	sld [smem:$0x3F97];
	s0 =	simm.s32 @p0 $0x1  }
0x13: {  	[smem:$0x3FB2] =	sst s0;
	s0 =	simm.s32 @!p1 $0x0  }
0x14: {  	s2 =	sld [smem:$0x3F96];
	s0 =	simm.s32 @p1 $0x1  }
0x15: {  	[smem:$0x3FB3] =	sst s0;
	s0 =	simm.s32 @!p2 $0x0  }
0x16: {  	s3 =	sld [smem:$0x3FDB];
	s0 =	simm.s32 @p2 $0x1  }
0x17: {  	s4 =	simm.s32 $0x1BF5;
	[smem:$0x3FB5] =	sst s0  }
0x18: {  	s0 =	sld [smem:$0x3F98];
	_ =	swait.ge [sflag:s4], $0x0  }
0x19: {  	s7 =	sld [smem:$0x3F99]  }
0x1a: {  	s8 =	sadd.s32 $0xFFFFE003, lr  }
0x1b: {  	s9 =	sadd.s32 $0xFFFFFEF7, lr;
	s5 =	simm.s32 $0xFFFFFFFF;
	p2 =	slt.u32 s8, $0xFFFFF086  }
0x1c: {  	p1 =	slt.u32 s9, $0xF7A;
	s5 =	simm.s32 @!p2 $0x0  }
0x1d: {  	s5 =	simm.s32 @p1 $0x1;
	p0 =	seq.s32 s7, s2  }
0x1e: {  	s7 =	smul.u32 @!p0 $0xF7A, s2;
	p2 =	seq.s32 @!p0 s5, $0x0  }
0x1f: {  	s9 =	smul.u32 $0xF7A, s1;
	s8 =	simm.s32 @!p0 $0x1BF5;
	p2 =	por !p2, p0  }
0x20: {  	[sflag:s8] =	ssyncset.s32 @!p0 $0xFFFFF086;
	s6 =	sadd.s32 @!p0 s3, s7;
	s7 =	simm.s32 @!p0 $0x108  }
0x21: {  	s3 =	sadd.s32 s3, s9;
	s6 =	sadd.s32 @!p0 $0x88, s6;
	s7 =	simm.s32 @p2 $0x1082  }
0x22: {  	[simem:s7], [sflag:s8] =	dma.local @!p0 [hbm:s6], $0xF7A  }
0x23: {  	s9 =	sor.u32 $0xD0000000, s2;
	s6 =	simm.s32 $0x108;
	_ =	swait.ge @!p0 [sflag:s8], $0x0  }
0x24: {  	s3 =	sadd.s32 $0x88, s3;
	s6 =	simm.s32 @!p1 $0x1082;
	[sflag:s4] =	ssyncset.s32 $0xFFFFF086  }
0x25: {  	[simem:s6], [sflag:s4] =	dma.local [hbm:s3], $0xF7A  }
0x26: {  	[smem:$0x3F99] =	sst s1;
	(tag) =	ssettag s2;
	_ =	strace s9  }
0x27: {  	s1 =	sld [smem:$0x3FA9]  }
0x28: {  	s2 =	sld [smem:$0x3FAA]  }
0x29: {  	s4 =	sld [smem:$0x3FAC]  }
0x2a: {  	p0 =	seq.s32 s5, $0x0;
	s5 =	sld [smem:$0x3FAD]  }
0x2b: {  	s6 =	sld [smem:$0x3FAE]  }
0x2c: {  	s7 =	sld [smem:$0x3FAF]  }
0x2d: {  	s3 =	simm.s32 $0x108;
	s8 =	sld [smem:$0x3FB0]  }
0x2e: {  	s3 =	simm.s32 @!p0 $0x1082;
	s9 =	sld [smem:$0x3FB1]  }
0x2f: {  	lr =	sadd.s32 s0, s3;
	s0 =	sld [smem:$0x3FA8]  }
0x30: {  	s3 =	sld [smem:$0x3FAB]  }
0x31: {  	[smem:$0x3FB4] =	sst s10  }
0x32: {  	s10 =	sld [smem:$0x3FB2];
	_ =	sdelay $0x3  }
0x33: {  	p0 =	seq.s32 s10, $0x1;
	s10 =	sld [smem:$0x3FB4];
	_ =	sdelay $0x3  }
0x34: {  	[smem:$0x3FB4] =	sst s10  }
0x35: {  	s10 =	sld [smem:$0x3FB3];
	_ =	sdelay $0x3  }
0x36: {  	p1 =	seq.s32 s10, $0x1;
	s10 =	sld [smem:$0x3FB4];
	_ =	sdelay $0x3  }
0x37: {  	[smem:$0x3FB4] =	sst s10  }
0x38: {  	s10 =	sld [smem:$0x3FB5]  }
0x39: {  	_ = 	snop;
	(pc) =	sbr.ind lr, $3  }
0x3a: {  	_ = 	snop  }
0x3b: {  	_ = 	snop  }
0x3c: {  	p2 =	seq.s32 s10, $0x1;
	s10 =	sld [smem:$0x3FB4]  }
0x3d: {  	_ =	shalt  }
0x3e: {  	_ =	shalt  }
0x3f: {  	_ =	shalt  }
0x40: {  	_ =	shalt  }
0x41: {  	_ =	shalt  }
0x42: {  	_ =	shalt  }
0x43: {  	_ =	shalt  }
0x44: {  	_ =	shalt  }
0x45: {  	_ =	shalt  }
0x46: {  	_ =	shalt  }
0x47: {  	_ =	shalt  }
0x48: {  	_ =	shalt  }
0x49: {  	_ =	shalt  }
0x4a: {  	_ =	shalt  }
0x4b: {  	_ =	shalt  }
0x4c: {  	_ =	shalt  }
0x4d: {  	_ =	shalt  }
0x4e: {  	_ =	shalt  }
0x4f: {  	_ =	shalt  }
0x50: {  	_ =	shalt  }
0x51: {  	_ =	shalt  }
0x52: {  	_ =	shalt  }
0x53: {  	_ =	shalt  }
0x54: {  	_ =	shalt  }
0x55: {  	_ =	shalt  }
0x56: {  	_ =	shalt  }
0x57: {  	_ =	shalt  }
0x58: {  	_ =	shalt  }
0x59: {  	_ =	shalt  }
0x5a: {  	_ =	shalt  }
0x5b: {  	_ =	shalt  }
0x5c: {  	_ =	shalt  }
0x5d: {  	_ =	shalt  }
0x5e: {  	_ =	shalt  }
0x5f: {  	_ =	shalt  }
0x60: {  	_ =	shalt  }
0x61: {  	_ =	shalt  }
0x62: {  	_ =	shalt  }
0x63: {  	_ =	shalt  }
0x64: {  	_ =	shalt  }
0x65: {  	_ =	shalt  }
0x66: {  	_ =	shalt  }
0x67: {  	_ =	shalt  }
0x68: {  	_ =	shalt  }
0x69: {  	_ =	shalt  }
0x6a: {  	_ =	shalt  }
0x6b: {  	_ =	shalt  }
0x6c: {  	_ =	shalt  }
0x6d: {  	_ =	shalt  }
0x6e: {  	_ =	shalt  }
0x6f: {  	_ =	shalt  }
0x70: {  	_ =	shalt  }
0x71: {  	_ =	shalt  }
0x72: {  	_ =	shalt  }
0x73: {  	_ =	shalt  }
0x74: {  	_ =	shalt  }
0x75: {  	_ =	shalt  }
0x76: {  	_ =	shalt  }
0x77: {  	_ =	shalt  }
0x78: {  	_ =	shalt  }
0x79: {  	_ =	shalt  }
0x7a: {  	_ =	shalt  }
0x7b: {  	_ =	shalt  }
0x7c: {  	_ =	shalt  }
0x7d: {  	_ =	shalt  }
0x7e: {  	_ =	shalt  }
0x7f: {  	_ =	shalt  }
0x80: {  	_ =	shalt  }
0x81: {  	_ =	shalt  }
0x82: {  	_ =	shalt  }
0x83: {  	_ =	shalt  }
0x84: {  	_ =	shalt  }
0x85: {  	_ =	shalt  }
0x86: {  	_ =	shalt  }
0x87: {  	_ =	shalt  }
.Lfunc_end0:
.L_simem_size_0:
called_computation.1_lowered:
.L_overlay_start_0:
0x88: {  	s2 =	sld [smem:$0x3FD9]  }
0x89: {  	s3 =	sld [smem:$0x3FFE];
	_ =	sdelay $0x1  }
0x8a: {  	s1 =	srdreg.scid  }
0x8b: {  	s0 =	sand.u32 $0x1, s1  }
0x8c: {  	s16 =	sshll.u32 s0, $0xA;
	s2 =	sadd.s32 s3, s2  }
0x8d: {  	s2 =	sadd.s32 s2, s16  }
0x8e: {  	[smem:$0x3FC0] =	sst s2  }
0x8f: {  	_ = 	snop  }
0x90: {  	(tm) =	ssettm $0x1  }
0x91: {  	s17 =	sld [smem:$0x3FFB];
	_ =	sdelay $0x3  }
0x92: {  	_ =	strace s17  }
0x93: {  	s2 =	sld [smem:$0x3FFC];
	_ =	sdelay $0x3  }
0x94: {  	_ =	strace s2  }
0x95: {  	s2 =	sld [smem:$0x3FFD];
	_ =	sdelay $0x3  }
0x96: {  	_ =	strace s2  }
0x97: {  	_ =	strace $0x8FFFFFFF  }
0x98: {  	s18 =	sld [smem:$0x3FDB];
	_ =	sdelay $0x1  }
0x99: {  	s19 =	simm.s32 $_scs_section_size  }
0x9a: {  	s4 =	simm.s32 $_size__tile_overlayer_lowered;
	s5 =	simm.s32 $_tile_overlayer_lowered  }
0x9b: {  	s22 =	simm.s32 $0x1BFF;
	s21 =	sshll.u32 s5, $0x1;
	s2 =	sadd.s32 s19, s18  }
0x9c: {  	s6 =	simm.s32 $0x0;
	s20 =	sshll.u32 s4, $0x1;
	s4 =	sadd.s32 s21, s2  }
0x9d: {  	[timem:s6], [sflag:s22] =	dma.local [hbm:s4], s20  }
0x9e: {  	_ =	swait.ge [sflag:s22], s20  }
0x9f: {  	s3 =	ssub.s32 $0x0, s20;
	[sflag:s22] =	ssyncset.done $0x0  }
0xa0: {  	[sflag:s22] =	ssyncadd.s32 s3;
	_ =	sdelay $0x1  }
0xa1: {  	s23 =	simm.s32 $0x1B8B  }
0xa2: {  	_ =	swait.ge [sflag:s23], $0x1  }
0xa3: {  	[sflag:s23] =	ssyncset.done $0x0  }
0xa4: {  	s25 =	simm.s32 $0x1B8E;
	s24 =	sld [smem:$0x3FFE];
	[sflag:s23] =	ssyncadd.s32 $0xFFFFFFFF  }
0xa5: {  	s26 =	simm.s32 $execute0_lowered;
	[smem:$0x3FD2] =	sst s25  }
0xa6: {  	s4 =	sshll.u32 s26, $0x1;
	_ =	strace $0x80000049;
	[dreg:$0x1] =	wrdreg $0xFFFFFFFF  }
0xa7: {  	s28 =	simm.s32 $_size_execute0_lowered;
	s2 =	sadd.s32 s2, s4;
	[dreg:$0x0] =	wrdreg $0x0  }
0xa8: {  	s4 =	sshll.u32 s28, $0x1;
	[dreg:$0x2] =	wrdreg s2  }
0xa9: {  	[dreg:$0x3] =	wrdreg s4  }
0xaa: {  	[dreg:$0x4] =	wrdreg $0xC0  }
0xab: {  	_ =	task [dreg:s6], $0x5FFFF  }
0xac: {  	[dreg:$0x1] =	wrdreg $0xFFFFFFFF  }
0xad: {  	[dreg:$0x0] =	wrdreg $0x60  }
0xae: {  	[dreg:$0x2] =	wrdreg s24  }
0xaf: {  	[dreg:$0x3] =	wrdreg $0x7F000  }
0xb0: {  	[dreg:$0x4] =	wrdreg $0x81800  }
0xb1: {  	[dreg:$0x5] =	wrdreg $0x9  }
0xb2: {  	_ =	task.clear_ibuf [dreg:s6], $0x6FFFF;
	_ =	strace $0x90000049  }
0xb3: {  	s29 =	simm.s32 $0x9;
	_ =	strace $0x8000004B  }
0xb4: {  	_ =	swait.ge [sflag:s29], $0x1  }
0xb5: {  	[sflag:s29] =	ssyncadd.s32 $0xFFFFFFFF  }
0xb6: {  	_ =	strace $0x9000004B  }
0xb7: {  	_ =	sfence  }
0xb8: {  	s30 =	sld [smem:$0x0];
	_ =	sdelay $0x2  }
0xb9: {  	s31 =	sshll.u32 s1, $0xD;
	s1 =	sshrl.u32 s1, $0x2  }
0xba: {  	s3 =	sand.u32 $0x4000, s31;
	s1 =	sadd.s32 s1, s30  }
0xbb: {  	s0 =	sor.u32 s3, s0;
	s1 =	sshll.u32 s1, $0x11  }
0xbc: {  	s0 =	sor.u32 s1, s0  }
0xbd: {  	s0 =	sadd.s32 $0x8F2B, s0  }
0xbe: {  	[sflag:s0] =	ssyncadd.remote.s32 $0x1  }
0xbf: {  	_ =	sfence.sel $0xFFFF  }
0xc0: {  	[dreg:$0x0] =	wrdreg $0xFFFFFFFF;
	(pc) =	sbr.abs _section_cstart, $3  }
0xc1: {  	[dreg:$0x1] =	wrdreg $0xFFFFFFFF  }
0xc2: {  	_ =	task.clear_ibuf [dreg:s6], $0x2FFFF;
	_ =	strace $0x9FFFFFFF  }
0xc3: {  	(tm) =	ssettm $0x7FFFFFFF  }
tec
execute0_lowered:
.L_overlay_start_1:
0x0: {  	(tag) =	ssettag $0x1  }
0x1: {  	s0 =	rddreg [dreg:$0x0]  }
0x2: {  	s9 =	rddreg [dreg:$0x1];
	s1 =	srdreg.scid  }
0x3: {  	s3 =	rddreg [dreg:$0x2];
	s10 =	stileid.u32;
	s4 =	simm.s32 $0x0  }
0x4: {  	s13 =	simm.s32 $0x80;
	s14 =	simm.s32 $0x100;
	s15 =	simm.s32 $0x7A00  }
0x5: {  	s17 =	simm.s32 $0x3;
	s18 =	simm.s32 $0x4;
	s19 =	simm.s32 $0x5  }
0x6: {  	s20 =	simm.s32 $0x1;
	s21 =	simm.s32 $0x2;
	s22 =	simm.s32 $0x5000  }
0x7: {  	s23 =	simm.s32 $0x7800;
	s28 =	simm.s32 $0x180;
	s29 =	simm.s32 $0x7980  }
0x8: {  	s30 =	simm.s32 $0x2600;
	s31 =	simm.s32 $0x2680;
	s1 =	sand.u32 $0x1, s1  }
0x9: {  	s12 =	smul.u32 $0xA0, s10;
	[smem:$0x7FF] =	sst s4;
	s2 =	sshll.u32 s1, $0x4  }
0xa: {  	_ =	strace $0x8000004A;
	s6 =	ssub.s32 $0x2, s1;
	p0 =	seq.s32 s1, $0x0  }
0xb: {  	s5 =	sor.u32 s10, s2;
	s25 =	sshrl.u32 s6, $0x1;
	s10 =	smul.u32 $0x280, s10  }
0xc: {  	s8 =	sadd.s32 s12, s0;
	s5 =	smul.u32 $0x500, s5;
	s26 =	ssub.s32 s6, s25  }
0xd: {  	s25 =	simm.s32 $0x7880;
	s9 =	sadd.s32 s10, s9;
	s10 =	sadd.s32 s10, s3  }
0xe: {  	s11 =	smax.u32 s26, $0x1;
	s26 =	simm.s32 $0x7900;
	s7 =	sadd.s32 s5, s0  }
0xf: {  	s0 =	sadd.s32 s2, s0;
	s2 =	simm.s32 $0x0;
	s5 =	sadd.s32 $0x16C00, s7  }
0x10: {  	s6 =	sadd.s32 $0x1C00, s7;
	s7 =	sadd.s32 $0x16200, s8;
	s0 =	sadd.s32 $0xBC00, s0  }
0x11: {  	s8 =	sadd.s32 $0x16210, s8;
	s24 =	sadd.s32 s12, s0;
	s0 =	simm.s32 $0x2700  }
.LBB2_1:
0x12: {  	[tilespmem:s4], [sflag:$0x1] =	stream.linear.gather [hbm4b:s5+s4], $0x2780, $0x38;
	[tilespmem:$0x8400] =	vst v63  }
0x13: {  	s1 =	simm.s32 $0x2800  }
0x14: {  	[tilespmem:s1], [sflag:$0x2] =	stream.linear.gather [hbm4b:s6+s4], $0x2780, $0x38;
	[tilespmem:$0x8400] =	vst v63  }
0x15: {  	_ = 	snop  }
0x16: {  	[tilespmem:s15], [sflag:$0x3] =	stream.strided.gather [hbm4b:s7+s13], $0x280, s14, s13, $0x38;
	[tilespmem:$0x8400] =	vst v63  }
0x17: {  	s16 =	simm.s32 $0x7C80  }
0x18: {  	[tilespmem:s16], [sflag:$0x4] =	stream.strided.gather [hbm4b:s8+s13], $0x280, s14, s13, $0x38;
	[tilespmem:$0x8400] =	vst v63  }
0x19: {  	_ =	swait.ge [sflag:s17], $0x280  }
0x1a: {  	[sflag:s17] =	ssyncset.done $0x0  }
0x1b: {  	[sflag:s17] =	ssyncadd.s32 $0xFFFFFD80  }
0x1c: {  	_ =	swait.ge [sflag:s18], $0x280  }
0x1d: {  	[sflag:s18] =	ssyncset.done $0x0  }
0x1e: {  	s1 =	simm.s32 $0x0;
	[sflag:s18] =	ssyncadd.s32 $0xFFFFFD80  }
0x1f: {  	s12 =	simm.s32 $0x40;
	v0 =	vld [tilespmem:s1+$0x7C80]  }
.LBB2_2:
0x20: {  	p1 =	sne.s32 s12, $0x9C0;
	v1 =	vld [tilespmem:s1+$0x7A00];
	_ =	sdelay $0x2  }
.Ltmp0:
0x21: {  	(pc) =	sbr.rel @p1 .LBB2_2-.Ltmp0, $4  }
0x22: {  	_ = 	snop  }
0x23: {  	v1 =	vadd.f32 v0, v1  }
0x24: {  	s16 =	sshra.s32 s12, $0x2  }
0x25: {  	s12 =	sadd.s32 $0x40, s12;
	v0 =	vld [tilespmem:s16+$0x7C80];
	[tilespmem:s1+$0x7A00] =	vst v1;
	s1 =	smov.u32 s16  }
0x26: {  	v1 =	vld [tilespmem:s1+$0x7A00];
	_ =	sdelay $0x4  }
0x27: {  	v0 =	vadd.f32 v0, v1;
	_ =	sdelay $0x1  }
0x28: {  	[tilespmem:s1+$0x7A00] =	vst v0  }
0x29: {  	[spmem:s9] =	stream.linear.scatter [tilespmem:s15], [sflag:$0x5], $0x280, $0x38;
	[tilespmem:$0x8400] =	vst v63  }
0x2a: {  	_ =	swait.ge [sflag:s19], $0x280  }
0x2b: {  	[sflag:s19] =	ssyncset.done $0x0  }
0x2c: {  	v0 =	vimm.f32 @!p0 $0.0e+00;
	[sflag:s19] =	ssyncadd.s32 $0xFFFFFD80  }
0x2d: {  	[tilespmem:$0x7C80] =	vst @!p0 v0  }
0x2e: {  	[tilespmem:$0x7C90] =	vst @!p0 v0  }
0x2f: {  	[tilespmem:$0x7CA0] =	vst @!p0 v0  }
0x30: {  	[tilespmem:$0x7CB0] =	vst @!p0 v0  }
0x31: {  	[tilespmem:$0x7CC0] =	vst @!p0 v0  }
0x32: {  	[tilespmem:$0x7CD0] =	vst @!p0 v0  }
0x33: {  	[tilespmem:$0x7CE0] =	vst @!p0 v0  }
0x34: {  	[tilespmem:$0x7CF0] =	vst @!p0 v0  }
0x35: {  	[tilespmem:$0x7D00] =	vst @!p0 v0  }
0x36: {  	[tilespmem:$0x7D10] =	vst @!p0 v0  }
0x37: {  	[tilespmem:$0x7D20] =	vst @!p0 v0  }
0x38: {  	[tilespmem:$0x7D30] =	vst @!p0 v0  }
0x39: {  	[tilespmem:$0x7D40] =	vst @!p0 v0  }
0x3a: {  	[tilespmem:$0x7D50] =	vst @!p0 v0  }
0x3b: {  	[tilespmem:$0x7D60] =	vst @!p0 v0  }
0x3c: {  	[tilespmem:$0x7D70] =	vst @!p0 v0  }
0x3d: {  	[tilespmem:$0x7D80] =	vst @!p0 v0  }
0x3e: {  	[tilespmem:$0x7D90] =	vst @!p0 v0  }
0x3f: {  	[tilespmem:$0x7DA0] =	vst @!p0 v0  }
0x40: {  	[tilespmem:$0x7DB0] =	vst @!p0 v0  }
0x41: {  	[tilespmem:$0x7DC0] =	vst @!p0 v0  }
0x42: {  	[tilespmem:$0x7DD0] =	vst @!p0 v0  }
0x43: {  	[tilespmem:$0x7DE0] =	vst @!p0 v0  }
0x44: {  	[tilespmem:$0x7DF0] =	vst @!p0 v0  }
0x45: {  	[tilespmem:$0x7E00] =	vst @!p0 v0  }
0x46: {  	[tilespmem:$0x7E10] =	vst @!p0 v0  }
0x47: {  	[tilespmem:$0x7E20] =	vst @!p0 v0  }
0x48: {  	[tilespmem:$0x7E30] =	vst @!p0 v0  }
0x49: {  	[tilespmem:$0x7E40] =	vst @!p0 v0  }
0x4a: {  	[tilespmem:$0x7E50] =	vst @!p0 v0  }
0x4b: {  	[tilespmem:$0x7E60] =	vst @!p0 v0  }
0x4c: {  	[tilespmem:$0x7E70] =	vst @!p0 v0  }
0x4d: {  	[tilespmem:$0x7E80] =	vst @!p0 v0  }
0x4e: {  	[tilespmem:$0x7E90] =	vst @!p0 v0  }
0x4f: {  	[tilespmem:$0x7EA0] =	vst @!p0 v0  }
0x50: {  	[tilespmem:$0x7EB0] =	vst @!p0 v0  }
0x51: {  	[tilespmem:$0x7EC0] =	vst @!p0 v0  }
0x52: {  	[tilespmem:$0x7ED0] =	vst @!p0 v0  }
0x53: {  	s1 =	simm.s32 @!p0 $0x7C80;
	[tilespmem:$0x7EE0] =	vst @!p0 v0  }
0x54: {  	s1 =	simm.s32 @p0 $0x7A00;
	[tilespmem:$0x7EF0] =	vst @!p0 v0  }
0x55: {  	[spmem:s10] =	stream.linear.scatter [tilespmem:s1], [sflag:$0x5], $0x280, $0x38;
	[tilespmem:$0x8400] =	vst v63  }
0x56: {  	_ =	swait.ge [sflag:s19], $0x280  }
0x57: {  	[sflag:s19] =	ssyncset.done $0x0  }
0x58: {  	[sflag:s19] =	ssyncadd.s32 $0xFFFFFD80  }
0x59: {  	_ =	swait.ge [sflag:s20], $0x2780  }
0x5a: {  	[sflag:s20] =	ssyncset.done $0x0  }
0x5b: {  	[sflag:s20] =	ssyncadd.s32 $0xFFFFD880  }
0x5c: {  	_ =	swait.ge [sflag:s21], $0x2780  }
0x5d: {  	[sflag:s21] =	ssyncset.done $0x0  }
0x5e: {  	[sflag:s21] =	ssyncadd.s32 $0xFFFFD880  }
0x5f: {  	[bflag:$0x0] =	sbarrier.arrive $0xFFFF  }
0x60: {  	s16 =	rddreg [dreg:$0x1]  }
0x61: {  	[tilespmem:s22], [sflag:$0x5] =	stream.linear.gather [spmem:s16], $0x2800, $0x38;
	[tilespmem:$0x8400] =	vst v63  }
0x62: {  	_ =	swait.ge [sflag:s19], $0x2800  }
0x63: {  	[sflag:s19] =	ssyncset.done $0x0  }
0x64: {  	[sflag:s19] =	ssyncadd.s32 $0xFFFFD800  }
0x65: {  	v33 =	vld [tilespmem:$0x2800];
	_ =	sdelay $0x5  }
0x66: {  	v34 =	vld [tilespmem:$0x2810];
	_ =	sdelay $0x1  }
0x67: {  	v0 =	vld.idx.msk [tilespmem:v33+s22+$0x0], $0xffff;
	_ =	sdelay $0x3  }
0x68: {  	v2 =	vld [tilespmem:$0x2820]  }
0x69: {  	[tilespmem:$0x7800] =	vst v0  }
0x6a: {  	v0 =	vld.idx.msk [tilespmem:v34+s22+$0x0], $0xffff;
	_ =	sdelay $0x3  }
0x6b: {  	v35 =	vld [tilespmem:$0x2830]  }
0x6c: {  	[tilespmem:$0x7810] =	vst v0  }
0x6d: {  	v0 =	vld.idx.msk [tilespmem:v2+s22+$0x0], $0xffff;
	_ =	sdelay $0x3  }
0x6e: {  	v36 =	vld [tilespmem:$0x2840]  }
0x6f: {  	[tilespmem:$0x7820] =	vst v0  }
0x70: {  	v0 =	vld.idx.msk [tilespmem:v35+s22+$0x0], $0xffff;
	_ =	sdelay $0x3  }
0x71: {  	v37 =	vld [tilespmem:$0x2850]  }
0x72: {  	[tilespmem:$0x7830] =	vst v0  }
0x73: {  	v0 =	vld.idx.msk [tilespmem:v36+s22+$0x0], $0xffff;
	_ =	sdelay $0x3  }
0x74: {  	v38 =	vld [tilespmem:$0x2860]  }
0x75: {  	[tilespmem:$0x7840] =	vst v0  }
0x76: {  	v0 =	vld.idx.msk [tilespmem:v37+s22+$0x0], $0xffff;
	_ =	sdelay $0x3  }
0x77: {  	v39 =	vld [tilespmem:$0x2870]  }
0x78: {  	[tilespmem:$0x7850] =	vst v0  }
0x79: {  	v0 =	vld.idx.msk [tilespmem:v38+s22+$0x0], $0xffff;
	_ =	sdelay $0x4  }
0x7a: {  	[tilespmem:$0x7860] =	vst v0  }
0x7b: {  	v0 =	vld.idx.msk [tilespmem:v39+s22+$0x0], $0xffff;
	_ =	sdelay $0x4  }
0x7c: {  	s1 =	simm.s32 $0x0;
	[tilespmem:$0x7870] =	vst v0  }
0x7d: {  	[spmem:s3] =	stream.indirect.scatter.add.f32 [tilespmem:s23], [sflag:$0x1], $0x1, s1, s13, $0xb8;
	[tilespmem:$0x8400] =	vst v63  }
0x7e: {  	v40 =	vld [tilespmem:$0x2880];
	_ =	sdelay $0x5  }
0x7f: {  	v41 =	vld [tilespmem:$0x2890];
	_ =	sdelay $0x1  }
0x80: {  	v0 =	vld.idx.msk [tilespmem:v40+s22+$0x0], $0xffff;
	_ =	sdelay $0x3  }
0x81: {  	v42 =	vld [tilespmem:$0x28A0]  }
0x82: {  	[tilespmem:$0x7880] =	vst v0  }
0x83: {  	v0 =	vld.idx.msk [tilespmem:v41+s22+$0x0], $0xffff;
	_ =	sdelay $0x3  }
0x84: {  	v43 =	vld [tilespmem:$0x28B0]  }
0x85: {  	[tilespmem:$0x7890] =	vst v0  }
0x86: {  	v0 =	vld.idx.msk [tilespmem:v42+s22+$0x0], $0xffff;
	_ =	sdelay $0x3  }
0x87: {  	v44 =	vld [tilespmem:$0x28C0]  }
0x88: {  	[tilespmem:$0x78A0] =	vst v0  }
0x89: {  	v0 =	vld.idx.msk [tilespmem:v43+s22+$0x0], $0xffff;
	_ =	sdelay $0x3  }
0x8a: {  	v45 =	vld [tilespmem:$0x28D0]  }
0x8b: {  	[tilespmem:$0x78B0] =	vst v0  }
0x8c: {  	v0 =	vld.idx.msk [tilespmem:v44+s22+$0x0], $0xffff;
	_ =	sdelay $0x3  }
0x8d: {  	v46 =	vld [tilespmem:$0x28E0]  }
0x8e: {  	[tilespmem:$0x78C0] =	vst v0  }
0x8f: {  	v0 =	vld.idx.msk [tilespmem:v45+s22+$0x0], $0xffff;
	_ =	sdelay $0x3  }
0x90: {  	v47 =	vld [tilespmem:$0x28F0]  }
0x91: {  	[tilespmem:$0x78D0] =	vst v0  }
0x92: {  	v0 =	vld.idx.msk [tilespmem:v46+s22+$0x0], $0xffff;
	_ =	sdelay $0x4  }
0x93: {  	[tilespmem:$0x78E0] =	vst v0  }
0x94: {  	v0 =	vld.idx.msk [tilespmem:v47+s22+$0x0], $0xffff;
	_ =	sdelay $0x4  }
0x95: {  	[tilespmem:$0x78F0] =	vst v0  }
0x96: {  	[spmem:s3] =	stream.indirect.scatter.add.f32 [tilespmem:s25], [sflag:$0x2], $0x1, s13, s13, $0xb8;
	[tilespmem:$0x8400] =	vst v63  }
0x97: {  	v48 =	vld [tilespmem:$0x2900];
	_ =	sdelay $0x5  }
0x98: {  	v49 =	vld [tilespmem:$0x2910];
	_ =	sdelay $0x1  }
0x99: {  	v0 =	vld.idx.msk [tilespmem:v48+s22+$0x0], $0xffff;
	_ =	sdelay $0x3  }
0x9a: {  	v50 =	vld [tilespmem:$0x2920]  }
0x9b: {  	[tilespmem:$0x7900] =	vst v0  }
0x9c: {  	v0 =	vld.idx.msk [tilespmem:v49+s22+$0x0], $0xffff;
	_ =	sdelay $0x3  }
0x9d: {  	v51 =	vld [tilespmem:$0x2930]  }
0x9e: {  	[tilespmem:$0x7910] =	vst v0  }
0x9f: {  	v0 =	vld.idx.msk [tilespmem:v50+s22+$0x0], $0xffff;
	_ =	sdelay $0x3  }
0xa0: {  	v52 =	vld [tilespmem:$0x2940]  }
0xa1: {  	[tilespmem:$0x7920] =	vst v0  }
0xa2: {  	v0 =	vld.idx.msk [tilespmem:v51+s22+$0x0], $0xffff;
	_ =	sdelay $0x3  }
0xa3: {  	v53 =	vld [tilespmem:$0x2950]  }
0xa4: {  	[tilespmem:$0x7930] =	vst v0  }
0xa5: {  	v0 =	vld.idx.msk [tilespmem:v52+s22+$0x0], $0xffff;
	_ =	sdelay $0x3  }
0xa6: {  	v54 =	vld [tilespmem:$0x2960]  }
0xa7: {  	[tilespmem:$0x7940] =	vst v0  }
0xa8: {  	v0 =	vld.idx.msk [tilespmem:v53+s22+$0x0], $0xffff;
	_ =	sdelay $0x3  }
0xa9: {  	v55 =	vld [tilespmem:$0x2970]  }
0xaa: {  	[tilespmem:$0x7950] =	vst v0  }
0xab: {  	v0 =	vld.idx.msk [tilespmem:v54+s22+$0x0], $0xffff;
	_ =	sdelay $0x4  }
0xac: {  	[tilespmem:$0x7960] =	vst v0  }
0xad: {  	v0 =	vld.idx.msk [tilespmem:v55+s22+$0x0], $0xffff;
	_ =	sdelay $0x4  }
0xae: {  	[tilespmem:$0x7970] =	vst v0  }
0xaf: {  	[spmem:s3] =	stream.indirect.scatter.add.f32 [tilespmem:s26], [sflag:$0x3], $0x1, s14, s13, $0xb8;
	[tilespmem:$0x8400] =	vst v63  }
0xb0: {  	v56 =	vld [tilespmem:$0x2980];
	_ =	sdelay $0x5  }
0xb1: {  	v57 =	vld [tilespmem:$0x2990];
	_ =	sdelay $0x1  }
0xb2: {  	v0 =	vld.idx.msk [tilespmem:v56+s22+$0x0], $0xffff;
	_ =	sdelay $0x3  }
0xb3: {  	v58 =	vld [tilespmem:$0x29A0]  }
0xb4: {  	[tilespmem:$0x7980] =	vst v0  }
0xb5: {  	v0 =	vld.idx.msk [tilespmem:v57+s22+$0x0], $0xffff;
	_ =	sdelay $0x3  }
0xb6: {  	v59 =	vld [tilespmem:$0x29B0]  }
0xb7: {  	[tilespmem:$0x7990] =	vst v0  }
0xb8: {  	v0 =	vld.idx.msk [tilespmem:v58+s22+$0x0], $0xffff;
	_ =	sdelay $0x3  }
0xb9: {  	v60 =	vld [tilespmem:$0x29C0]  }
0xba: {  	[tilespmem:$0x79A0] =	vst v0  }
0xbb: {  	v0 =	vld.idx.msk [tilespmem:v59+s22+$0x0], $0xffff;
	_ =	sdelay $0x3  }
0xbc: {  	v61 =	vld [tilespmem:$0x29D0]  }
0xbd: {  	[tilespmem:$0x79B0] =	vst v0  }
0xbe: {  	v0 =	vld.idx.msk [tilespmem:v60+s22+$0x0], $0xffff;
	_ =	sdelay $0x3  }
0xbf: {  	v62 =	vld [tilespmem:$0x29E0]  }
0xc0: {  	[tilespmem:$0x79C0] =	vst v0  }
0xc1: {  	v0 =	vld.idx.msk [tilespmem:v61+s22+$0x0], $0xffff;
	_ =	sdelay $0x3  }
0xc2: {  	v63 =	vld [tilespmem:$0x29F0]  }
0xc3: {  	[tilespmem:$0x79D0] =	vst v0  }
0xc4: {  	v0 =	vld.idx.msk [tilespmem:v62+s22+$0x0], $0xffff;
	_ =	sdelay $0x4  }
0xc5: {  	[tilespmem:$0x79E0] =	vst v0  }
0xc6: {  	v0 =	vld.idx.msk [tilespmem:v63+s22+$0x0], $0xffff;
	_ =	sdelay $0x4  }
0xc7: {  	[tilespmem:$0x79F0] =	vst v0  }
0xc8: {  	[spmem:s3] =	stream.indirect.scatter.add.f32 [tilespmem:s29], [sflag:$0x4], $0x1, s28, s13, $0xb8;
	[tilespmem:$0x8400] =	vst v63  }
.LBB2_4:
0xc9: {  	_ =	swait.ge [sflag:s20], $0x80  }
0xca: {  	[sflag:s20] =	ssyncset.done $0x0  }
0xcb: {  	s12 =	sshra.s32 s1, $0x2;
	[sflag:s20] =	ssyncadd.s32 $0xFFFFFF80  }
0xcc: {  	v0 =	vld [tilespmem:s12+$0x2A00];
	_ =	sdelay $0x7  }
0xcd: {  	v0 =	vld.idx.msk [tilespmem:v0+s22+$0x0], $0xffff;
	_ =	sdelay $0x4  }
0xce: {  	[tilespmem:$0x7800] =	vst v0  }
0xcf: {  	v0 =	vld [tilespmem:s12+$0x2A10];
	_ =	sdelay $0x7  }
0xd0: {  	v0 =	vld.idx.msk [tilespmem:v0+s22+$0x0], $0xffff;
	_ =	sdelay $0x4  }
0xd1: {  	[tilespmem:$0x7810] =	vst v0  }
0xd2: {  	v0 =	vld [tilespmem:s12+$0x2A20];
	_ =	sdelay $0x7  }
0xd3: {  	v0 =	vld.idx.msk [tilespmem:v0+s22+$0x0], $0xffff;
	_ =	sdelay $0x4  }
0xd4: {  	[tilespmem:$0x7820] =	vst v0  }
0xd5: {  	v0 =	vld [tilespmem:s12+$0x2A30];
	_ =	sdelay $0x7  }
0xd6: {  	v0 =	vld.idx.msk [tilespmem:v0+s22+$0x0], $0xffff;
	_ =	sdelay $0x4  }
0xd7: {  	[tilespmem:$0x7830] =	vst v0  }
0xd8: {  	v0 =	vld [tilespmem:s12+$0x2A40];
	_ =	sdelay $0x7  }
0xd9: {  	v0 =	vld.idx.msk [tilespmem:v0+s22+$0x0], $0xffff;
	_ =	sdelay $0x4  }
0xda: {  	[tilespmem:$0x7840] =	vst v0  }
0xdb: {  	v0 =	vld [tilespmem:s12+$0x2A50];
	_ =	sdelay $0x7  }
0xdc: {  	v0 =	vld.idx.msk [tilespmem:v0+s22+$0x0], $0xffff;
	_ =	sdelay $0x4  }
0xdd: {  	[tilespmem:$0x7850] =	vst v0  }
0xde: {  	v0 =	vld [tilespmem:s12+$0x2A60];
	_ =	sdelay $0x7  }
0xdf: {  	v0 =	vld.idx.msk [tilespmem:v0+s22+$0x0], $0xffff;
	_ =	sdelay $0x4  }
0xe0: {  	[tilespmem:$0x7860] =	vst v0  }
0xe1: {  	v0 =	vld [tilespmem:s12+$0x2A70];
	_ =	sdelay $0x7  }
0xe2: {  	v0 =	vld.idx.msk [tilespmem:v0+s22+$0x0], $0xffff;
	_ =	sdelay $0x4  }
0xe3: {  	s16 =	sadd.s32 $0x200, s12;
	[tilespmem:$0x7870] =	vst v0  }
0xe4: {  	[spmem:s3] =	stream.indirect.scatter.add.f32 [tilespmem:s23], [sflag:$0x1], $0x1, s16, s13, $0xb8;
	[tilespmem:$0x8400] =	vst v63  }
0xe5: {  	_ =	swait.ge [sflag:s21], $0x80  }
0xe6: {  	[sflag:s21] =	ssyncset.done $0x0  }
0xe7: {  	[sflag:s21] =	ssyncadd.s32 $0xFFFFFF80  }
0xe8: {  	v61 =	vld [tilespmem:s12+$0x2A80];
	_ =	sdelay $0x7  }
0xe9: {  	v0 =	vld.idx.msk [tilespmem:v61+s22+$0x0], $0xffff;
	_ =	sdelay $0x4  }
0xea: {  	[tilespmem:$0x7880] =	vst v0  }
0xeb: {  	v0 =	vld [tilespmem:s12+$0x2A90];
	_ =	sdelay $0x7  }
0xec: {  	v0 =	vld.idx.msk [tilespmem:v0+s22+$0x0], $0xffff;
	_ =	sdelay $0x4  }
0xed: {  	[tilespmem:$0x7890] =	vst v0  }
0xee: {  	v0 =	vld [tilespmem:s12+$0x2AA0];
	_ =	sdelay $0x7  }
0xef: {  	v0 =	vld.idx.msk [tilespmem:v0+s22+$0x0], $0xffff;
	_ =	sdelay $0x4  }
0xf0: {  	[tilespmem:$0x78A0] =	vst v0  }
0xf1: {  	v0 =	vld [tilespmem:s12+$0x2AB0];
	_ =	sdelay $0x7  }
0xf2: {  	v0 =	vld.idx.msk [tilespmem:v0+s22+$0x0], $0xffff;
	_ =	sdelay $0x4  }
0xf3: {  	[tilespmem:$0x78B0] =	vst v0  }
0xf4: {  	v0 =	vld [tilespmem:s12+$0x2AC0];
	_ =	sdelay $0x7  }
0xf5: {  	v0 =	vld.idx.msk [tilespmem:v0+s22+$0x0], $0xffff;
	_ =	sdelay $0x4  }
0xf6: {  	[tilespmem:$0x78C0] =	vst v0  }
0xf7: {  	v0 =	vld [tilespmem:s12+$0x2AD0];
	_ =	sdelay $0x7  }
0xf8: {  	v0 =	vld.idx.msk [tilespmem:v0+s22+$0x0], $0xffff;
	_ =	sdelay $0x4  }
0xf9: {  	[tilespmem:$0x78D0] =	vst v0  }
0xfa: {  	v0 =	vld [tilespmem:s12+$0x2AE0];
	_ =	sdelay $0x7  }
0xfb: {  	v0 =	vld.idx.msk [tilespmem:v0+s22+$0x0], $0xffff;
	_ =	sdelay $0x4  }
0xfc: {  	[tilespmem:$0x78E0] =	vst v0  }
0xfd: {  	v0 =	vld [tilespmem:s12+$0x2AF0];
	_ =	sdelay $0x7  }
0xfe: {  	v0 =	vld.idx.msk [tilespmem:v0+s22+$0x0], $0xffff;
	_ =	sdelay $0x4  }
0xff: {  	s16 =	sadd.s32 $0x280, s12;
	[tilespmem:$0x78F0] =	vst v0  }
0x100: {  	[spmem:s3] =	stream.indirect.scatter.add.f32 [tilespmem:s25], [sflag:$0x2], $0x1, s16, s13, $0xb8;
	[tilespmem:$0x8400] =	vst v63  }
0x101: {  	_ =	swait.ge [sflag:s17], $0x80  }
0x102: {  	[sflag:s17] =	ssyncset.done $0x0  }
0x103: {  	[sflag:s17] =	ssyncadd.s32 $0xFFFFFF80  }
0x104: {  	v62 =	vld [tilespmem:s12+$0x2B00];
	_ =	sdelay $0x7  }
0x105: {  	v0 =	vld.idx.msk [tilespmem:v62+s22+$0x0], $0xffff;
	_ =	sdelay $0x4  }
0x106: {  	[tilespmem:$0x7900] =	vst v0  }
0x107: {  	v0 =	vld [tilespmem:s12+$0x2B10];
	_ =	sdelay $0x7  }
0x108: {  	v0 =	vld.idx.msk [tilespmem:v0+s22+$0x0], $0xffff;
	_ =	sdelay $0x4  }
0x109: {  	[tilespmem:$0x7910] =	vst v0  }
0x10a: {  	v0 =	vld [tilespmem:s12+$0x2B20];
	_ =	sdelay $0x7  }
0x10b: {  	v0 =	vld.idx.msk [tilespmem:v0+s22+$0x0], $0xffff;
	_ =	sdelay $0x4  }
0x10c: {  	[tilespmem:$0x7920] =	vst v0  }
0x10d: {  	v0 =	vld [tilespmem:s12+$0x2B30];
	_ =	sdelay $0x7  }
0x10e: {  	v0 =	vld.idx.msk [tilespmem:v0+s22+$0x0], $0xffff;
	_ =	sdelay $0x4  }
0x10f: {  	[tilespmem:$0x7930] =	vst v0  }
0x110: {  	v0 =	vld [tilespmem:s12+$0x2B40];
	_ =	sdelay $0x7  }
0x111: {  	v0 =	vld.idx.msk [tilespmem:v0+s22+$0x0], $0xffff;
	_ =	sdelay $0x4  }
0x112: {  	[tilespmem:$0x7940] =	vst v0  }
0x113: {  	v0 =	vld [tilespmem:s12+$0x2B50];
	_ =	sdelay $0x7  }
0x114: {  	v0 =	vld.idx.msk [tilespmem:v0+s22+$0x0], $0xffff;
	_ =	sdelay $0x4  }
0x115: {  	[tilespmem:$0x7950] =	vst v0  }
0x116: {  	v0 =	vld [tilespmem:s12+$0x2B60];
	_ =	sdelay $0x7  }
0x117: {  	v0 =	vld.idx.msk [tilespmem:v0+s22+$0x0], $0xffff;
	_ =	sdelay $0x4  }
0x118: {  	[tilespmem:$0x7960] =	vst v0  }
0x119: {  	v0 =	vld [tilespmem:s12+$0x2B70];
	_ =	sdelay $0x7  }
0x11a: {  	v0 =	vld.idx.msk [tilespmem:v0+s22+$0x0], $0xffff;
	_ =	sdelay $0x4  }
0x11b: {  	s16 =	sadd.s32 $0x300, s12;
	[tilespmem:$0x7970] =	vst v0  }
0x11c: {  	[spmem:s3] =	stream.indirect.scatter.add.f32 [tilespmem:s26], [sflag:$0x3], $0x1, s16, s13, $0xb8;
	[tilespmem:$0x8400] =	vst v63  }
0x11d: {  	_ =	swait.ge [sflag:s18], $0x80  }
0x11e: {  	[sflag:s18] =	ssyncset.done $0x0  }
0x11f: {  	[sflag:s18] =	ssyncadd.s32 $0xFFFFFF80  }
0x120: {  	v63 =	vld [tilespmem:s12+$0x2B80];
	_ =	sdelay $0x7  }
0x121: {  	v0 =	vld.idx.msk [tilespmem:v63+s22+$0x0], $0xffff;
	_ =	sdelay $0x4  }
0x122: {  	[tilespmem:$0x7980] =	vst v0  }
0x123: {  	v0 =	vld [tilespmem:s12+$0x2B90];
	_ =	sdelay $0x7  }
0x124: {  	v0 =	vld.idx.msk [tilespmem:v0+s22+$0x0], $0xffff;
	_ =	sdelay $0x4  }
0x125: {  	[tilespmem:$0x7990] =	vst v0  }
0x126: {  	v0 =	vld [tilespmem:s12+$0x2BA0];
	_ =	sdelay $0x7  }
0x127: {  	v0 =	vld.idx.msk [tilespmem:v0+s22+$0x0], $0xffff;
	_ =	sdelay $0x4  }
0x128: {  	[tilespmem:$0x79A0] =	vst v0  }
0x129: {  	v0 =	vld [tilespmem:s12+$0x2BB0];
	_ =	sdelay $0x7  }
0x12a: {  	v0 =	vld.idx.msk [tilespmem:v0+s22+$0x0], $0xffff;
	_ =	sdelay $0x4  }
0x12b: {  	[tilespmem:$0x79B0] =	vst v0  }
0x12c: {  	v0 =	vld [tilespmem:s12+$0x2BC0];
	_ =	sdelay $0x7  }
0x12d: {  	v0 =	vld.idx.msk [tilespmem:v0+s22+$0x0], $0xffff;
	_ =	sdelay $0x4  }
0x12e: {  	[tilespmem:$0x79C0] =	vst v0  }
0x12f: {  	v0 =	vld [tilespmem:s12+$0x2BD0];
	_ =	sdelay $0x7  }
0x130: {  	v0 =	vld.idx.msk [tilespmem:v0+s22+$0x0], $0xffff;
	_ =	sdelay $0x4  }
0x131: {  	[tilespmem:$0x79D0] =	vst v0  }
0x132: {  	v0 =	vld [tilespmem:s12+$0x2BE0];
	_ =	sdelay $0x7  }
0x133: {  	v0 =	vld.idx.msk [tilespmem:v0+s22+$0x0], $0xffff;
	_ =	sdelay $0x4  }
0x134: {  	[tilespmem:$0x79E0] =	vst v0  }
0x135: {  	v0 =	vld [tilespmem:s12+$0x2BF0];
	_ =	sdelay $0x7  }
0x136: {  	v0 =	vld.idx.msk [tilespmem:v0+s22+$0x0], $0xffff  }
0x137: {  	p1 =	sne.s32 s1, $0x8800  }
.Ltmp1:
0x138: {  	_ = 	snop;
	(pc) =	sbr.rel @p1 .LBB2_4-.Ltmp1, $3  }
0x139: {  	_ =	sdelay $0x1  }
0x13a: {  	s1 =	sadd.s32 $0x800, s1;
	s12 =	sadd.s32 $0x380, s12;
	[tilespmem:$0x79F0] =	vst v0  }
0x13b: {  	[spmem:s3] =	stream.indirect.scatter.add.f32 [tilespmem:s29], [sflag:$0x4], $0x1, s12, s13, $0xb8;
	[tilespmem:$0x8400] =	vst v63  }
0x13c: {  	_ =	swait.ge [sflag:s20], $0x80  }
0x13d: {  	[sflag:s20] =	ssyncset.done $0x0  }
0x13e: {  	[sflag:s20] =	ssyncadd.s32 $0xFFFFFF80  }
0x13f: {  	v0 =	vld [tilespmem:$0x4E00];
	_ =	sdelay $0x5  }
0x140: {  	v1 =	vld [tilespmem:$0x4E10];
	_ =	sdelay $0x1  }
0x141: {  	v0 =	vld.idx.msk [tilespmem:v0+s22+$0x0], $0xffff;
	_ =	sdelay $0x3  }
0x142: {  	v2 =	vld [tilespmem:$0x4E20]  }
0x143: {  	[tilespmem:$0x7800] =	vst v0  }
0x144: {  	v0 =	vld.idx.msk [tilespmem:v1+s22+$0x0], $0xffff;
	_ =	sdelay $0x3  }
0x145: {  	v43 =	vld [tilespmem:$0x4E30]  }
0x146: {  	[tilespmem:$0x7810] =	vst v0  }
0x147: {  	v0 =	vld.idx.msk [tilespmem:v2+s22+$0x0], $0xffff;
	_ =	sdelay $0x3  }
0x148: {  	v44 =	vld [tilespmem:$0x4E40]  }
0x149: {  	[tilespmem:$0x7820] =	vst v0  }
0x14a: {  	v0 =	vld.idx.msk [tilespmem:v43+s22+$0x0], $0xffff;
	_ =	sdelay $0x3  }
0x14b: {  	v45 =	vld [tilespmem:$0x4E50]  }
0x14c: {  	[tilespmem:$0x7830] =	vst v0  }
0x14d: {  	v0 =	vld.idx.msk [tilespmem:v44+s22+$0x0], $0xffff;
	_ =	sdelay $0x3  }
0x14e: {  	v46 =	vld [tilespmem:$0x4E60]  }
0x14f: {  	[tilespmem:$0x7840] =	vst v0  }
0x150: {  	v0 =	vld.idx.msk [tilespmem:v45+s22+$0x0], $0xffff;
	_ =	sdelay $0x3  }
0x151: {  	v47 =	vld [tilespmem:$0x4E70]  }
0x152: {  	[tilespmem:$0x7850] =	vst v0  }
0x153: {  	v0 =	vld.idx.msk [tilespmem:v46+s22+$0x0], $0xffff;
	_ =	sdelay $0x4  }
0x154: {  	[tilespmem:$0x7860] =	vst v0  }
0x155: {  	v0 =	vld.idx.msk [tilespmem:v47+s22+$0x0], $0xffff;
	_ =	sdelay $0x4  }
0x156: {  	[tilespmem:$0x7870] =	vst v0  }
0x157: {  	[spmem:s3] =	stream.indirect.scatter.add.f32 [tilespmem:s23], [sflag:$0x1], $0x1, s30, s13, $0xb8;
	[tilespmem:$0x8400] =	vst v63  }
0x158: {  	_ =	swait.ge [sflag:s21], $0x80  }
0x159: {  	[sflag:s21] =	ssyncset.done $0x0  }
0x15a: {  	[sflag:s21] =	ssyncadd.s32 $0xFFFFFF80  }
0x15b: {  	v48 =	vld [tilespmem:$0x4E80];
	_ =	sdelay $0x5  }
0x15c: {  	v49 =	vld [tilespmem:$0x4E90];
	_ =	sdelay $0x1  }
0x15d: {  	v0 =	vld.idx.msk [tilespmem:v48+s22+$0x0], $0xffff;
	_ =	sdelay $0x3  }
0x15e: {  	v50 =	vld [tilespmem:$0x4EA0]  }
0x15f: {  	[tilespmem:$0x7880] =	vst v0  }
0x160: {  	v0 =	vld.idx.msk [tilespmem:v49+s22+$0x0], $0xffff;
	_ =	sdelay $0x3  }
0x161: {  	v51 =	vld [tilespmem:$0x4EB0]  }
0x162: {  	[tilespmem:$0x7890] =	vst v0  }
0x163: {  	v0 =	vld.idx.msk [tilespmem:v50+s22+$0x0], $0xffff;
	_ =	sdelay $0x3  }
0x164: {  	v52 =	vld [tilespmem:$0x4EC0]  }
0x165: {  	[tilespmem:$0x78A0] =	vst v0  }
0x166: {  	v0 =	vld.idx.msk [tilespmem:v51+s22+$0x0], $0xffff;
	_ =	sdelay $0x3  }
0x167: {  	v53 =	vld [tilespmem:$0x4ED0]  }
0x168: {  	[tilespmem:$0x78B0] =	vst v0  }
0x169: {  	v0 =	vld.idx.msk [tilespmem:v52+s22+$0x0], $0xffff;
	_ =	sdelay $0x3  }
0x16a: {  	v54 =	vld [tilespmem:$0x4EE0]  }
0x16b: {  	[tilespmem:$0x78C0] =	vst v0  }
0x16c: {  	v0 =	vld.idx.msk [tilespmem:v53+s22+$0x0], $0xffff;
	_ =	sdelay $0x3  }
0x16d: {  	v55 =	vld [tilespmem:$0x4EF0]  }
0x16e: {  	[tilespmem:$0x78D0] =	vst v0  }
0x16f: {  	v0 =	vld.idx.msk [tilespmem:v54+s22+$0x0], $0xffff;
	_ =	sdelay $0x4  }
0x170: {  	[tilespmem:$0x78E0] =	vst v0  }
0x171: {  	v0 =	vld.idx.msk [tilespmem:v55+s22+$0x0], $0xffff;
	_ =	sdelay $0x4  }
0x172: {  	[tilespmem:$0x78F0] =	vst v0  }
0x173: {  	[spmem:s3] =	stream.indirect.scatter.add.f32 [tilespmem:s25], [sflag:$0x2], $0x1, s31, s13, $0xb8;
	[tilespmem:$0x8400] =	vst v63  }
0x174: {  	_ =	swait.ge [sflag:s17], $0x80  }
0x175: {  	[sflag:s17] =	ssyncset.done $0x0  }
0x176: {  	[sflag:s17] =	ssyncadd.s32 $0xFFFFFF80  }
0x177: {  	v56 =	vld [tilespmem:$0x4F00];
	_ =	sdelay $0x5  }
0x178: {  	v57 =	vld [tilespmem:$0x4F10];
	_ =	sdelay $0x1  }
0x179: {  	v0 =	vld.idx.msk [tilespmem:v56+s22+$0x0], $0xffff;
	_ =	sdelay $0x3  }
0x17a: {  	v58 =	vld [tilespmem:$0x4F20]  }
0x17b: {  	[tilespmem:$0x7900] =	vst v0  }
0x17c: {  	v0 =	vld.idx.msk [tilespmem:v57+s22+$0x0], $0xffff;
	_ =	sdelay $0x3  }
0x17d: {  	v59 =	vld [tilespmem:$0x4F30]  }
0x17e: {  	[tilespmem:$0x7910] =	vst v0  }
0x17f: {  	v0 =	vld.idx.msk [tilespmem:v58+s22+$0x0], $0xffff;
	_ =	sdelay $0x3  }
0x180: {  	v60 =	vld [tilespmem:$0x4F40]  }
0x181: {  	[tilespmem:$0x7920] =	vst v0  }
0x182: {  	v0 =	vld.idx.msk [tilespmem:v59+s22+$0x0], $0xffff;
	_ =	sdelay $0x3  }
0x183: {  	v61 =	vld [tilespmem:$0x4F50]  }
0x184: {  	[tilespmem:$0x7930] =	vst v0  }
0x185: {  	v0 =	vld.idx.msk [tilespmem:v60+s22+$0x0], $0xffff;
	_ =	sdelay $0x3  }
0x186: {  	v62 =	vld [tilespmem:$0x4F60]  }
0x187: {  	[tilespmem:$0x7940] =	vst v0  }
0x188: {  	v0 =	vld.idx.msk [tilespmem:v61+s22+$0x0], $0xffff;
	_ =	sdelay $0x3  }
0x189: {  	v63 =	vld [tilespmem:$0x4F70]  }
0x18a: {  	[tilespmem:$0x7950] =	vst v0  }
0x18b: {  	v0 =	vld.idx.msk [tilespmem:v62+s22+$0x0], $0xffff;
	_ =	sdelay $0x4  }
0x18c: {  	[tilespmem:$0x7960] =	vst v0  }
0x18d: {  	v0 =	vld.idx.msk [tilespmem:v63+s22+$0x0], $0xffff;
	_ =	sdelay $0x4  }
0x18e: {  	[tilespmem:$0x7970] =	vst v0  }
0x18f: {  	[spmem:s3] =	stream.indirect.scatter.add.f32 [tilespmem:s26], [sflag:$0x3], $0x1, s0, s13, $0xb8;
	[tilespmem:$0x8400] =	vst v63  }
0x190: {  	_ =	swait.ge [sflag:s20], $0x80  }
0x191: {  	[sflag:s20] =	ssyncset.done $0x0  }
0x192: {  	[sflag:s20] =	ssyncadd.s32 $0xFFFFFF80  }
0x193: {  	_ =	swait.ge [sflag:s21], $0x80  }
0x194: {  	[sflag:s21] =	ssyncset.done $0x0  }
0x195: {  	[sflag:s21] =	ssyncadd.s32 $0xFFFFFF80  }
0x196: {  	_ =	swait.ge [sflag:s17], $0x80  }
0x197: {  	[sflag:s17] =	ssyncset.done $0x0  }
0x198: {  	[sflag:s17] =	ssyncadd.s32 $0xFFFFFF80  }
0x199: {  	_ =	swait.ge [sflag:s18], $0x80  }
0x19a: {  	[sflag:s18] =	ssyncset.done $0x0  }
0x19b: {  	[sflag:s18] =	ssyncadd.s32 $0xFFFFFF80  }
0x19c: {  	[bflag:$0x0] =	sbarrier.arrive $0xFFFF  }
0x19d: {  	[tilespmem:s15], [sflag:$0x5] =	stream.linear.gather [spmem:s10], $0x280, $0x38;
	[tilespmem:$0x8400] =	vst v63  }
0x19e: {  	s2 =	sadd.s32 $0x1, s2;
	_ =	swait.ge [sflag:s19], $0x280  }
0x19f: {  	p1 =	sne.s32 s2, s11;
	[sflag:s19] =	ssyncset.done $0x0  }
.Ltmp2:
0x1a0: {  	[sflag:s19] =	ssyncadd.s32 $0xFFFFFD80;
	(pc) =	sbr.rel @p1 .LBB2_1-.Ltmp2, $4  }
0x1a1: {  	[hbm4b:s24+s13] =	stream.strided.scatter [tilespmem:s15], [sflag:$0x5], $0x280, s14, s13, $0x38;
	[tilespmem:$0x8400] =	vst v63  }
0x1a2: {  	_ =	swait.ge [sflag:s19], $0x280  }
0x1a3: {  	[sflag:s19] =	ssyncset.done $0x0  }
0x1a4: {  	[sflag:s19] =	ssyncadd.s32 $0xFFFFFD80  }
0x1a5: {  	_ =	sfence.sel $0x180000  }
0x1a6: {  	[bflag:$0x0] =	sbarrier.arrive $0xFFFF  }
0x1a7: {  	_ =	strace $0x9000004A  }
0x1a8: {  	s0 =	stileid.u32;
	[bflag:$0x2] =	sbarrier.arrive $0xFFFF  }
0x1a9: {  	p0 =	sne.s32 s0, $0x0;
	s0 =	rddreg [dreg:$0x3]  }
0x1aa: {  	s0 =	sadd.s32 @!p0 $0x100000, s0  }
0x1ab: {  	[sflag:s0] =	ssyncadd.tile.s32 @!p0 $0x1;
	_ =	shalt  }
.Lfunc_end2:
_tile_overlayer_lowered:
.L_overlay_start_2:
0x1ac: {  	(tag) =	ssettag $0x2  }
0x1ad: {  	s0 =	rddreg [dreg:$0x0];
	s2 =	stileid.u32  }
0x1ae: {  	s1 =	rddreg [dreg:$0x1];
	p0 =	sne.s32 s2, $0x0  }
0x1af: {  	s3 =	rddreg [dreg:$0x2];
	[bflag:$0x3] =	sbarrier.arrive $0xFFFF;
	s2 =	simm.s32 @!p0 $0x1C05  }
0x1b0: {  	[timem:s3], [sflag:s2] =	dma.local @!p0 [hbm:s0], s1  }
0x1b1: {  	s0 =	simm.s32 @!p0 $0x5  }
0x1b2: {  	_ =	swait.ge @!p0 [sflag:s0], s1  }
0x1b3: {  	s1 =	ssub.s32 @!p0 $0x0, s1;
	[sflag:s0] =	ssyncset.done @!p0 $0x0  }
0x1b4: {  	[sflag:s0] =	ssyncadd.s32 @!p0 s1  }
0x1b5: {  	[bflag:$0x3] =	sbarrier.arrive $0xFFFF  }
0x1b6: {  	_ =	shalt  }

</sc_bundles>
